<compile_context>
chip_gen: v7x
topology: tpu7x:2x2x1
jax: 0.10.2.dev20260603
libtpu: 0.0.44.dev20260713+nightly
codegen_flags: <defaults>
</compile_context>

<pallas_src>
import functools

import jax
import jax.numpy as jnp
from jax import lax
from jax.experimental import pallas as pl
from jax.experimental.pallas import tpu as pltpu
from jax.experimental.pallas import tpu_sc as plsc

B, S, D = 4096, 200, 128
V = 100000
NC, NS, L = 2, 16, 16
NW = NC * NS
BPW = B // NW
HALF = 104
DW = D // 2
NCH = DW // L
VPW = V // NW
PCHUNK = 125

_mesh = plsc.VectorSubcoreMesh(core_axis_name="c", subcore_axis_name="s")
_params = pltpu.CompilerParams(use_tc_tiling_on_sc=False)


@functools.partial(
    pl.kernel,
    mesh=_mesh,
    out_type=jax.ShapeDtypeStruct((V, DW), jnp.int32),
    compiler_params=_params,
    scratch_types=[
        pltpu.VMEM((PCHUNK, D), jnp.float32),
        pltpu.VMEM((PCHUNK, D), jnp.float32),
        pltpu.VMEM((PCHUNK, DW), jnp.int32),
        pltpu.VMEM((PCHUNK, DW), jnp.int32),
        pltpu.SemaphoreType.DMA,
        pltpu.SemaphoreType.DMA,
        pltpu.SemaphoreType.DMA,
        pltpu.SemaphoreType.DMA,
    ],
)
def _pack_table(table_hbm, out_hbm, in0, in1, pk0, pk1,
                rsem0, rsem1, wsem0, wsem1):
    wid = lax.axis_index("s") * NC + lax.axis_index("c")
    base = wid * VPW
    nstep = VPW // PCHUNK

    def fetch(step, buf, rsem):
        pltpu.async_copy(
            table_hbm.at[pl.ds(base + step * PCHUNK, PCHUNK)], buf, rsem)

    def fwait(buf, rsem):
        pltpu.make_async_copy(table_hbm.at[pl.ds(0, PCHUNK)], buf, rsem).wait()

    def pack_chunk(step, buf, pk, wsem, wait_prev):
        @pl.when(wait_prev)
        def _():
            pltpu.make_async_copy(pk, out_hbm.at[pl.ds(0, PCHUNK)],
                                  wsem).wait()

        def row_body(q, carry):
            for u in range(5):
                r = q * 5 + u
                for c in range(NCH):
                    flo = buf[r, pl.ds(c * L, L)]
                    fhi = buf[r, pl.ds(DW + c * L, L)]
                    ilo = lax.bitcast_convert_type(flo, jnp.int32)
                    ihi = lax.bitcast_convert_type(fhi, jnp.int32)
                    lo = lax.shift_right_logical(ilo, 16)
                    hi = lax.bitwise_and(ihi, jnp.int32(-65536))
                    pk[r, pl.ds(c * L, L)] = lax.bitwise_or(hi, lo)
            return carry

        lax.fori_loop(0, PCHUNK // 5, row_body, 0)
        pltpu.async_copy(
            pk, out_hbm.at[pl.ds(base + step * PCHUNK, PCHUNK)], wsem)

    fetch(0, in0, rsem0)
    fetch(1, in1, rsem1)

    def pair_body(j, carry):
        s2 = j * 2
        fwait(in0, rsem0)
        pack_chunk(s2, in0, pk0, wsem0, j > 0)

        @pl.when(s2 + 2 < nstep)
        def _():
            fetch(s2 + 2, in0, rsem0)

        fwait(in1, rsem1)
        pack_chunk(s2 + 1, in1, pk1, wsem1, j > 0)

        @pl.when(s2 + 3 < nstep)
        def _():
            fetch(s2 + 3, in1, rsem1)

        return carry

    lax.fori_loop(0, nstep // 2, pair_body, 0)
    fwait(in0, rsem0)
    pack_chunk(nstep - 1, in0, pk0, wsem0, True)
    pltpu.make_async_copy(pk0, out_hbm.at[pl.ds(0, PCHUNK)], wsem0).wait()
    pltpu.make_async_copy(pk1, out_hbm.at[pl.ds(0, PCHUNK)], wsem1).wait()


def _fire(table_hbm, tok_v, rbuf, sem, i):
    pltpu.async_copy(table_hbm.at[tok_v.at[pl.ds(i * S, HALF)]],
                     rbuf.at[pl.ds(0, HALF)], sem)
    pltpu.async_copy(table_hbm.at[tok_v.at[pl.ds(i * S + HALF, S - HALF)]],
                     rbuf.at[pl.ds(HALF, S - HALF)], sem)


def _wait(table_hbm, tok_v, rbuf, sem, i):
    pltpu.make_async_copy(table_hbm.at[tok_v.at[pl.ds(i * S, HALF)]],
                          rbuf.at[pl.ds(0, HALF)], sem).wait()
    pltpu.make_async_copy(table_hbm.at[tok_v.at[pl.ds(i * S + HALF, S - HALF)]],
                          rbuf.at[pl.ds(HALF, S - HALF)], sem).wait()


def _accumulate(rbuf, out_v, i):
    def acc_body(q, accs):
        accs = list(accs)
        r = q * 4
        for u in range(4):
            for c in range(NCH):
                w = rbuf[r + u, pl.ds(c * L, L)]
                lo = lax.bitcast_convert_type(
                    lax.shift_left(w, 16), jnp.float32)
                hi = lax.bitcast_convert_type(w, jnp.float32)
                accs[c] = accs[c] + lo
                accs[NCH + c] = accs[NCH + c] + hi
        return tuple(accs)

    accs = lax.fori_loop(
        0, S // 4, acc_body,
        tuple(jnp.zeros((L,), jnp.float32) for _ in range(2 * NCH)))

    for c in range(NCH):
        out_v[i, pl.ds(c * L, L)] = accs[c] * (1.0 / S)
        out_v[i, pl.ds(D // 2 + c * L, L)] = accs[NCH + c] * (1.0 / S)


@functools.partial(
    pl.kernel,
    mesh=_mesh,
    out_type=jax.ShapeDtypeStruct((B, D), jnp.float32),
    compiler_params=_params,
    scratch_types=[
        pltpu.VMEM((BPW * S,), jnp.int32),
        pltpu.VMEM((S, DW), jnp.int32),
        pltpu.VMEM((S, DW), jnp.int32),
        pltpu.VMEM((BPW, D), jnp.float32),
        pltpu.SemaphoreType.DMA,
        pltpu.SemaphoreType.DMA,
    ],
)
def _embed_mean(tokens_hbm, table_hbm, out_hbm,
                tok_v, buf0, buf1, out_v, sem0, sem1):
    wid = lax.axis_index("s") * NC + lax.axis_index("c")
    base = wid * BPW
    pltpu.sync_copy(tokens_hbm.at[pl.ds(base * S, BPW * S)], tok_v)

    _fire(table_hbm, tok_v, buf0, sem0, 0)
    _fire(table_hbm, tok_v, buf1, sem1, 1)

    def pair_body(j, carry):
        i2 = j * 2
        _wait(table_hbm, tok_v, buf0, sem0, i2)
        _accumulate(buf0, out_v, i2)

        @pl.when(i2 + 2 < BPW)
        def _():
            _fire(table_hbm, tok_v, buf0, sem0, i2 + 2)

        _wait(table_hbm, tok_v, buf1, sem1, i2 + 1)
        _accumulate(buf1, out_v, i2 + 1)

        @pl.when(i2 + 3 < BPW)
        def _():
            _fire(table_hbm, tok_v, buf1, sem1, i2 + 3)

        return carry

    lax.fori_loop(0, BPW // 2, pair_body, 0)
    pltpu.sync_copy(out_v, out_hbm.at[pl.ds(base, BPW)])


def kernel(tokens, table):
    tok_flat = tokens.reshape(-1).astype(jnp.int32)
    tw = _pack_table(table)
    return _embed_mean(tok_flat, tw)

# --- scband reference (transcript-rebuilt; emitter-appended) ---
"""Pipeline reference for scband-text-encoder-2388001816976 (READ-ONLY COPY).

The authoritative reference and input builder live on the scoring server;
editing this copy changes nothing except your own understanding.
"""

import jax, jax.numpy as jnp
import numpy as np

VOCAB_SIZE = 100000
EMBED_DIM = 128
BATCH = 4096
SEQ = 200

def setup_inputs(seed: int = 0) -> dict:
    key = jax.random.key(seed)
    k1, k2 = jax.random.split(key)
    tokens = jax.random.randint(k1, (BATCH, SEQ), 0, VOCAB_SIZE, dtype=jnp.int64 if jax.config.jax_enable_x64 else jnp.int32)
    table = jax.random.normal(k2, (VOCAB_SIZE, EMBED_DIM), dtype=jnp.float32)
    return {"tokens": tokens, "table": table}

def reference(tokens, table):
    # nn.Embedding lookup
    x = jnp.take(table, tokens, axis=0)          # [B, L, D]
    # transpose(1,2) -> [B, D, L]; AdaptiveAvgPool1d(1) -> mean over L; squeeze(-1)
    out = jnp.mean(x, axis=1)                     # [B, D]
    return out

if __name__ == "__main__":
    import jax
    _d = setup_inputs()
    print(jax.jit(kernel)(*tuple(_d.values())))

</pallas_src>

<mosaic_0001>
#map = affine_map<(d0, d1) -> (0)>
#map1 = affine_map<(d0, d1) -> (0, 0)>
module attributes {stable_mosaic.version = 14 : i64} {
  func.func @_embed_mean(%arg0: i32, %arg1: i32, %arg2: memref<819200xi32, #tpu.memory_space<hbm>>, %arg3: memref<100000x64xi32, #tpu.memory_space<hbm>>, %arg4: memref<4096x128xf32, #tpu.memory_space<hbm>>, %arg5: memref<25600xi32, #tpu.memory_space<vmem>>, %arg6: memref<200x64xi32, #tpu.memory_space<vmem>>, %arg7: memref<200x64xi32, #tpu.memory_space<vmem>>, %arg8: memref<128x128xf32, #tpu.memory_space<vmem>>, %arg9: memref<!tpu.dma_semaphore, #tpu.memory_space<semaphore_mem>>, %arg10: memref<!tpu.dma_semaphore, #tpu.memory_space<semaphore_mem>>) attributes {dimension_semantics = [#tpu.dimension_semantics<core_parallel>, #tpu.dimension_semantics<subcore_parallel>], iteration_bounds = array<i64: 2, 16>, scalar_prefetch = 0 : i64, scratch_operands = 6 : i64, tpu.core_type = #tpu.core_type<sc_vector_subcore>, window_params = [{transform_indices = #map}, {transform_indices = #map1}, {transform_indices = #map1}]} {
    %mul3A = arith.constant 2 : i32
    %mul3A_0 = arith.muli %arg1, %mul3A : i32
    %add3A = arith.addi %mul3A_0, %arg0 : i32
    %mul3A_1 = arith.constant 128 : i32
    %mul3A_2 = arith.muli %add3A, %mul3A_1 : i32
    %mul3A_3 = arith.constant 200 : i32
    %mul3A_4 = arith.muli %mul3A_2, %mul3A_3 : i32
    "tpu.region"() ({
      %run_scoped3A = tpu.sem_alloc : memref<!tpu.dma_semaphore, #tpu.memory_space<semaphore_mem>>
      %dma_start3A_41 = tpu.memref_slice %arg2[%mul3A_4] : memref<819200xi32, #tpu.memory_space<hbm>> -> memref<25600xi32, #tpu.memory_space<hbm>>
      %dma_start3A_42 = tpu.memref_slice %arg2[%mul3A_4] : memref<819200xi32, #tpu.memory_space<hbm>> -> memref<25600xi32, #tpu.memory_space<hbm>>
      tpu.enqueue_dma source(%dma_start3A_42 : memref<25600xi32, #tpu.memory_space<hbm>>) target(%arg5 : memref<25600xi32, #tpu.memory_space<vmem>>) target_semaphore(%run_scoped3A : memref<!tpu.dma_semaphore, #tpu.memory_space<semaphore_mem>>)
      %dma_wait3A = tpu.memref_slice %arg2[%mul3A_4] : memref<819200xi32, #tpu.memory_space<hbm>> -> memref<25600xi32, #tpu.memory_space<hbm>>
      %dma_wait3A_43 = tpu.memref_slice %arg2[%mul3A_4] : memref<819200xi32, #tpu.memory_space<hbm>> -> memref<25600xi32, #tpu.memory_space<hbm>>
      tpu.wait_dma2 semaphore(%run_scoped3A : memref<!tpu.dma_semaphore, #tpu.memory_space<semaphore_mem>>) src(%dma_wait3A_43 : memref<25600xi32, #tpu.memory_space<hbm>>) dst(%arg5 : memref<25600xi32, #tpu.memory_space<vmem>>)
      tpu.yield
    }) : () -> ()
    %dma_start3A = arith.constant 0 : i32
    %dma_start3A_5 = arith.constant 0 : i32
    %dma_start3A_6 = tpu.memref_slice %arg6[%dma_start3A, %dma_start3A_5] : memref<200x64xi32, #tpu.memory_space<vmem>> -> memref<104x64xi32, #tpu.memory_space<vmem>>
    %dma_start3A_7 = arith.constant 0 : i32
    %dma_start3A_8 = tpu.memref_slice %arg5[%dma_start3A_7] : memref<25600xi32, #tpu.memory_space<vmem>> -> memref<104xi32, #tpu.memory_space<vmem>>
    %dma_start3A_9 = arith.constant 0 : i32
    %dma_start3A_10 = arith.constant 0 : i32
    %dma_start3A_11 = tpu.memref_slice %arg3[%dma_start3A_9, %dma_start3A_10] : memref<100000x64xi32, #tpu.memory_space<hbm>> -> memref<100000x64xi32, #tpu.memory_space<hbm>>
    tpu.enqueue_indirect_dma source(%dma_start3A_11 : memref<100000x64xi32, #tpu.memory_space<hbm>>) target(%dma_start3A_6 : memref<104x64xi32, #tpu.memory_space<vmem>>) offsets(%dma_start3A_8 : memref<104xi32, #tpu.memory_space<vmem>>) semaphore(%arg9 : memref<!tpu.dma_semaphore, #tpu.memory_space<semaphore_mem>>)
    %dma_start3A_12 = arith.constant 104 : i32
    %dma_start3A_13 = arith.constant 0 : i32
    %dma_start3A_14 = tpu.memref_slice %arg6[%dma_start3A_12, %dma_start3A_13] : memref<200x64xi32, #tpu.memory_space<vmem>> -> memref<96x64xi32, #tpu.memory_space<vmem>>
    %dma_start3A_15 = arith.constant 104 : i32
    %dma_start3A_16 = tpu.memref_slice %arg5[%dma_start3A_15] : memref<25600xi32, #tpu.memory_space<vmem>> -> memref<96xi32, #tpu.memory_space<vmem>>
    %dma_start3A_17 = arith.constant 0 : i32
    %dma_start3A_18 = arith.constant 0 : i32
    %dma_start3A_19 = tpu.memref_slice %arg3[%dma_start3A_17, %dma_start3A_18] : memref<100000x64xi32, #tpu.memory_space<hbm>> -> memref<100000x64xi32, #tpu.memory_space<hbm>>
    tpu.enqueue_indirect_dma source(%dma_start3A_19 : memref<100000x64xi32, #tpu.memory_space<hbm>>) target(%dma_start3A_14 : memref<96x64xi32, #tpu.memory_space<vmem>>) offsets(%dma_start3A_16 : memref<96xi32, #tpu.memory_space<vmem>>) semaphore(%arg9 : memref<!tpu.dma_semaphore, #tpu.memory_space<semaphore_mem>>)
    %dma_start3A_20 = arith.constant 0 : i32
    %dma_start3A_21 = arith.constant 0 : i32
    %dma_start3A_22 = tpu.memref_slice %arg7[%dma_start3A_20, %dma_start3A_21] : memref<200x64xi32, #tpu.memory_space<vmem>> -> memref<104x64xi32, #tpu.memory_space<vmem>>
    %dma_start3A_23 = arith.constant 200 : i32
    %dma_start3A_24 = tpu.memref_slice %arg5[%dma_start3A_23] : memref<25600xi32, #tpu.memory_space<vmem>> -> memref<104xi32, #tpu.memory_space<vmem>>
    %dma_start3A_25 = arith.constant 0 : i32
    %dma_start3A_26 = arith.constant 0 : i32
    %dma_start3A_27 = tpu.memref_slice %arg3[%dma_start3A_25, %dma_start3A_26] : memref<100000x64xi32, #tpu.memory_space<hbm>> -> memref<100000x64xi32, #tpu.memory_space<hbm>>
    tpu.enqueue_indirect_dma source(%dma_start3A_27 : memref<100000x64xi32, #tpu.memory_space<hbm>>) target(%dma_start3A_22 : memref<104x64xi32, #tpu.memory_space<vmem>>) offsets(%dma_start3A_24 : memref<104xi32, #tpu.memory_space<vmem>>) semaphore(%arg10 : memref<!tpu.dma_semaphore, #tpu.memory_space<semaphore_mem>>)
    %dma_start3A_28 = arith.constant 104 : i32
    %dma_start3A_29 = arith.constant 0 : i32
    %dma_start3A_30 = tpu.memref_slice %arg7[%dma_start3A_28, %dma_start3A_29] : memref<200x64xi32, #tpu.memory_space<vmem>> -> memref<96x64xi32, #tpu.memory_space<vmem>>
    %dma_start3A_31 = arith.constant 304 : i32
    %dma_start3A_32 = tpu.memref_slice %arg5[%dma_start3A_31] : memref<25600xi32, #tpu.memory_space<vmem>> -> memref<96xi32, #tpu.memory_space<vmem>>
    %dma_start3A_33 = arith.constant 0 : i32
    %dma_start3A_34 = arith.constant 0 : i32
    %dma_start3A_35 = tpu.memref_slice %arg3[%dma_start3A_33, %dma_start3A_34] : memref<100000x64xi32, #tpu.memory_space<hbm>> -> memref<100000x64xi32, #tpu.memory_space<hbm>>
    tpu.enqueue_indirect_dma source(%dma_start3A_35 : memref<100000x64xi32, #tpu.memory_space<hbm>>) target(%dma_start3A_30 : memref<96x64xi32, #tpu.memory_space<vmem>>) offsets(%dma_start3A_32 : memref<96xi32, #tpu.memory_space<vmem>>) semaphore(%arg10 : memref<!tpu.dma_semaphore, #tpu.memory_space<semaphore_mem>>)
    %scan3A = arith.constant 0 : i32
    %scan3A_36 = arith.constant 0 : i32
    %scan3A_37 = arith.constant 64 : i32
    %scan3A_38 = arith.addi %scan3A_36, %scan3A_37 : i32
    %scan3A_39 = arith.constant 1 : i32
    scf.for %scan3A_41 = %scan3A_36 to %scan3A_38 step %scan3A_39  : i32 {
      %mul3A_42 = arith.constant 2 : i32
      %mul3A_43 = arith.muli %scan3A_41, %mul3A_42 : i32
      %mul3A_44 = arith.constant 200 : i32
      %mul3A_45 = arith.muli %mul3A_43, %mul3A_44 : i32
      %dma_wait3A = arith.constant 0 : i32
      %dma_wait3A_46 = arith.constant 0 : i32
      %dma_wait3A_47 = tpu.memref_slice %arg6[%dma_wait3A, %dma_wait3A_46] : memref<200x64xi32, #tpu.memory_space<vmem>> -> memref<104x64xi32, #tpu.memory_space<vmem>>
      %dma_wait3A_48 = tpu.memref_slice %arg5[%mul3A_45] : memref<25600xi32, #tpu.memory_space<vmem>> -> memref<104xi32, #tpu.memory_space<vmem>>
      %dma_wait3A_49 = arith.constant 0 : i32
      %dma_wait3A_50 = arith.constant 0 : i32
      %dma_wait3A_51 = tpu.memref_slice %arg3[%dma_wait3A_49, %dma_wait3A_50] : memref<100000x64xi32, #tpu.memory_space<hbm>> -> memref<100000x64xi32, #tpu.memory_space<hbm>>
      tpu.wait_indirect_dma semaphore(%arg9 : memref<!tpu.dma_semaphore, #tpu.memory_space<semaphore_mem>>) src(%dma_wait3A_51 : memref<100000x64xi32, #tpu.memory_space<hbm>>) dst(%dma_wait3A_47 : memref<104x64xi32, #tpu.memory_space<vmem>>)
      %mul3A_52 = arith.constant 200 : i32
      %mul3A_53 = arith.muli %mul3A_43, %mul3A_52 : i32
      %add3A_54 = arith.constant 104 : i32
      %add3A_55 = arith.addi %mul3A_53, %add3A_54 : i32
      %dma_wait3A_56 = arith.constant 104 : i32
      %dma_wait3A_57 = arith.constant 0 : i32
      %dma_wait3A_58 = tpu.memref_slice %arg6[%dma_wait3A_56, %dma_wait3A_57] : memref<200x64xi32, #tpu.memory_space<vmem>> -> memref<96x64xi32, #tpu.memory_space<vmem>>
      %dma_wait3A_59 = tpu.memref_slice %arg5[%add3A_55] : memref<25600xi32, #tpu.memory_space<vmem>> -> memref<96xi32, #tpu.memory_space<vmem>>
      %dma_wait3A_60 = arith.constant 0 : i32
      %dma_wait3A_61 = arith.constant 0 : i32
      %dma_wait3A_62 = tpu.memref_slice %arg3[%dma_wait3A_60, %dma_wait3A_61] : memref<100000x64xi32, #tpu.memory_space<hbm>> -> memref<100000x64xi32, #tpu.memory_space<hbm>>
      tpu.wait_indirect_dma semaphore(%arg9 : memref<!tpu.dma_semaphore, #tpu.memory_space<semaphore_mem>>) src(%dma_wait3A_62 : memref<100000x64xi32, #tpu.memory_space<hbm>>) dst(%dma_wait3A_58 : memref<96x64xi32, #tpu.memory_space<vmem>>)
      %broadcast_in_dim3A = arith.constant 0.000000e+00 : f32
      %broadcast_in_dim3A_63 = vector.broadcast %broadcast_in_dim3A : f32 to vector<16xf32>
      %broadcast_in_dim3A_64 = arith.constant 0.000000e+00 : f32
      %broadcast_in_dim3A_65 = vector.broadcast %broadcast_in_dim3A_64 : f32 to vector<16xf32>
      %broadcast_in_dim3A_66 = arith.constant 0.000000e+00 : f32
      %broadcast_in_dim3A_67 = vector.broadcast %broadcast_in_dim3A_66 : f32 to vector<16xf32>
      %broadcast_in_dim3A_68 = arith.constant 0.000000e+00 : f32
      %broadcast_in_dim3A_69 = vector.broadcast %broadcast_in_dim3A_68 : f32 to vector<16xf32>
      %broadcast_in_dim3A_70 = arith.constant 0.000000e+00 : f32
      %broadcast_in_dim3A_71 = vector.broadcast %broadcast_in_dim3A_70 : f32 to vector<16xf32>
      %broadcast_in_dim3A_72 = arith.constant 0.000000e+00 : f32
      %broadcast_in_dim3A_73 = vector.broadcast %broadcast_in_dim3A_72 : f32 to vector<16xf32>
      %broadcast_in_dim3A_74 = arith.constant 0.000000e+00 : f32
      %broadcast_in_dim3A_75 = vector.broadcast %broadcast_in_dim3A_74 : f32 to vector<16xf32>
      %broadcast_in_dim3A_76 = arith.constant 0.000000e+00 : f32
      %broadcast_in_dim3A_77 = vector.broadcast %broadcast_in_dim3A_76 : f32 to vector<16xf32>
      %scan3A_78 = arith.constant 0 : i32
      %scan3A_79 = arith.constant 50 : i32
      %scan3A_80 = arith.addi %scan3A_78, %scan3A_79 : i32
      %scan3A_81 = arith.constant 1 : i32
      %scan3A_82:8 = scf.for %scan3A_268 = %scan3A_78 to %scan3A_80 step %scan3A_81 iter_args(%scan3A_269 = %broadcast_in_dim3A_63, %scan3A_270 = %broadcast_in_dim3A_65, %scan3A_271 = %broadcast_in_dim3A_67, %scan3A_272 = %broadcast_in_dim3A_69, %scan3A_273 = %broadcast_in_dim3A_71, %scan3A_274 = %broadcast_in_dim3A_73, %scan3A_275 = %broadcast_in_dim3A_75, %scan3A_276 = %broadcast_in_dim3A_77) -> (vector<16xf32>, vector<16xf32>, vector<16xf32>, vector<16xf32>, vector<16xf32>, vector<16xf32>, vector<16xf32>, vector<16xf32>)  : i32 {
        %mul3A_277 = arith.constant 4 : i32
        %mul3A_278 = arith.muli %scan3A_268, %mul3A_277 : i32
        %add3A_279 = arith.constant 0 : i32
        %add3A_280 = arith.addi %mul3A_278, %add3A_279 : i32
        %get3A = arith.index_cast %add3A_280 : i32 to index
        %get3A_281 = arith.constant 0 : index
        %get3A_282 = tpu.vector_load %arg6[%get3A, %get3A_281] {strides = array<i32>} : memref<200x64xi32, #tpu.memory_space<vmem>>, vector<1x16xi32>,
        %get3A_283 = vector.shape_cast %get3A_282 : vector<1x16xi32> to vector<16xi32>
        %shift_left3A = arith.constant 16 : i32
        %shift_left3A_284 = vector.broadcast %shift_left3A : i32 to vector<16xi32>
        %shift_left3A_285 = arith.shli %get3A_283, %shift_left3A_284 : vector<16xi32>
        %bitcast_convert_type3A = tpu.bitcast %shift_left3A_285 : vector<16xi32> -> vector<16xf32>
        %bitcast_convert_type3A_286 = tpu.bitcast %get3A_283 : vector<16xi32> -> vector<16xf32>
        %add3A_287 = arith.addf %scan3A_269, %bitcast_convert_type3A : vector<16xf32>
        %add3A_288 = arith.addf %scan3A_273, %bitcast_convert_type3A_286 : vector<16xf32>
        %add3A_289 = arith.constant 0 : i32
        %add3A_290 = arith.addi %mul3A_278, %add3A_289 : i32
        %get3A_291 = arith.index_cast %add3A_290 : i32 to index
        %get3A_292 = arith.constant 16 : index
        %get3A_293 = tpu.vector_load %arg6[%get3A_291, %get3A_292] {strides = array<i32>} : memref<200x64xi32, #tpu.memory_space<vmem>>, vector<1x16xi32>,
        %get3A_294 = vector.shape_cast %get3A_293 : vector<1x16xi32> to vector<16xi32>
        %shift_left3A_295 = arith.constant 16 : i32
        %shift_left3A_296 = vector.broadcast %shift_left3A_295 : i32 to vector<16xi32>
        %shift_left3A_297 = arith.shli %get3A_294, %shift_left3A_296 : vector<16xi32>
        %bitcast_convert_type3A_298 = tpu.bitcast %shift_left3A_297 : vector<16xi32> -> vector<16xf32>
        %bitcast_convert_type3A_299 = tpu.bitcast %get3A_294 : vector<16xi32> -> vector<16xf32>
        %add3A_300 = arith.addf %scan3A_270, %bitcast_convert_type3A_298 : vector<16xf32>
        %add3A_301 = arith.addf %scan3A_274, %bitcast_convert_type3A_299 : vector<16xf32>
        %add3A_302 = arith.constant 0 : i32
        %add3A_303 = arith.addi %mul3A_278, %add3A_302 : i32
        %get3A_304 = arith.index_cast %add3A_303 : i32 to index
        %get3A_305 = arith.constant 32 : index
        %get3A_306 = tpu.vector_load %arg6[%get3A_304, %get3A_305] {strides = array<i32>} : memref<200x64xi32, #tpu.memory_space<vmem>>, vector<1x16xi32>,
        %get3A_307 = vector.shape_cast %get3A_306 : vector<1x16xi32> to vector<16xi32>
        %shift_left3A_308 = arith.constant 16 : i32
        %shift_left3A_309 = vector.broadcast %shift_left3A_308 : i32 to vector<16xi32>
        %shift_left3A_310 = arith.shli %get3A_307, %shift_left3A_309 : vector<16xi32>
        %bitcast_convert_type3A_311 = tpu.bitcast %shift_left3A_310 : vector<16xi32> -> vector<16xf32>
        %bitcast_convert_type3A_312 = tpu.bitcast %get3A_307 : vector<16xi32> -> vector<16xf32>
        %add3A_313 = arith.addf %scan3A_271, %bitcast_convert_type3A_311 : vector<16xf32>
        %add3A_314 = arith.addf %scan3A_275, %bitcast_convert_type3A_312 : vector<16xf32>
        %add3A_315 = arith.constant 0 : i32
        %add3A_316 = arith.addi %mul3A_278, %add3A_315 : i32
        %get3A_317 = arith.index_cast %add3A_316 : i32 to index
        %get3A_318 = arith.constant 48 : index
        %get3A_319 = tpu.vector_load %arg6[%get3A_317, %get3A_318] {strides = array<i32>} : memref<200x64xi32, #tpu.memory_space<vmem>>, vector<1x16xi32>,
        %get3A_320 = vector.shape_cast %get3A_319 : vector<1x16xi32> to vector<16xi32>
        %shift_left3A_321 = arith.constant 16 : i32
        %shift_left3A_322 = vector.broadcast %shift_left3A_321 : i32 to vector<16xi32>
        %shift_left3A_323 = arith.shli %get3A_320, %shift_left3A_322 : vector<16xi32>
        %bitcast_convert_type3A_324 = tpu.bitcast %shift_left3A_323 : vector<16xi32> -> vector<16xf32>
        %bitcast_convert_type3A_325 = tpu.bitcast %get3A_320 : vector<16xi32> -> vector<16xf32>
        %add3A_326 = arith.addf %scan3A_272, %bitcast_convert_type3A_324 : vector<16xf32>
        %add3A_327 = arith.addf %scan3A_276, %bitcast_convert_type3A_325 : vector<16xf32>
        %add3A_328 = arith.constant 1 : i32
        %add3A_329 = arith.addi %mul3A_278, %add3A_328 : i32
        %get3A_330 = arith.index_cast %add3A_329 : i32 to index
        %get3A_331 = arith.constant 0 : index
        %get3A_332 = tpu.vector_load %arg6[%get3A_330, %get3A_331] {strides = array<i32>} : memref<200x64xi32, #tpu.memory_space<vmem>>, vector<1x16xi32>,
        %get3A_333 = vector.shape_cast %get3A_332 : vector<1x16xi32> to vector<16xi32>
        %shift_left3A_334 = arith.constant 16 : i32
        %shift_left3A_335 = vector.broadcast %shift_left3A_334 : i32 to vector<16xi32>
        %shift_left3A_336 = arith.shli %get3A_333, %shift_left3A_335 : vector<16xi32>
        %bitcast_convert_type3A_337 = tpu.bitcast %shift_left3A_336 : vector<16xi32> -> vector<16xf32>
        %bitcast_convert_type3A_338 = tpu.bitcast %get3A_333 : vector<16xi32> -> vector<16xf32>
        %add3A_339 = arith.addf %add3A_287, %bitcast_convert_type3A_337 : vector<16xf32>
        %add3A_340 = arith.addf %add3A_288, %bitcast_convert_type3A_338 : vector<16xf32>
        %add3A_341 = arith.constant 1 : i32
        %add3A_342 = arith.addi %mul3A_278, %add3A_341 : i32
        %get3A_343 = arith.index_cast %add3A_342 : i32 to index
        %get3A_344 = arith.constant 16 : index
        %get3A_345 = tpu.vector_load %arg6[%get3A_343, %get3A_344] {strides = array<i32>} : memref<200x64xi32, #tpu.memory_space<vmem>>, vector<1x16xi32>,
        %get3A_346 = vector.shape_cast %get3A_345 : vector<1x16xi32> to vector<16xi32>
        %shift_left3A_347 = arith.constant 16 : i32
        %shift_left3A_348 = vector.broadcast %shift_left3A_347 : i32 to vector<16xi32>
        %shift_left3A_349 = arith.shli %get3A_346, %shift_left3A_348 : vector<16xi32>
        %bitcast_convert_type3A_350 = tpu.bitcast %shift_left3A_349 : vector<16xi32> -> vector<16xf32>
        %bitcast_convert_type3A_351 = tpu.bitcast %get3A_346 : vector<16xi32> -> vector<16xf32>
        %add3A_352 = arith.addf %add3A_300, %bitcast_convert_type3A_350 : vector<16xf32>
        %add3A_353 = arith.addf %add3A_301, %bitcast_convert_type3A_351 : vector<16xf32>
        %add3A_354 = arith.constant 1 : i32
        %add3A_355 = arith.addi %mul3A_278, %add3A_354 : i32
        %get3A_356 = arith.index_cast %add3A_355 : i32 to index
        %get3A_357 = arith.constant 32 : index
        %get3A_358 = tpu.vector_load %arg6[%get3A_356, %get3A_357] {strides = array<i32>} : memref<200x64xi32, #tpu.memory_space<vmem>>, vector<1x16xi32>,
        %get3A_359 = vector.shape_cast %get3A_358 : vector<1x16xi32> to vector<16xi32>
        %shift_left3A_360 = arith.constant 16 : i32
        %shift_left3A_361 = vector.broadcast %shift_left3A_360 : i32 to vector<16xi32>
        %shift_left3A_362 = arith.shli %get3A_359, %shift_left3A_361 : vector<16xi32>
        %bitcast_convert_type3A_363 = tpu.bitcast %shift_left3A_362 : vector<16xi32> -> vector<16xf32>
        %bitcast_convert_type3A_364 = tpu.bitcast %get3A_359 : vector<16xi32> -> vector<16xf32>
        %add3A_365 = arith.addf %add3A_313, %bitcast_convert_type3A_363 : vector<16xf32>
        %add3A_366 = arith.addf %add3A_314, %bitcast_convert_type3A_364 : vector<16xf32>
        %add3A_367 = arith.constant 1 : i32
        %add3A_368 = arith.addi %mul3A_278, %add3A_367 : i32
        %get3A_369 = arith.index_cast %add3A_368 : i32 to index
        %get3A_370 = arith.constant 48 : index
        %get3A_371 = tpu.vector_load %arg6[%get3A_369, %get3A_370] {strides = array<i32>} : memref<200x64xi32, #tpu.memory_space<vmem>>, vector<1x16xi32>,
        %get3A_372 = vector.shape_cast %get3A_371 : vector<1x16xi32> to vector<16xi32>
        %shift_left3A_373 = arith.constant 16 : i32
        %shift_left3A_374 = vector.broadcast %shift_left3A_373 : i32 to vector<16xi32>
        %shift_left3A_375 = arith.shli %get3A_372, %shift_left3A_374 : vector<16xi32>
        %bitcast_convert_type3A_376 = tpu.bitcast %shift_left3A_375 : vector<16xi32> -> vector<16xf32>
        %bitcast_convert_type3A_377 = tpu.bitcast %get3A_372 : vector<16xi32> -> vector<16xf32>
        %add3A_378 = arith.addf %add3A_326, %bitcast_convert_type3A_376 : vector<16xf32>
        %add3A_379 = arith.addf %add3A_327, %bitcast_convert_type3A_377 : vector<16xf32>
        %add3A_380 = arith.constant 2 : i32
        %add3A_381 = arith.addi %mul3A_278, %add3A_380 : i32
        %get3A_382 = arith.index_cast %add3A_381 : i32 to index
        %get3A_383 = arith.constant 0 : index
        %get3A_384 = tpu.vector_load %arg6[%get3A_382, %get3A_383] {strides = array<i32>} : memref<200x64xi32, #tpu.memory_space<vmem>>, vector<1x16xi32>,
        %get3A_385 = vector.shape_cast %get3A_384 : vector<1x16xi32> to vector<16xi32>
        %shift_left3A_386 = arith.constant 16 : i32
        %shift_left3A_387 = vector.broadcast %shift_left3A_386 : i32 to vector<16xi32>
        %shift_left3A_388 = arith.shli %get3A_385, %shift_left3A_387 : vector<16xi32>
        %bitcast_convert_type3A_389 = tpu.bitcast %shift_left3A_388 : vector<16xi32> -> vector<16xf32>
        %bitcast_convert_type3A_390 = tpu.bitcast %get3A_385 : vector<16xi32> -> vector<16xf32>
        %add3A_391 = arith.addf %add3A_339, %bitcast_convert_type3A_389 : vector<16xf32>
        %add3A_392 = arith.addf %add3A_340, %bitcast_convert_type3A_390 : vector<16xf32>
        %add3A_393 = arith.constant 2 : i32
        %add3A_394 = arith.addi %mul3A_278, %add3A_393 : i32
        %get3A_395 = arith.index_cast %add3A_394 : i32 to index
        %get3A_396 = arith.constant 16 : index
        %get3A_397 = tpu.vector_load %arg6[%get3A_395, %get3A_396] {strides = array<i32>} : memref<200x64xi32, #tpu.memory_space<vmem>>, vector<1x16xi32>,
        %get3A_398 = vector.shape_cast %get3A_397 : vector<1x16xi32> to vector<16xi32>
        %shift_left3A_399 = arith.constant 16 : i32
        %shift_left3A_400 = vector.broadcast %shift_left3A_399 : i32 to vector<16xi32>
        %shift_left3A_401 = arith.shli %get3A_398, %shift_left3A_400 : vector<16xi32>
        %bitcast_convert_type3A_402 = tpu.bitcast %shift_left3A_401 : vector<16xi32> -> vector<16xf32>
        %bitcast_convert_type3A_403 = tpu.bitcast %get3A_398 : vector<16xi32> -> vector<16xf32>
        %add3A_404 = arith.addf %add3A_352, %bitcast_convert_type3A_402 : vector<16xf32>
        %add3A_405 = arith.addf %add3A_353, %bitcast_convert_type3A_403 : vector<16xf32>
        %add3A_406 = arith.constant 2 : i32
        %add3A_407 = arith.addi %mul3A_278, %add3A_406 : i32
        %get3A_408 = arith.index_cast %add3A_407 : i32 to index
        %get3A_409 = arith.constant 32 : index
        %get3A_410 = tpu.vector_load %arg6[%get3A_408, %get3A_409] {strides = array<i32>} : memref<200x64xi32, #tpu.memory_space<vmem>>, vector<1x16xi32>,
        %get3A_411 = vector.shape_cast %get3A_410 : vector<1x16xi32> to vector<16xi32>
        %shift_left3A_412 = arith.constant 16 : i32
        %shift_left3A_413 = vector.broadcast %shift_left3A_412 : i32 to vector<16xi32>
        %shift_left3A_414 = arith.shli %get3A_411, %shift_left3A_413 : vector<16xi32>
        %bitcast_convert_type3A_415 = tpu.bitcast %shift_left3A_414 : vector<16xi32> -> vector<16xf32>
        %bitcast_convert_type3A_416 = tpu.bitcast %get3A_411 : vector<16xi32> -> vector<16xf32>
        %add3A_417 = arith.addf %add3A_365, %bitcast_convert_type3A_415 : vector<16xf32>
        %add3A_418 = arith.addf %add3A_366, %bitcast_convert_type3A_416 : vector<16xf32>
        %add3A_419 = arith.constant 2 : i32
        %add3A_420 = arith.addi %mul3A_278, %add3A_419 : i32
        %get3A_421 = arith.index_cast %add3A_420 : i32 to index
        %get3A_422 = arith.constant 48 : index
        %get3A_423 = tpu.vector_load %arg6[%get3A_421, %get3A_422] {strides = array<i32>} : memref<200x64xi32, #tpu.memory_space<vmem>>, vector<1x16xi32>,
        %get3A_424 = vector.shape_cast %get3A_423 : vector<1x16xi32> to vector<16xi32>
        %shift_left3A_425 = arith.constant 16 : i32
        %shift_left3A_426 = vector.broadcast %shift_left3A_425 : i32 to vector<16xi32>
        %shift_left3A_427 = arith.shli %get3A_424, %shift_left3A_426 : vector<16xi32>
        %bitcast_convert_type3A_428 = tpu.bitcast %shift_left3A_427 : vector<16xi32> -> vector<16xf32>
        %bitcast_convert_type3A_429 = tpu.bitcast %get3A_424 : vector<16xi32> -> vector<16xf32>
        %add3A_430 = arith.addf %add3A_378, %bitcast_convert_type3A_428 : vector<16xf32>
        %add3A_431 = arith.addf %add3A_379, %bitcast_convert_type3A_429 : vector<16xf32>
        %add3A_432 = arith.constant 3 : i32
        %add3A_433 = arith.addi %mul3A_278, %add3A_432 : i32
        %get3A_434 = arith.index_cast %add3A_433 : i32 to index
        %get3A_435 = arith.constant 0 : index
        %get3A_436 = tpu.vector_load %arg6[%get3A_434, %get3A_435] {strides = array<i32>} : memref<200x64xi32, #tpu.memory_space<vmem>>, vector<1x16xi32>,
        %get3A_437 = vector.shape_cast %get3A_436 : vector<1x16xi32> to vector<16xi32>
        %shift_left3A_438 = arith.constant 16 : i32
        %shift_left3A_439 = vector.broadcast %shift_left3A_438 : i32 to vector<16xi32>
        %shift_left3A_440 = arith.shli %get3A_437, %shift_left3A_439 : vector<16xi32>
        %bitcast_convert_type3A_441 = tpu.bitcast %shift_left3A_440 : vector<16xi32> -> vector<16xf32>
        %bitcast_convert_type3A_442 = tpu.bitcast %get3A_437 : vector<16xi32> -> vector<16xf32>
        %add3A_443 = arith.addf %add3A_391, %bitcast_convert_type3A_441 : vector<16xf32>
        %add3A_444 = arith.addf %add3A_392, %bitcast_convert_type3A_442 : vector<16xf32>
        %add3A_445 = arith.constant 3 : i32
        %add3A_446 = arith.addi %mul3A_278, %add3A_445 : i32
        %get3A_447 = arith.index_cast %add3A_446 : i32 to index
        %get3A_448 = arith.constant 16 : index
        %get3A_449 = tpu.vector_load %arg6[%get3A_447, %get3A_448] {strides = array<i32>} : memref<200x64xi32, #tpu.memory_space<vmem>>, vector<1x16xi32>,
        %get3A_450 = vector.shape_cast %get3A_449 : vector<1x16xi32> to vector<16xi32>
        %shift_left3A_451 = arith.constant 16 : i32
        %shift_left3A_452 = vector.broadcast %shift_left3A_451 : i32 to vector<16xi32>
        %shift_left3A_453 = arith.shli %get3A_450, %shift_left3A_452 : vector<16xi32>
        %bitcast_convert_type3A_454 = tpu.bitcast %shift_left3A_453 : vector<16xi32> -> vector<16xf32>
        %bitcast_convert_type3A_455 = tpu.bitcast %get3A_450 : vector<16xi32> -> vector<16xf32>
        %add3A_456 = arith.addf %add3A_404, %bitcast_convert_type3A_454 : vector<16xf32>
        %add3A_457 = arith.addf %add3A_405, %bitcast_convert_type3A_455 : vector<16xf32>
        %add3A_458 = arith.constant 3 : i32
        %add3A_459 = arith.addi %mul3A_278, %add3A_458 : i32
        %get3A_460 = arith.index_cast %add3A_459 : i32 to index
        %get3A_461 = arith.constant 32 : index
        %get3A_462 = tpu.vector_load %arg6[%get3A_460, %get3A_461] {strides = array<i32>} : memref<200x64xi32, #tpu.memory_space<vmem>>, vector<1x16xi32>,
        %get3A_463 = vector.shape_cast %get3A_462 : vector<1x16xi32> to vector<16xi32>
        %shift_left3A_464 = arith.constant 16 : i32
        %shift_left3A_465 = vector.broadcast %shift_left3A_464 : i32 to vector<16xi32>
        %shift_left3A_466 = arith.shli %get3A_463, %shift_left3A_465 : vector<16xi32>
        %bitcast_convert_type3A_467 = tpu.bitcast %shift_left3A_466 : vector<16xi32> -> vector<16xf32>
        %bitcast_convert_type3A_468 = tpu.bitcast %get3A_463 : vector<16xi32> -> vector<16xf32>
        %add3A_469 = arith.addf %add3A_417, %bitcast_convert_type3A_467 : vector<16xf32>
        %add3A_470 = arith.addf %add3A_418, %bitcast_convert_type3A_468 : vector<16xf32>
        %add3A_471 = arith.constant 3 : i32
        %add3A_472 = arith.addi %mul3A_278, %add3A_471 : i32
        %get3A_473 = arith.index_cast %add3A_472 : i32 to index
        %get3A_474 = arith.constant 48 : index
        %get3A_475 = tpu.vector_load %arg6[%get3A_473, %get3A_474] {strides = array<i32>} : memref<200x64xi32, #tpu.memory_space<vmem>>, vector<1x16xi32>,
        %get3A_476 = vector.shape_cast %get3A_475 : vector<1x16xi32> to vector<16xi32>
        %shift_left3A_477 = arith.constant 16 : i32
        %shift_left3A_478 = vector.broadcast %shift_left3A_477 : i32 to vector<16xi32>
        %shift_left3A_479 = arith.shli %get3A_476, %shift_left3A_478 : vector<16xi32>
        %bitcast_convert_type3A_480 = tpu.bitcast %shift_left3A_479 : vector<16xi32> -> vector<16xf32>
        %bitcast_convert_type3A_481 = tpu.bitcast %get3A_476 : vector<16xi32> -> vector<16xf32>
        %add3A_482 = arith.addf %add3A_430, %bitcast_convert_type3A_480 : vector<16xf32>
        %add3A_483 = arith.addf %add3A_431, %bitcast_convert_type3A_481 : vector<16xf32>
        scf.yield %add3A_443, %add3A_456, %add3A_469, %add3A_482, %add3A_444, %add3A_457, %add3A_470, %add3A_483 : vector<16xf32>, vector<16xf32>, vector<16xf32>, vector<16xf32>, vector<16xf32>, vector<16xf32>, vector<16xf32>, vector<16xf32>
      }
      %scan3A_83 = arith.constant 50 : i32
      %mul3A_84 = arith.constant 5.000000e-03 : f32
      %mul3A_85 = vector.broadcast %mul3A_84 : f32 to vector<16xf32>
      %mul3A_86 = arith.mulf %scan3A_82#0, %mul3A_85 : vector<16xf32>
      %swap3A = arith.index_cast %mul3A_43 : i32 to index
      %swap3A_87 = arith.constant 0 : index
      %swap3A_88 = tpu.vector_load %arg8[%swap3A, %swap3A_87] {strides = array<i32>} : memref<128x128xf32, #tpu.memory_space<vmem>>, vector<1x16xf32>,
      %swap3A_89 = vector.shape_cast %swap3A_88 : vector<1x16xf32> to vector<16xf32>
      %swap3A_90 = vector.shape_cast %mul3A_86 : vector<16xf32> to vector<1x16xf32>
      tpu.vector_store %arg8[%swap3A, %swap3A_87], %swap3A_90 {strides = array<i32>} : memref<128x128xf32, #tpu.memory_space<vmem>>, vector<1x16xf32>,
      %mul3A_91 = arith.constant 5.000000e-03 : f32
      %mul3A_92 = vector.broadcast %mul3A_91 : f32 to vector<16xf32>
      %mul3A_93 = arith.mulf %scan3A_82#4, %mul3A_92 : vector<16xf32>
      %swap3A_94 = arith.index_cast %mul3A_43 : i32 to index
      %swap3A_95 = arith.constant 64 : index
      %swap3A_96 = tpu.vector_load %arg8[%swap3A_94, %swap3A_95] {strides = array<i32>} : memref<128x128xf32, #tpu.memory_space<vmem>>, vector<1x16xf32>,
      %swap3A_97 = vector.shape_cast %swap3A_96 : vector<1x16xf32> to vector<16xf32>
      %swap3A_98 = vector.shape_cast %mul3A_93 : vector<16xf32> to vector<1x16xf32>
      tpu.vector_store %arg8[%swap3A_94, %swap3A_95], %swap3A_98 {strides = array<i32>} : memref<128x128xf32, #tpu.memory_space<vmem>>, vector<1x16xf32>,
      %mul3A_99 = arith.constant 5.000000e-03 : f32
      %mul3A_100 = vector.broadcast %mul3A_99 : f32 to vector<16xf32>
      %mul3A_101 = arith.mulf %scan3A_82#1, %mul3A_100 : vector<16xf32>
      %swap3A_102 = arith.index_cast %mul3A_43 : i32 to index
      %swap3A_103 = arith.constant 16 : index
      %swap3A_104 = tpu.vector_load %arg8[%swap3A_102, %swap3A_103] {strides = array<i32>} : memref<128x128xf32, #tpu.memory_space<vmem>>, vector<1x16xf32>,
      %swap3A_105 = vector.shape_cast %swap3A_104 : vector<1x16xf32> to vector<16xf32>
      %swap3A_106 = vector.shape_cast %mul3A_101 : vector<16xf32> to vector<1x16xf32>
      tpu.vector_store %arg8[%swap3A_102, %swap3A_103], %swap3A_106 {strides = array<i32>} : memref<128x128xf32, #tpu.memory_space<vmem>>, vector<1x16xf32>,
      %mul3A_107 = arith.constant 5.000000e-03 : f32
      %mul3A_108 = vector.broadcast %mul3A_107 : f32 to vector<16xf32>
      %mul3A_109 = arith.mulf %scan3A_82#5, %mul3A_108 : vector<16xf32>
      %swap3A_110 = arith.index_cast %mul3A_43 : i32 to index
      %swap3A_111 = arith.constant 80 : index
      %swap3A_112 = tpu.vector_load %arg8[%swap3A_110, %swap3A_111] {strides = array<i32>} : memref<128x128xf32, #tpu.memory_space<vmem>>, vector<1x16xf32>,
      %swap3A_113 = vector.shape_cast %swap3A_112 : vector<1x16xf32> to vector<16xf32>
      %swap3A_114 = vector.shape_cast %mul3A_109 : vector<16xf32> to vector<1x16xf32>
      tpu.vector_store %arg8[%swap3A_110, %swap3A_111], %swap3A_114 {strides = array<i32>} : memref<128x128xf32, #tpu.memory_space<vmem>>, vector<1x16xf32>,
      %mul3A_115 = arith.constant 5.000000e-03 : f32
      %mul3A_116 = vector.broadcast %mul3A_115 : f32 to vector<16xf32>
      %mul3A_117 = arith.mulf %scan3A_82#2, %mul3A_116 : vector<16xf32>
      %swap3A_118 = arith.index_cast %mul3A_43 : i32 to index
      %swap3A_119 = arith.constant 32 : index
      %swap3A_120 = tpu.vector_load %arg8[%swap3A_118, %swap3A_119] {strides = array<i32>} : memref<128x128xf32, #tpu.memory_space<vmem>>, vector<1x16xf32>,
      %swap3A_121 = vector.shape_cast %swap3A_120 : vector<1x16xf32> to vector<16xf32>
      %swap3A_122 = vector.shape_cast %mul3A_117 : vector<16xf32> to vector<1x16xf32>
      tpu.vector_store %arg8[%swap3A_118, %swap3A_119], %swap3A_122 {strides = array<i32>} : memref<128x128xf32, #tpu.memory_space<vmem>>, vector<1x16xf32>,
      %mul3A_123 = arith.constant 5.000000e-03 : f32
      %mul3A_124 = vector.broadcast %mul3A_123 : f32 to vector<16xf32>
      %mul3A_125 = arith.mulf %scan3A_82#6, %mul3A_124 : vector<16xf32>
      %swap3A_126 = arith.index_cast %mul3A_43 : i32 to index
      %swap3A_127 = arith.constant 96 : index
      %swap3A_128 = tpu.vector_load %arg8[%swap3A_126, %swap3A_127] {strides = array<i32>} : memref<128x128xf32, #tpu.memory_space<vmem>>, vector<1x16xf32>,
      %swap3A_129 = vector.shape_cast %swap3A_128 : vector<1x16xf32> to vector<16xf32>
      %swap3A_130 = vector.shape_cast %mul3A_125 : vector<16xf32> to vector<1x16xf32>
      tpu.vector_store %arg8[%swap3A_126, %swap3A_127], %swap3A_130 {strides = array<i32>} : memref<128x128xf32, #tpu.memory_space<vmem>>, vector<1x16xf32>,
      %mul3A_131 = arith.constant 5.000000e-03 : f32
      %mul3A_132 = vector.broadcast %mul3A_131 : f32 to vector<16xf32>
      %mul3A_133 = arith.mulf %scan3A_82#3, %mul3A_132 : vector<16xf32>
      %swap3A_134 = arith.index_cast %mul3A_43 : i32 to index
      %swap3A_135 = arith.constant 48 : index
      %swap3A_136 = tpu.vector_load %arg8[%swap3A_134, %swap3A_135] {strides = array<i32>} : memref<128x128xf32, #tpu.memory_space<vmem>>, vector<1x16xf32>,
      %swap3A_137 = vector.shape_cast %swap3A_136 : vector<1x16xf32> to vector<16xf32>
      %swap3A_138 = vector.shape_cast %mul3A_133 : vector<16xf32> to vector<1x16xf32>
      tpu.vector_store %arg8[%swap3A_134, %swap3A_135], %swap3A_138 {strides = array<i32>} : memref<128x128xf32, #tpu.memory_space<vmem>>, vector<1x16xf32>,
      %mul3A_139 = arith.constant 5.000000e-03 : f32
      %mul3A_140 = vector.broadcast %mul3A_139 : f32 to vector<16xf32>
      %mul3A_141 = arith.mulf %scan3A_82#7, %mul3A_140 : vector<16xf32>
      %swap3A_142 = arith.index_cast %mul3A_43 : i32 to index
      %swap3A_143 = arith.constant 112 : index
      %swap3A_144 = tpu.vector_load %arg8[%swap3A_142, %swap3A_143] {strides = array<i32>} : memref<128x128xf32, #tpu.memory_space<vmem>>, vector<1x16xf32>,
      %swap3A_145 = vector.shape_cast %swap3A_144 : vector<1x16xf32> to vector<16xf32>
      %swap3A_146 = vector.shape_cast %mul3A_141 : vector<16xf32> to vector<1x16xf32>
      tpu.vector_store %arg8[%swap3A_142, %swap3A_143], %swap3A_146 {strides = array<i32>} : memref<128x128xf32, #tpu.memory_space<vmem>>, vector<1x16xf32>,
      %add3A_147 = arith.constant 2 : i32
      %add3A_148 = arith.addi %mul3A_43, %add3A_147 : i32
      %lt3A = arith.constant 128 : i32
      %lt3A_149 = arith.cmpi slt, %add3A_148, %lt3A : i32
      %convert_element_type3A = arith.extui %lt3A_149 : i1 to i32
      %cond3A = arith.constant 0 : i32
      %cond3A_150 = arith.cmpi ne, %convert_element_type3A, %cond3A : i32
      scf.if %cond3A_150 {
        %add3A_268 = arith.constant 2 : i32
        %add3A_269 = arith.addi %mul3A_43, %add3A_268 : i32
        %mul3A_270 = arith.constant 200 : i32
        %mul3A_271 = arith.muli %add3A_269, %mul3A_270 : i32
        %dma_start3A_272 = arith.constant 0 : i32
        %dma_start3A_273 = arith.constant 0 : i32
        %dma_start3A_274 = tpu.memref_slice %arg6[%dma_start3A_272, %dma_start3A_273] : memref<200x64xi32, #tpu.memory_space<vmem>> -> memref<104x64xi32, #tpu.memory_space<vmem>>
        %dma_start3A_275 = tpu.memref_slice %arg5[%mul3A_271] : memref<25600xi32, #tpu.memory_space<vmem>> -> memref<104xi32, #tpu.memory_space<vmem>>
        %dma_start3A_276 = arith.constant 0 : i32
        %dma_start3A_277 = arith.constant 0 : i32
        %dma_start3A_278 = tpu.memref_slice %arg3[%dma_start3A_276, %dma_start3A_277] : memref<100000x64xi32, #tpu.memory_space<hbm>> -> memref<100000x64xi32, #tpu.memory_space<hbm>>
        tpu.enqueue_indirect_dma source(%dma_start3A_278 : memref<100000x64xi32, #tpu.memory_space<hbm>>) target(%dma_start3A_274 : memref<104x64xi32, #tpu.memory_space<vmem>>) offsets(%dma_start3A_275 : memref<104xi32, #tpu.memory_space<vmem>>) semaphore(%arg9 : memref<!tpu.dma_semaphore, #tpu.memory_space<semaphore_mem>>)
        %mul3A_279 = arith.constant 200 : i32
        %mul3A_280 = arith.muli %add3A_269, %mul3A_279 : i32
        %add3A_281 = arith.constant 104 : i32
        %add3A_282 = arith.addi %mul3A_280, %add3A_281 : i32
        %dma_start3A_283 = arith.constant 104 : i32
        %dma_start3A_284 = arith.constant 0 : i32
        %dma_start3A_285 = tpu.memref_slice %arg6[%dma_start3A_283, %dma_start3A_284] : memref<200x64xi32, #tpu.memory_space<vmem>> -> memref<96x64xi32, #tpu.memory_space<vmem>>
        %dma_start3A_286 = tpu.memref_slice %arg5[%add3A_282] : memref<25600xi32, #tpu.memory_space<vmem>> -> memref<96xi32, #tpu.memory_space<vmem>>
        %dma_start3A_287 = arith.constant 0 : i32
        %dma_start3A_288 = arith.constant 0 : i32
        %dma_start3A_289 = tpu.memref_slice %arg3[%dma_start3A_287, %dma_start3A_288] : memref<100000x64xi32, #tpu.memory_space<hbm>> -> memref<100000x64xi32, #tpu.memory_space<hbm>>
        tpu.enqueue_indirect_dma source(%dma_start3A_289 : memref<100000x64xi32, #tpu.memory_space<hbm>>) target(%dma_start3A_285 : memref<96x64xi32, #tpu.memory_space<vmem>>) offsets(%dma_start3A_286 : memref<96xi32, #tpu.memory_space<vmem>>) semaphore(%arg9 : memref<!tpu.dma_semaphore, #tpu.memory_space<semaphore_mem>>)
      } else {
      }
      %add3A_151 = arith.constant 1 : i32
      %add3A_152 = arith.addi %mul3A_43, %add3A_151 : i32
      %mul3A_153 = arith.constant 200 : i32
      %mul3A_154 = arith.muli %add3A_152, %mul3A_153 : i32
      %dma_wait3A_155 = arith.constant 0 : i32
      %dma_wait3A_156 = arith.constant 0 : i32
      %dma_wait3A_157 = tpu.memref_slice %arg7[%dma_wait3A_155, %dma_wait3A_156] : memref<200x64xi32, #tpu.memory_space<vmem>> -> memref<104x64xi32, #tpu.memory_space<vmem>>
      %dma_wait3A_158 = tpu.memref_slice %arg5[%mul3A_154] : memref<25600xi32, #tpu.memory_space<vmem>> -> memref<104xi32, #tpu.memory_space<vmem>>
      %dma_wait3A_159 = arith.constant 0 : i32
      %dma_wait3A_160 = arith.constant 0 : i32
      %dma_wait3A_161 = tpu.memref_slice %arg3[%dma_wait3A_159, %dma_wait3A_160] : memref<100000x64xi32, #tpu.memory_space<hbm>> -> memref<100000x64xi32, #tpu.memory_space<hbm>>
      tpu.wait_indirect_dma semaphore(%arg10 : memref<!tpu.dma_semaphore, #tpu.memory_space<semaphore_mem>>) src(%dma_wait3A_161 : memref<100000x64xi32, #tpu.memory_space<hbm>>) dst(%dma_wait3A_157 : memref<104x64xi32, #tpu.memory_space<vmem>>)
      %mul3A_162 = arith.constant 200 : i32
      %mul3A_163 = arith.muli %add3A_152, %mul3A_162 : i32
      %add3A_164 = arith.constant 104 : i32
      %add3A_165 = arith.addi %mul3A_163, %add3A_164 : i32
      %dma_wait3A_166 = arith.constant 104 : i32
      %dma_wait3A_167 = arith.constant 0 : i32
      %dma_wait3A_168 = tpu.memref_slice %arg7[%dma_wait3A_166, %dma_wait3A_167] : memref<200x64xi32, #tpu.memory_space<vmem>> -> memref<96x64xi32, #tpu.memory_space<vmem>>
      %dma_wait3A_169 = tpu.memref_slice %arg5[%add3A_165] : memref<25600xi32, #tpu.memory_space<vmem>> -> memref<96xi32, #tpu.memory_space<vmem>>
      %dma_wait3A_170 = arith.constant 0 : i32
      %dma_wait3A_171 = arith.constant 0 : i32
      %dma_wait3A_172 = tpu.memref_slice %arg3[%dma_wait3A_170, %dma_wait3A_171] : memref<100000x64xi32, #tpu.memory_space<hbm>> -> memref<100000x64xi32, #tpu.memory_space<hbm>>
      tpu.wait_indirect_dma semaphore(%arg10 : memref<!tpu.dma_semaphore, #tpu.memory_space<semaphore_mem>>) src(%dma_wait3A_172 : memref<100000x64xi32, #tpu.memory_space<hbm>>) dst(%dma_wait3A_168 : memref<96x64xi32, #tpu.memory_space<vmem>>)
      %add3A_173 = arith.constant 1 : i32
      %add3A_174 = arith.addi %mul3A_43, %add3A_173 : i32
      %broadcast_in_dim3A_175 = arith.constant 0.000000e+00 : f32
      %broadcast_in_dim3A_176 = vector.broadcast %broadcast_in_dim3A_175 : f32 to vector<16xf32>
      %broadcast_in_dim3A_177 = arith.constant 0.000000e+00 : f32
      %broadcast_in_dim3A_178 = vector.broadcast %broadcast_in_dim3A_177 : f32 to vector<16xf32>
      %broadcast_in_dim3A_179 = arith.constant 0.000000e+00 : f32
      %broadcast_in_dim3A_180 = vector.broadcast %broadcast_in_dim3A_179 : f32 to vector<16xf32>
      %broadcast_in_dim3A_181 = arith.constant 0.000000e+00 : f32
      %broadcast_in_dim3A_182 = vector.broadcast %broadcast_in_dim3A_181 : f32 to vector<16xf32>
      %broadcast_in_dim3A_183 = arith.constant 0.000000e+00 : f32
      %broadcast_in_dim3A_184 = vector.broadcast %broadcast_in_dim3A_183 : f32 to vector<16xf32>
      %broadcast_in_dim3A_185 = arith.constant 0.000000e+00 : f32
      %broadcast_in_dim3A_186 = vector.broadcast %broadcast_in_dim3A_185 : f32 to vector<16xf32>
      %broadcast_in_dim3A_187 = arith.constant 0.000000e+00 : f32
      %broadcast_in_dim3A_188 = vector.broadcast %broadcast_in_dim3A_187 : f32 to vector<16xf32>
      %broadcast_in_dim3A_189 = arith.constant 0.000000e+00 : f32
      %broadcast_in_dim3A_190 = vector.broadcast %broadcast_in_dim3A_189 : f32 to vector<16xf32>
      %scan3A_191 = arith.constant 0 : i32
      %scan3A_192 = arith.constant 50 : i32
      %scan3A_193 = arith.addi %scan3A_191, %scan3A_192 : i32
      %scan3A_194 = arith.constant 1 : i32
      %scan3A_195:8 = scf.for %scan3A_268 = %scan3A_191 to %scan3A_193 step %scan3A_194 iter_args(%scan3A_269 = %broadcast_in_dim3A_176, %scan3A_270 = %broadcast_in_dim3A_178, %scan3A_271 = %broadcast_in_dim3A_180, %scan3A_272 = %broadcast_in_dim3A_182, %scan3A_273 = %broadcast_in_dim3A_184, %scan3A_274 = %broadcast_in_dim3A_186, %scan3A_275 = %broadcast_in_dim3A_188, %scan3A_276 = %broadcast_in_dim3A_190) -> (vector<16xf32>, vector<16xf32>, vector<16xf32>, vector<16xf32>, vector<16xf32>, vector<16xf32>, vector<16xf32>, vector<16xf32>)  : i32 {
        %mul3A_277 = arith.constant 4 : i32
        %mul3A_278 = arith.muli %scan3A_268, %mul3A_277 : i32
        %add3A_279 = arith.constant 0 : i32
        %add3A_280 = arith.addi %mul3A_278, %add3A_279 : i32
        %get3A = arith.index_cast %add3A_280 : i32 to index
        %get3A_281 = arith.constant 0 : index
        %get3A_282 = tpu.vector_load %arg7[%get3A, %get3A_281] {strides = array<i32>} : memref<200x64xi32, #tpu.memory_space<vmem>>, vector<1x16xi32>,
        %get3A_283 = vector.shape_cast %get3A_282 : vector<1x16xi32> to vector<16xi32>
        %shift_left3A = arith.constant 16 : i32
        %shift_left3A_284 = vector.broadcast %shift_left3A : i32 to vector<16xi32>
        %shift_left3A_285 = arith.shli %get3A_283, %shift_left3A_284 : vector<16xi32>
        %bitcast_convert_type3A = tpu.bitcast %shift_left3A_285 : vector<16xi32> -> vector<16xf32>
        %bitcast_convert_type3A_286 = tpu.bitcast %get3A_283 : vector<16xi32> -> vector<16xf32>
        %add3A_287 = arith.addf %scan3A_269, %bitcast_convert_type3A : vector<16xf32>
        %add3A_288 = arith.addf %scan3A_273, %bitcast_convert_type3A_286 : vector<16xf32>
        %add3A_289 = arith.constant 0 : i32
        %add3A_290 = arith.addi %mul3A_278, %add3A_289 : i32
        %get3A_291 = arith.index_cast %add3A_290 : i32 to index
        %get3A_292 = arith.constant 16 : index
        %get3A_293 = tpu.vector_load %arg7[%get3A_291, %get3A_292] {strides = array<i32>} : memref<200x64xi32, #tpu.memory_space<vmem>>, vector<1x16xi32>,
        %get3A_294 = vector.shape_cast %get3A_293 : vector<1x16xi32> to vector<16xi32>
        %shift_left3A_295 = arith.constant 16 : i32
        %shift_left3A_296 = vector.broadcast %shift_left3A_295 : i32 to vector<16xi32>
        %shift_left3A_297 = arith.shli %get3A_294, %shift_left3A_296 : vector<16xi32>
        %bitcast_convert_type3A_298 = tpu.bitcast %shift_left3A_297 : vector<16xi32> -> vector<16xf32>
        %bitcast_convert_type3A_299 = tpu.bitcast %get3A_294 : vector<16xi32> -> vector<16xf32>
        %add3A_300 = arith.addf %scan3A_270, %bitcast_convert_type3A_298 : vector<16xf32>
        %add3A_301 = arith.addf %scan3A_274, %bitcast_convert_type3A_299 : vector<16xf32>
        %add3A_302 = arith.constant 0 : i32
        %add3A_303 = arith.addi %mul3A_278, %add3A_302 : i32
        %get3A_304 = arith.index_cast %add3A_303 : i32 to index
        %get3A_305 = arith.constant 32 : index
        %get3A_306 = tpu.vector_load %arg7[%get3A_304, %get3A_305] {strides = array<i32>} : memref<200x64xi32, #tpu.memory_space<vmem>>, vector<1x16xi32>,
        %get3A_307 = vector.shape_cast %get3A_306 : vector<1x16xi32> to vector<16xi32>
        %shift_left3A_308 = arith.constant 16 : i32
        %shift_left3A_309 = vector.broadcast %shift_left3A_308 : i32 to vector<16xi32>
        %shift_left3A_310 = arith.shli %get3A_307, %shift_left3A_309 : vector<16xi32>
        %bitcast_convert_type3A_311 = tpu.bitcast %shift_left3A_310 : vector<16xi32> -> vector<16xf32>
        %bitcast_convert_type3A_312 = tpu.bitcast %get3A_307 : vector<16xi32> -> vector<16xf32>
        %add3A_313 = arith.addf %scan3A_271, %bitcast_convert_type3A_311 : vector<16xf32>
        %add3A_314 = arith.addf %scan3A_275, %bitcast_convert_type3A_312 : vector<16xf32>
        %add3A_315 = arith.constant 0 : i32
        %add3A_316 = arith.addi %mul3A_278, %add3A_315 : i32
        %get3A_317 = arith.index_cast %add3A_316 : i32 to index
        %get3A_318 = arith.constant 48 : index
        %get3A_319 = tpu.vector_load %arg7[%get3A_317, %get3A_318] {strides = array<i32>} : memref<200x64xi32, #tpu.memory_space<vmem>>, vector<1x16xi32>,
        %get3A_320 = vector.shape_cast %get3A_319 : vector<1x16xi32> to vector<16xi32>
        %shift_left3A_321 = arith.constant 16 : i32
        %shift_left3A_322 = vector.broadcast %shift_left3A_321 : i32 to vector<16xi32>
        %shift_left3A_323 = arith.shli %get3A_320, %shift_left3A_322 : vector<16xi32>
        %bitcast_convert_type3A_324 = tpu.bitcast %shift_left3A_323 : vector<16xi32> -> vector<16xf32>
        %bitcast_convert_type3A_325 = tpu.bitcast %get3A_320 : vector<16xi32> -> vector<16xf32>
        %add3A_326 = arith.addf %scan3A_272, %bitcast_convert_type3A_324 : vector<16xf32>
        %add3A_327 = arith.addf %scan3A_276, %bitcast_convert_type3A_325 : vector<16xf32>
        %add3A_328 = arith.constant 1 : i32
        %add3A_329 = arith.addi %mul3A_278, %add3A_328 : i32
        %get3A_330 = arith.index_cast %add3A_329 : i32 to index
        %get3A_331 = arith.constant 0 : index
        %get3A_332 = tpu.vector_load %arg7[%get3A_330, %get3A_331] {strides = array<i32>} : memref<200x64xi32, #tpu.memory_space<vmem>>, vector<1x16xi32>,
        %get3A_333 = vector.shape_cast %get3A_332 : vector<1x16xi32> to vector<16xi32>
        %shift_left3A_334 = arith.constant 16 : i32
        %shift_left3A_335 = vector.broadcast %shift_left3A_334 : i32 to vector<16xi32>
        %shift_left3A_336 = arith.shli %get3A_333, %shift_left3A_335 : vector<16xi32>
        %bitcast_convert_type3A_337 = tpu.bitcast %shift_left3A_336 : vector<16xi32> -> vector<16xf32>
        %bitcast_convert_type3A_338 = tpu.bitcast %get3A_333 : vector<16xi32> -> vector<16xf32>
        %add3A_339 = arith.addf %add3A_287, %bitcast_convert_type3A_337 : vector<16xf32>
        %add3A_340 = arith.addf %add3A_288, %bitcast_convert_type3A_338 : vector<16xf32>
        %add3A_341 = arith.constant 1 : i32
        %add3A_342 = arith.addi %mul3A_278, %add3A_341 : i32
        %get3A_343 = arith.index_cast %add3A_342 : i32 to index
        %get3A_344 = arith.constant 16 : index
        %get3A_345 = tpu.vector_load %arg7[%get3A_343, %get3A_344] {strides = array<i32>} : memref<200x64xi32, #tpu.memory_space<vmem>>, vector<1x16xi32>,
        %get3A_346 = vector.shape_cast %get3A_345 : vector<1x16xi32> to vector<16xi32>
        %shift_left3A_347 = arith.constant 16 : i32
        %shift_left3A_348 = vector.broadcast %shift_left3A_347 : i32 to vector<16xi32>
        %shift_left3A_349 = arith.shli %get3A_346, %shift_left3A_348 : vector<16xi32>
        %bitcast_convert_type3A_350 = tpu.bitcast %shift_left3A_349 : vector<16xi32> -> vector<16xf32>
        %bitcast_convert_type3A_351 = tpu.bitcast %get3A_346 : vector<16xi32> -> vector<16xf32>
        %add3A_352 = arith.addf %add3A_300, %bitcast_convert_type3A_350 : vector<16xf32>
        %add3A_353 = arith.addf %add3A_301, %bitcast_convert_type3A_351 : vector<16xf32>
        %add3A_354 = arith.constant 1 : i32
        %add3A_355 = arith.addi %mul3A_278, %add3A_354 : i32
        %get3A_356 = arith.index_cast %add3A_355 : i32 to index
        %get3A_357 = arith.constant 32 : index
        %get3A_358 = tpu.vector_load %arg7[%get3A_356, %get3A_357] {strides = array<i32>} : memref<200x64xi32, #tpu.memory_space<vmem>>, vector<1x16xi32>,
        %get3A_359 = vector.shape_cast %get3A_358 : vector<1x16xi32> to vector<16xi32>
        %shift_left3A_360 = arith.constant 16 : i32
        %shift_left3A_361 = vector.broadcast %shift_left3A_360 : i32 to vector<16xi32>
        %shift_left3A_362 = arith.shli %get3A_359, %shift_left3A_361 : vector<16xi32>
        %bitcast_convert_type3A_363 = tpu.bitcast %shift_left3A_362 : vector<16xi32> -> vector<16xf32>
        %bitcast_convert_type3A_364 = tpu.bitcast %get3A_359 : vector<16xi32> -> vector<16xf32>
        %add3A_365 = arith.addf %add3A_313, %bitcast_convert_type3A_363 : vector<16xf32>
        %add3A_366 = arith.addf %add3A_314, %bitcast_convert_type3A_364 : vector<16xf32>
        %add3A_367 = arith.constant 1 : i32
        %add3A_368 = arith.addi %mul3A_278, %add3A_367 : i32
        %get3A_369 = arith.index_cast %add3A_368 : i32 to index
        %get3A_370 = arith.constant 48 : index
        %get3A_371 = tpu.vector_load %arg7[%get3A_369, %get3A_370] {strides = array<i32>} : memref<200x64xi32, #tpu.memory_space<vmem>>, vector<1x16xi32>,
        %get3A_372 = vector.shape_cast %get3A_371 : vector<1x16xi32> to vector<16xi32>
        %shift_left3A_373 = arith.constant 16 : i32
        %shift_left3A_374 = vector.broadcast %shift_left3A_373 : i32 to vector<16xi32>
        %shift_left3A_375 = arith.shli %get3A_372, %shift_left3A_374 : vector<16xi32>
        %bitcast_convert_type3A_376 = tpu.bitcast %shift_left3A_375 : vector<16xi32> -> vector<16xf32>
        %bitcast_convert_type3A_377 = tpu.bitcast %get3A_372 : vector<16xi32> -> vector<16xf32>
        %add3A_378 = arith.addf %add3A_326, %bitcast_convert_type3A_376 : vector<16xf32>
        %add3A_379 = arith.addf %add3A_327, %bitcast_convert_type3A_377 : vector<16xf32>
        %add3A_380 = arith.constant 2 : i32
        %add3A_381 = arith.addi %mul3A_278, %add3A_380 : i32
        %get3A_382 = arith.index_cast %add3A_381 : i32 to index
        %get3A_383 = arith.constant 0 : index
        %get3A_384 = tpu.vector_load %arg7[%get3A_382, %get3A_383] {strides = array<i32>} : memref<200x64xi32, #tpu.memory_space<vmem>>, vector<1x16xi32>,
        %get3A_385 = vector.shape_cast %get3A_384 : vector<1x16xi32> to vector<16xi32>
        %shift_left3A_386 = arith.constant 16 : i32
        %shift_left3A_387 = vector.broadcast %shift_left3A_386 : i32 to vector<16xi32>
        %shift_left3A_388 = arith.shli %get3A_385, %shift_left3A_387 : vector<16xi32>
        %bitcast_convert_type3A_389 = tpu.bitcast %shift_left3A_388 : vector<16xi32> -> vector<16xf32>
        %bitcast_convert_type3A_390 = tpu.bitcast %get3A_385 : vector<16xi32> -> vector<16xf32>
        %add3A_391 = arith.addf %add3A_339, %bitcast_convert_type3A_389 : vector<16xf32>
        %add3A_392 = arith.addf %add3A_340, %bitcast_convert_type3A_390 : vector<16xf32>
        %add3A_393 = arith.constant 2 : i32
        %add3A_394 = arith.addi %mul3A_278, %add3A_393 : i32
        %get3A_395 = arith.index_cast %add3A_394 : i32 to index
        %get3A_396 = arith.constant 16 : index
        %get3A_397 = tpu.vector_load %arg7[%get3A_395, %get3A_396] {strides = array<i32>} : memref<200x64xi32, #tpu.memory_space<vmem>>, vector<1x16xi32>,
        %get3A_398 = vector.shape_cast %get3A_397 : vector<1x16xi32> to vector<16xi32>
        %shift_left3A_399 = arith.constant 16 : i32
        %shift_left3A_400 = vector.broadcast %shift_left3A_399 : i32 to vector<16xi32>
        %shift_left3A_401 = arith.shli %get3A_398, %shift_left3A_400 : vector<16xi32>
        %bitcast_convert_type3A_402 = tpu.bitcast %shift_left3A_401 : vector<16xi32> -> vector<16xf32>
        %bitcast_convert_type3A_403 = tpu.bitcast %get3A_398 : vector<16xi32> -> vector<16xf32>
        %add3A_404 = arith.addf %add3A_352, %bitcast_convert_type3A_402 : vector<16xf32>
        %add3A_405 = arith.addf %add3A_353, %bitcast_convert_type3A_403 : vector<16xf32>
        %add3A_406 = arith.constant 2 : i32
        %add3A_407 = arith.addi %mul3A_278, %add3A_406 : i32
        %get3A_408 = arith.index_cast %add3A_407 : i32 to index
        %get3A_409 = arith.constant 32 : index
        %get3A_410 = tpu.vector_load %arg7[%get3A_408, %get3A_409] {strides = array<i32>} : memref<200x64xi32, #tpu.memory_space<vmem>>, vector<1x16xi32>,
        %get3A_411 = vector.shape_cast %get3A_410 : vector<1x16xi32> to vector<16xi32>
        %shift_left3A_412 = arith.constant 16 : i32
        %shift_left3A_413 = vector.broadcast %shift_left3A_412 : i32 to vector<16xi32>
        %shift_left3A_414 = arith.shli %get3A_411, %shift_left3A_413 : vector<16xi32>
        %bitcast_convert_type3A_415 = tpu.bitcast %shift_left3A_414 : vector<16xi32> -> vector<16xf32>
        %bitcast_convert_type3A_416 = tpu.bitcast %get3A_411 : vector<16xi32> -> vector<16xf32>
        %add3A_417 = arith.addf %add3A_365, %bitcast_convert_type3A_415 : vector<16xf32>
        %add3A_418 = arith.addf %add3A_366, %bitcast_convert_type3A_416 : vector<16xf32>
        %add3A_419 = arith.constant 2 : i32
        %add3A_420 = arith.addi %mul3A_278, %add3A_419 : i32
        %get3A_421 = arith.index_cast %add3A_420 : i32 to index
        %get3A_422 = arith.constant 48 : index
        %get3A_423 = tpu.vector_load %arg7[%get3A_421, %get3A_422] {strides = array<i32>} : memref<200x64xi32, #tpu.memory_space<vmem>>, vector<1x16xi32>,
        %get3A_424 = vector.shape_cast %get3A_423 : vector<1x16xi32> to vector<16xi32>
        %shift_left3A_425 = arith.constant 16 : i32
        %shift_left3A_426 = vector.broadcast %shift_left3A_425 : i32 to vector<16xi32>
        %shift_left3A_427 = arith.shli %get3A_424, %shift_left3A_426 : vector<16xi32>
        %bitcast_convert_type3A_428 = tpu.bitcast %shift_left3A_427 : vector<16xi32> -> vector<16xf32>
        %bitcast_convert_type3A_429 = tpu.bitcast %get3A_424 : vector<16xi32> -> vector<16xf32>
        %add3A_430 = arith.addf %add3A_378, %bitcast_convert_type3A_428 : vector<16xf32>
        %add3A_431 = arith.addf %add3A_379, %bitcast_convert_type3A_429 : vector<16xf32>
        %add3A_432 = arith.constant 3 : i32
        %add3A_433 = arith.addi %mul3A_278, %add3A_432 : i32
        %get3A_434 = arith.index_cast %add3A_433 : i32 to index
        %get3A_435 = arith.constant 0 : index
        %get3A_436 = tpu.vector_load %arg7[%get3A_434, %get3A_435] {strides = array<i32>} : memref<200x64xi32, #tpu.memory_space<vmem>>, vector<1x16xi32>,
        %get3A_437 = vector.shape_cast %get3A_436 : vector<1x16xi32> to vector<16xi32>
        %shift_left3A_438 = arith.constant 16 : i32
        %shift_left3A_439 = vector.broadcast %shift_left3A_438 : i32 to vector<16xi32>
        %shift_left3A_440 = arith.shli %get3A_437, %shift_left3A_439 : vector<16xi32>
        %bitcast_convert_type3A_441 = tpu.bitcast %shift_left3A_440 : vector<16xi32> -> vector<16xf32>
        %bitcast_convert_type3A_442 = tpu.bitcast %get3A_437 : vector<16xi32> -> vector<16xf32>
        %add3A_443 = arith.addf %add3A_391, %bitcast_convert_type3A_441 : vector<16xf32>
        %add3A_444 = arith.addf %add3A_392, %bitcast_convert_type3A_442 : vector<16xf32>
        %add3A_445 = arith.constant 3 : i32
        %add3A_446 = arith.addi %mul3A_278, %add3A_445 : i32
        %get3A_447 = arith.index_cast %add3A_446 : i32 to index
        %get3A_448 = arith.constant 16 : index
        %get3A_449 = tpu.vector_load %arg7[%get3A_447, %get3A_448] {strides = array<i32>} : memref<200x64xi32, #tpu.memory_space<vmem>>, vector<1x16xi32>,
        %get3A_450 = vector.shape_cast %get3A_449 : vector<1x16xi32> to vector<16xi32>
        %shift_left3A_451 = arith.constant 16 : i32
        %shift_left3A_452 = vector.broadcast %shift_left3A_451 : i32 to vector<16xi32>
        %shift_left3A_453 = arith.shli %get3A_450, %shift_left3A_452 : vector<16xi32>
        %bitcast_convert_type3A_454 = tpu.bitcast %shift_left3A_453 : vector<16xi32> -> vector<16xf32>
        %bitcast_convert_type3A_455 = tpu.bitcast %get3A_450 : vector<16xi32> -> vector<16xf32>
        %add3A_456 = arith.addf %add3A_404, %bitcast_convert_type3A_454 : vector<16xf32>
        %add3A_457 = arith.addf %add3A_405, %bitcast_convert_type3A_455 : vector<16xf32>
        %add3A_458 = arith.constant 3 : i32
        %add3A_459 = arith.addi %mul3A_278, %add3A_458 : i32
        %get3A_460 = arith.index_cast %add3A_459 : i32 to index
        %get3A_461 = arith.constant 32 : index
        %get3A_462 = tpu.vector_load %arg7[%get3A_460, %get3A_461] {strides = array<i32>} : memref<200x64xi32, #tpu.memory_space<vmem>>, vector<1x16xi32>,
        %get3A_463 = vector.shape_cast %get3A_462 : vector<1x16xi32> to vector<16xi32>
        %shift_left3A_464 = arith.constant 16 : i32
        %shift_left3A_465 = vector.broadcast %shift_left3A_464 : i32 to vector<16xi32>
        %shift_left3A_466 = arith.shli %get3A_463, %shift_left3A_465 : vector<16xi32>
        %bitcast_convert_type3A_467 = tpu.bitcast %shift_left3A_466 : vector<16xi32> -> vector<16xf32>
        %bitcast_convert_type3A_468 = tpu.bitcast %get3A_463 : vector<16xi32> -> vector<16xf32>
        %add3A_469 = arith.addf %add3A_417, %bitcast_convert_type3A_467 : vector<16xf32>
        %add3A_470 = arith.addf %add3A_418, %bitcast_convert_type3A_468 : vector<16xf32>
        %add3A_471 = arith.constant 3 : i32
        %add3A_472 = arith.addi %mul3A_278, %add3A_471 : i32
        %get3A_473 = arith.index_cast %add3A_472 : i32 to index
        %get3A_474 = arith.constant 48 : index
        %get3A_475 = tpu.vector_load %arg7[%get3A_473, %get3A_474] {strides = array<i32>} : memref<200x64xi32, #tpu.memory_space<vmem>>, vector<1x16xi32>,
        %get3A_476 = vector.shape_cast %get3A_475 : vector<1x16xi32> to vector<16xi32>
        %shift_left3A_477 = arith.constant 16 : i32
        %shift_left3A_478 = vector.broadcast %shift_left3A_477 : i32 to vector<16xi32>
        %shift_left3A_479 = arith.shli %get3A_476, %shift_left3A_478 : vector<16xi32>
        %bitcast_convert_type3A_480 = tpu.bitcast %shift_left3A_479 : vector<16xi32> -> vector<16xf32>
        %bitcast_convert_type3A_481 = tpu.bitcast %get3A_476 : vector<16xi32> -> vector<16xf32>
        %add3A_482 = arith.addf %add3A_430, %bitcast_convert_type3A_480 : vector<16xf32>
        %add3A_483 = arith.addf %add3A_431, %bitcast_convert_type3A_481 : vector<16xf32>
        scf.yield %add3A_443, %add3A_456, %add3A_469, %add3A_482, %add3A_444, %add3A_457, %add3A_470, %add3A_483 : vector<16xf32>, vector<16xf32>, vector<16xf32>, vector<16xf32>, vector<16xf32>, vector<16xf32>, vector<16xf32>, vector<16xf32>
      }
      %scan3A_196 = arith.constant 50 : i32
      %mul3A_197 = arith.constant 5.000000e-03 : f32
      %mul3A_198 = vector.broadcast %mul3A_197 : f32 to vector<16xf32>
      %mul3A_199 = arith.mulf %scan3A_195#0, %mul3A_198 : vector<16xf32>
      %swap3A_200 = arith.index_cast %add3A_174 : i32 to index
      %swap3A_201 = arith.constant 0 : index
      %swap3A_202 = tpu.vector_load %arg8[%swap3A_200, %swap3A_201] {strides = array<i32>} : memref<128x128xf32, #tpu.memory_space<vmem>>, vector<1x16xf32>,
      %swap3A_203 = vector.shape_cast %swap3A_202 : vector<1x16xf32> to vector<16xf32>
      %swap3A_204 = vector.shape_cast %mul3A_199 : vector<16xf32> to vector<1x16xf32>
      tpu.vector_store %arg8[%swap3A_200, %swap3A_201], %swap3A_204 {strides = array<i32>} : memref<128x128xf32, #tpu.memory_space<vmem>>, vector<1x16xf32>,
      %mul3A_205 = arith.constant 5.000000e-03 : f32
      %mul3A_206 = vector.broadcast %mul3A_205 : f32 to vector<16xf32>
      %mul3A_207 = arith.mulf %scan3A_195#4, %mul3A_206 : vector<16xf32>
      %swap3A_208 = arith.index_cast %add3A_174 : i32 to index
      %swap3A_209 = arith.constant 64 : index
      %swap3A_210 = tpu.vector_load %arg8[%swap3A_208, %swap3A_209] {strides = array<i32>} : memref<128x128xf32, #tpu.memory_space<vmem>>, vector<1x16xf32>,
      %swap3A_211 = vector.shape_cast %swap3A_210 : vector<1x16xf32> to vector<16xf32>
      %swap3A_212 = vector.shape_cast %mul3A_207 : vector<16xf32> to vector<1x16xf32>
      tpu.vector_store %arg8[%swap3A_208, %swap3A_209], %swap3A_212 {strides = array<i32>} : memref<128x128xf32, #tpu.memory_space<vmem>>, vector<1x16xf32>,
      %mul3A_213 = arith.constant 5.000000e-03 : f32
      %mul3A_214 = vector.broadcast %mul3A_213 : f32 to vector<16xf32>
      %mul3A_215 = arith.mulf %scan3A_195#1, %mul3A_214 : vector<16xf32>
      %swap3A_216 = arith.index_cast %add3A_174 : i32 to index
      %swap3A_217 = arith.constant 16 : index
      %swap3A_218 = tpu.vector_load %arg8[%swap3A_216, %swap3A_217] {strides = array<i32>} : memref<128x128xf32, #tpu.memory_space<vmem>>, vector<1x16xf32>,
      %swap3A_219 = vector.shape_cast %swap3A_218 : vector<1x16xf32> to vector<16xf32>
      %swap3A_220 = vector.shape_cast %mul3A_215 : vector<16xf32> to vector<1x16xf32>
      tpu.vector_store %arg8[%swap3A_216, %swap3A_217], %swap3A_220 {strides = array<i32>} : memref<128x128xf32, #tpu.memory_space<vmem>>, vector<1x16xf32>,
      %mul3A_221 = arith.constant 5.000000e-03 : f32
      %mul3A_222 = vector.broadcast %mul3A_221 : f32 to vector<16xf32>
      %mul3A_223 = arith.mulf %scan3A_195#5, %mul3A_222 : vector<16xf32>
      %swap3A_224 = arith.index_cast %add3A_174 : i32 to index
      %swap3A_225 = arith.constant 80 : index
      %swap3A_226 = tpu.vector_load %arg8[%swap3A_224, %swap3A_225] {strides = array<i32>} : memref<128x128xf32, #tpu.memory_space<vmem>>, vector<1x16xf32>,
      %swap3A_227 = vector.shape_cast %swap3A_226 : vector<1x16xf32> to vector<16xf32>
      %swap3A_228 = vector.shape_cast %mul3A_223 : vector<16xf32> to vector<1x16xf32>
      tpu.vector_store %arg8[%swap3A_224, %swap3A_225], %swap3A_228 {strides = array<i32>} : memref<128x128xf32, #tpu.memory_space<vmem>>, vector<1x16xf32>,
      %mul3A_229 = arith.constant 5.000000e-03 : f32
      %mul3A_230 = vector.broadcast %mul3A_229 : f32 to vector<16xf32>
      %mul3A_231 = arith.mulf %scan3A_195#2, %mul3A_230 : vector<16xf32>
      %swap3A_232 = arith.index_cast %add3A_174 : i32 to index
      %swap3A_233 = arith.constant 32 : index
      %swap3A_234 = tpu.vector_load %arg8[%swap3A_232, %swap3A_233] {strides = array<i32>} : memref<128x128xf32, #tpu.memory_space<vmem>>, vector<1x16xf32>,
      %swap3A_235 = vector.shape_cast %swap3A_234 : vector<1x16xf32> to vector<16xf32>
      %swap3A_236 = vector.shape_cast %mul3A_231 : vector<16xf32> to vector<1x16xf32>
      tpu.vector_store %arg8[%swap3A_232, %swap3A_233], %swap3A_236 {strides = array<i32>} : memref<128x128xf32, #tpu.memory_space<vmem>>, vector<1x16xf32>,
      %mul3A_237 = arith.constant 5.000000e-03 : f32
      %mul3A_238 = vector.broadcast %mul3A_237 : f32 to vector<16xf32>
      %mul3A_239 = arith.mulf %scan3A_195#6, %mul3A_238 : vector<16xf32>
      %swap3A_240 = arith.index_cast %add3A_174 : i32 to index
      %swap3A_241 = arith.constant 96 : index
      %swap3A_242 = tpu.vector_load %arg8[%swap3A_240, %swap3A_241] {strides = array<i32>} : memref<128x128xf32, #tpu.memory_space<vmem>>, vector<1x16xf32>,
      %swap3A_243 = vector.shape_cast %swap3A_242 : vector<1x16xf32> to vector<16xf32>
      %swap3A_244 = vector.shape_cast %mul3A_239 : vector<16xf32> to vector<1x16xf32>
      tpu.vector_store %arg8[%swap3A_240, %swap3A_241], %swap3A_244 {strides = array<i32>} : memref<128x128xf32, #tpu.memory_space<vmem>>, vector<1x16xf32>,
      %mul3A_245 = arith.constant 5.000000e-03 : f32
      %mul3A_246 = vector.broadcast %mul3A_245 : f32 to vector<16xf32>
      %mul3A_247 = arith.mulf %scan3A_195#3, %mul3A_246 : vector<16xf32>
      %swap3A_248 = arith.index_cast %add3A_174 : i32 to index
      %swap3A_249 = arith.constant 48 : index
      %swap3A_250 = tpu.vector_load %arg8[%swap3A_248, %swap3A_249] {strides = array<i32>} : memref<128x128xf32, #tpu.memory_space<vmem>>, vector<1x16xf32>,
      %swap3A_251 = vector.shape_cast %swap3A_250 : vector<1x16xf32> to vector<16xf32>
      %swap3A_252 = vector.shape_cast %mul3A_247 : vector<16xf32> to vector<1x16xf32>
      tpu.vector_store %arg8[%swap3A_248, %swap3A_249], %swap3A_252 {strides = array<i32>} : memref<128x128xf32, #tpu.memory_space<vmem>>, vector<1x16xf32>,
      %mul3A_253 = arith.constant 5.000000e-03 : f32
      %mul3A_254 = vector.broadcast %mul3A_253 : f32 to vector<16xf32>
      %mul3A_255 = arith.mulf %scan3A_195#7, %mul3A_254 : vector<16xf32>
      %swap3A_256 = arith.index_cast %add3A_174 : i32 to index
      %swap3A_257 = arith.constant 112 : index
      %swap3A_258 = tpu.vector_load %arg8[%swap3A_256, %swap3A_257] {strides = array<i32>} : memref<128x128xf32, #tpu.memory_space<vmem>>, vector<1x16xf32>,
      %swap3A_259 = vector.shape_cast %swap3A_258 : vector<1x16xf32> to vector<16xf32>
      %swap3A_260 = vector.shape_cast %mul3A_255 : vector<16xf32> to vector<1x16xf32>
      tpu.vector_store %arg8[%swap3A_256, %swap3A_257], %swap3A_260 {strides = array<i32>} : memref<128x128xf32, #tpu.memory_space<vmem>>, vector<1x16xf32>,
      %add3A_261 = arith.constant 3 : i32
      %add3A_262 = arith.addi %mul3A_43, %add3A_261 : i32
      %lt3A_263 = arith.constant 128 : i32
      %lt3A_264 = arith.cmpi slt, %add3A_262, %lt3A_263 : i32
      %convert_element_type3A_265 = arith.extui %lt3A_264 : i1 to i32
      %cond3A_266 = arith.constant 0 : i32
      %cond3A_267 = arith.cmpi ne, %convert_element_type3A_265, %cond3A_266 : i32
      scf.if %cond3A_267 {
        %add3A_268 = arith.constant 3 : i32
        %add3A_269 = arith.addi %mul3A_43, %add3A_268 : i32
        %mul3A_270 = arith.constant 200 : i32
        %mul3A_271 = arith.muli %add3A_269, %mul3A_270 : i32
        %dma_start3A_272 = arith.constant 0 : i32
        %dma_start3A_273 = arith.constant 0 : i32
        %dma_start3A_274 = tpu.memref_slice %arg7[%dma_start3A_272, %dma_start3A_273] : memref<200x64xi32, #tpu.memory_space<vmem>> -> memref<104x64xi32, #tpu.memory_space<vmem>>
        %dma_start3A_275 = tpu.memref_slice %arg5[%mul3A_271] : memref<25600xi32, #tpu.memory_space<vmem>> -> memref<104xi32, #tpu.memory_space<vmem>>
        %dma_start3A_276 = arith.constant 0 : i32
        %dma_start3A_277 = arith.constant 0 : i32
        %dma_start3A_278 = tpu.memref_slice %arg3[%dma_start3A_276, %dma_start3A_277] : memref<100000x64xi32, #tpu.memory_space<hbm>> -> memref<100000x64xi32, #tpu.memory_space<hbm>>
        tpu.enqueue_indirect_dma source(%dma_start3A_278 : memref<100000x64xi32, #tpu.memory_space<hbm>>) target(%dma_start3A_274 : memref<104x64xi32, #tpu.memory_space<vmem>>) offsets(%dma_start3A_275 : memref<104xi32, #tpu.memory_space<vmem>>) semaphore(%arg10 : memref<!tpu.dma_semaphore, #tpu.memory_space<semaphore_mem>>)
        %mul3A_279 = arith.constant 200 : i32
        %mul3A_280 = arith.muli %add3A_269, %mul3A_279 : i32
        %add3A_281 = arith.constant 104 : i32
        %add3A_282 = arith.addi %mul3A_280, %add3A_281 : i32
        %dma_start3A_283 = arith.constant 104 : i32
        %dma_start3A_284 = arith.constant 0 : i32
        %dma_start3A_285 = tpu.memref_slice %arg7[%dma_start3A_283, %dma_start3A_284] : memref<200x64xi32, #tpu.memory_space<vmem>> -> memref<96x64xi32, #tpu.memory_space<vmem>>
        %dma_start3A_286 = tpu.memref_slice %arg5[%add3A_282] : memref<25600xi32, #tpu.memory_space<vmem>> -> memref<96xi32, #tpu.memory_space<vmem>>
        %dma_start3A_287 = arith.constant 0 : i32
        %dma_start3A_288 = arith.constant 0 : i32
        %dma_start3A_289 = tpu.memref_slice %arg3[%dma_start3A_287, %dma_start3A_288] : memref<100000x64xi32, #tpu.memory_space<hbm>> -> memref<100000x64xi32, #tpu.memory_space<hbm>>
        tpu.enqueue_indirect_dma source(%dma_start3A_289 : memref<100000x64xi32, #tpu.memory_space<hbm>>) target(%dma_start3A_285 : memref<96x64xi32, #tpu.memory_space<vmem>>) offsets(%dma_start3A_286 : memref<96xi32, #tpu.memory_space<vmem>>) semaphore(%arg10 : memref<!tpu.dma_semaphore, #tpu.memory_space<semaphore_mem>>)
      } else {
      }
    }
    %scan3A_40 = arith.constant 64 : i32
    "tpu.region"() ({
      %run_scoped3A = tpu.sem_alloc : memref<!tpu.dma_semaphore, #tpu.memory_space<semaphore_mem>>
      %dma_start3A_41 = arith.constant 0 : i32
      %dma_start3A_42 = tpu.memref_slice %arg4[%mul3A_2, %dma_start3A_41] : memref<4096x128xf32, #tpu.memory_space<hbm>> -> memref<128x128xf32, #tpu.memory_space<hbm>>
      %dma_start3A_43 = arith.constant 0 : i32
      %dma_start3A_44 = tpu.memref_slice %arg4[%mul3A_2, %dma_start3A_43] : memref<4096x128xf32, #tpu.memory_space<hbm>> -> memref<128x128xf32, #tpu.memory_space<hbm>>
      tpu.enqueue_dma source(%arg8 : memref<128x128xf32, #tpu.memory_space<vmem>>) target(%dma_start3A_44 : memref<128x128xf32, #tpu.memory_space<hbm>>) target_semaphore(%run_scoped3A : memref<!tpu.dma_semaphore, #tpu.memory_space<semaphore_mem>>)
      %dma_wait3A = arith.constant 0 : i32
      %dma_wait3A_45 = tpu.memref_slice %arg4[%mul3A_2, %dma_wait3A] : memref<4096x128xf32, #tpu.memory_space<hbm>> -> memref<128x128xf32, #tpu.memory_space<hbm>>
      %dma_wait3A_46 = arith.constant 0 : i32
      %dma_wait3A_47 = tpu.memref_slice %arg4[%mul3A_2, %dma_wait3A_46] : memref<4096x128xf32, #tpu.memory_space<hbm>> -> memref<128x128xf32, #tpu.memory_space<hbm>>
      tpu.wait_dma2 semaphore(%run_scoped3A : memref<!tpu.dma_semaphore, #tpu.memory_space<semaphore_mem>>) src(%arg8 : memref<128x128xf32, #tpu.memory_space<vmem>>) dst(%dma_wait3A_47 : memref<128x128xf32, #tpu.memory_space<hbm>>)
      tpu.yield
    }) : () -> ()
    return
  }
}

#map = affine_map<(d0, d1) -> (0, 0)>
module attributes {stable_mosaic.version = 14 : i64} {
  func.func @_pack_table(%arg0: i32, %arg1: i32, %arg2: memref<100000x128xf32, #tpu.memory_space<hbm>>, %arg3: memref<100000x64xi32, #tpu.memory_space<hbm>>, %arg4: memref<125x128xf32, #tpu.memory_space<vmem>>, %arg5: memref<125x128xf32, #tpu.memory_space<vmem>>, %arg6: memref<125x64xi32, #tpu.memory_space<vmem>>, %arg7: memref<125x64xi32, #tpu.memory_space<vmem>>, %arg8: memref<!tpu.dma_semaphore, #tpu.memory_space<semaphore_mem>>, %arg9: memref<!tpu.dma_semaphore, #tpu.memory_space<semaphore_mem>>, %arg10: memref<!tpu.dma_semaphore, #tpu.memory_space<semaphore_mem>>, %arg11: memref<!tpu.dma_semaphore, #tpu.memory_space<semaphore_mem>>) attributes {dimension_semantics = [#tpu.dimension_semantics<core_parallel>, #tpu.dimension_semantics<subcore_parallel>], iteration_bounds = array<i64: 2, 16>, scalar_prefetch = 0 : i64, scratch_operands = 8 : i64, tpu.core_type = #tpu.core_type<sc_vector_subcore>, window_params = [{transform_indices = #map}, {transform_indices = #map}]} {
    %mul3A = arith.constant 2 : i32
    %mul3A_0 = arith.muli %arg1, %mul3A : i32
    %add3A = arith.addi %mul3A_0, %arg0 : i32
    %mul3A_1 = arith.constant 3125 : i32
    %mul3A_2 = arith.muli %add3A, %mul3A_1 : i32
    %add3A_3 = arith.constant 0 : i32
    %add3A_4 = arith.addi %mul3A_2, %add3A_3 : i32
    %dma_start3A = arith.constant 0 : i32
    %dma_start3A_5 = tpu.memref_slice %arg2[%add3A_4, %dma_start3A] : memref<100000x128xf32, #tpu.memory_space<hbm>> -> memref<125x128xf32, #tpu.memory_space<hbm>>
    %dma_start3A_6 = arith.constant 0 : i32
    %dma_start3A_7 = tpu.memref_slice %arg2[%add3A_4, %dma_start3A_6] : memref<100000x128xf32, #tpu.memory_space<hbm>> -> memref<125x128xf32, #tpu.memory_space<hbm>>
    tpu.enqueue_dma source(%dma_start3A_7 : memref<125x128xf32, #tpu.memory_space<hbm>>) target(%arg4 : memref<125x128xf32, #tpu.memory_space<vmem>>) target_semaphore(%arg8 : memref<!tpu.dma_semaphore, #tpu.memory_space<semaphore_mem>>)
    %add3A_8 = arith.constant 125 : i32
    %add3A_9 = arith.addi %mul3A_2, %add3A_8 : i32
    %dma_start3A_10 = arith.constant 0 : i32
    %dma_start3A_11 = tpu.memref_slice %arg2[%add3A_9, %dma_start3A_10] : memref<100000x128xf32, #tpu.memory_space<hbm>> -> memref<125x128xf32, #tpu.memory_space<hbm>>
    %dma_start3A_12 = arith.constant 0 : i32
    %dma_start3A_13 = tpu.memref_slice %arg2[%add3A_9, %dma_start3A_12] : memref<100000x128xf32, #tpu.memory_space<hbm>> -> memref<125x128xf32, #tpu.memory_space<hbm>>
    tpu.enqueue_dma source(%dma_start3A_13 : memref<125x128xf32, #tpu.memory_space<hbm>>) target(%arg5 : memref<125x128xf32, #tpu.memory_space<vmem>>) target_semaphore(%arg9 : memref<!tpu.dma_semaphore, #tpu.memory_space<semaphore_mem>>)
    %scan3A = arith.constant 0 : i32
    %scan3A_14 = arith.constant 0 : i32
    %scan3A_15 = arith.constant 12 : i32
    %scan3A_16 = arith.addi %scan3A_14, %scan3A_15 : i32
    %scan3A_17 = arith.constant 1 : i32
    scf.for %scan3A_54 = %scan3A_14 to %scan3A_16 step %scan3A_17  : i32 {
      %mul3A_55 = arith.constant 2 : i32
      %mul3A_56 = arith.muli %scan3A_54, %mul3A_55 : i32
      %dma_wait3A_57 = arith.constant 0 : i32
      %dma_wait3A_58 = arith.constant 0 : i32
      %dma_wait3A_59 = tpu.memref_slice %arg2[%dma_wait3A_57, %dma_wait3A_58] : memref<100000x128xf32, #tpu.memory_space<hbm>> -> memref<125x128xf32, #tpu.memory_space<hbm>>
      %dma_wait3A_60 = arith.constant 0 : i32
      %dma_wait3A_61 = arith.constant 0 : i32
      %dma_wait3A_62 = tpu.memref_slice %arg2[%dma_wait3A_60, %dma_wait3A_61] : memref<100000x128xf32, #tpu.memory_space<hbm>> -> memref<125x128xf32, #tpu.memory_space<hbm>>
      tpu.wait_dma2 semaphore(%arg8 : memref<!tpu.dma_semaphore, #tpu.memory_space<semaphore_mem>>) src(%dma_wait3A_62 : memref<125x128xf32, #tpu.memory_space<hbm>>) dst(%arg4 : memref<125x128xf32, #tpu.memory_space<vmem>>)
      %gt3A = arith.constant 0 : i32
      %gt3A_63 = arith.cmpi sgt, %scan3A_54, %gt3A : i32
      %convert_element_type3A = arith.extui %gt3A_63 : i1 to i32
      %cond3A = arith.constant 0 : i32
      %cond3A_64 = arith.cmpi ne, %convert_element_type3A, %cond3A : i32
      scf.if %cond3A_64 {
        %dma_wait3A_117 = arith.constant 0 : i32
        %dma_wait3A_118 = arith.constant 0 : i32
        %dma_wait3A_119 = tpu.memref_slice %arg3[%dma_wait3A_117, %dma_wait3A_118] : memref<100000x64xi32, #tpu.memory_space<hbm>> -> memref<125x64xi32, #tpu.memory_space<hbm>>
        %dma_wait3A_120 = arith.constant 0 : i32
        %dma_wait3A_121 = arith.constant 0 : i32
        %dma_wait3A_122 = tpu.memref_slice %arg3[%dma_wait3A_120, %dma_wait3A_121] : memref<100000x64xi32, #tpu.memory_space<hbm>> -> memref<125x64xi32, #tpu.memory_space<hbm>>
        tpu.wait_dma2 semaphore(%arg10 : memref<!tpu.dma_semaphore, #tpu.memory_space<semaphore_mem>>) src(%arg6 : memref<125x64xi32, #tpu.memory_space<vmem>>) dst(%dma_wait3A_122 : memref<125x64xi32, #tpu.memory_space<hbm>>)
      } else {
      }
      %scan3A_65 = arith.constant 0 : i32
      %scan3A_66 = arith.constant 0 : i32
      %scan3A_67 = arith.constant 25 : i32
      %scan3A_68 = arith.addi %scan3A_66, %scan3A_67 : i32
      %scan3A_69 = arith.constant 1 : i32
      scf.for %scan3A_117 = %scan3A_66 to %scan3A_68 step %scan3A_69  : i32 {
        %mul3A_118 = arith.constant 5 : i32
        %mul3A_119 = arith.muli %scan3A_117, %mul3A_118 : i32
        %add3A_120 = arith.constant 0 : i32
        %add3A_121 = arith.addi %mul3A_119, %add3A_120 : i32
        %get3A = arith.index_cast %add3A_121 : i32 to index
        %get3A_122 = arith.constant 0 : index
        %get3A_123 = tpu.vector_load %arg4[%get3A, %get3A_122] {strides = array<i32>} : memref<125x128xf32, #tpu.memory_space<vmem>>, vector<1x16xf32>,
        %get3A_124 = vector.shape_cast %get3A_123 : vector<1x16xf32> to vector<16xf32>
        %get3A_125 = arith.index_cast %add3A_121 : i32 to index
        %get3A_126 = arith.constant 64 : index
        %get3A_127 = tpu.vector_load %arg4[%get3A_125, %get3A_126] {strides = array<i32>} : memref<125x128xf32, #tpu.memory_space<vmem>>, vector<1x16xf32>,
        %get3A_128 = vector.shape_cast %get3A_127 : vector<1x16xf32> to vector<16xf32>
        %bitcast_convert_type3A = tpu.bitcast %get3A_124 : vector<16xf32> -> vector<16xi32>
        %bitcast_convert_type3A_129 = tpu.bitcast %get3A_128 : vector<16xf32> -> vector<16xi32>
        %shift_right_logical3A = arith.constant 16 : i32
        %shift_right_logical3A_130 = vector.broadcast %shift_right_logical3A : i32 to vector<16xi32>
        %shift_right_logical3A_131 = arith.shrui %bitcast_convert_type3A, %shift_right_logical3A_130 : vector<16xi32>
        %and3A = arith.constant -65536 : i32
        %and3A_132 = vector.broadcast %and3A : i32 to vector<16xi32>
        %and3A_133 = arith.andi %bitcast_convert_type3A_129, %and3A_132 : vector<16xi32>
        %or3A = arith.ori %and3A_133, %shift_right_logical3A_131 : vector<16xi32>
        %swap3A = arith.index_cast %add3A_121 : i32 to index
        %swap3A_134 = arith.constant 0 : index
        %swap3A_135 = tpu.vector_load %arg6[%swap3A, %swap3A_134] {strides = array<i32>} : memref<125x64xi32, #tpu.memory_space<vmem>>, vector<1x16xi32>,
        %swap3A_136 = vector.shape_cast %swap3A_135 : vector<1x16xi32> to vector<16xi32>
        %swap3A_137 = vector.shape_cast %or3A : vector<16xi32> to vector<1x16xi32>
        tpu.vector_store %arg6[%swap3A, %swap3A_134], %swap3A_137 {strides = array<i32>} : memref<125x64xi32, #tpu.memory_space<vmem>>, vector<1x16xi32>,
        %get3A_138 = arith.index_cast %add3A_121 : i32 to index
        %get3A_139 = arith.constant 16 : index
        %get3A_140 = tpu.vector_load %arg4[%get3A_138, %get3A_139] {strides = array<i32>} : memref<125x128xf32, #tpu.memory_space<vmem>>, vector<1x16xf32>,
        %get3A_141 = vector.shape_cast %get3A_140 : vector<1x16xf32> to vector<16xf32>
        %get3A_142 = arith.index_cast %add3A_121 : i32 to index
        %get3A_143 = arith.constant 80 : index
        %get3A_144 = tpu.vector_load %arg4[%get3A_142, %get3A_143] {strides = array<i32>} : memref<125x128xf32, #tpu.memory_space<vmem>>, vector<1x16xf32>,
        %get3A_145 = vector.shape_cast %get3A_144 : vector<1x16xf32> to vector<16xf32>
        %bitcast_convert_type3A_146 = tpu.bitcast %get3A_141 : vector<16xf32> -> vector<16xi32>
        %bitcast_convert_type3A_147 = tpu.bitcast %get3A_145 : vector<16xf32> -> vector<16xi32>
        %shift_right_logical3A_148 = arith.constant 16 : i32
        %shift_right_logical3A_149 = vector.broadcast %shift_right_logical3A_148 : i32 to vector<16xi32>
        %shift_right_logical3A_150 = arith.shrui %bitcast_convert_type3A_146, %shift_right_logical3A_149 : vector<16xi32>
        %and3A_151 = arith.constant -65536 : i32
        %and3A_152 = vector.broadcast %and3A_151 : i32 to vector<16xi32>
        %and3A_153 = arith.andi %bitcast_convert_type3A_147, %and3A_152 : vector<16xi32>
        %or3A_154 = arith.ori %and3A_153, %shift_right_logical3A_150 : vector<16xi32>
        %swap3A_155 = arith.index_cast %add3A_121 : i32 to index
        %swap3A_156 = arith.constant 16 : index
        %swap3A_157 = tpu.vector_load %arg6[%swap3A_155, %swap3A_156] {strides = array<i32>} : memref<125x64xi32, #tpu.memory_space<vmem>>, vector<1x16xi32>,
        %swap3A_158 = vector.shape_cast %swap3A_157 : vector<1x16xi32> to vector<16xi32>
        %swap3A_159 = vector.shape_cast %or3A_154 : vector<16xi32> to vector<1x16xi32>
        tpu.vector_store %arg6[%swap3A_155, %swap3A_156], %swap3A_159 {strides = array<i32>} : memref<125x64xi32, #tpu.memory_space<vmem>>, vector<1x16xi32>,
        %get3A_160 = arith.index_cast %add3A_121 : i32 to index
        %get3A_161 = arith.constant 32 : index
        %get3A_162 = tpu.vector_load %arg4[%get3A_160, %get3A_161] {strides = array<i32>} : memref<125x128xf32, #tpu.memory_space<vmem>>, vector<1x16xf32>,
        %get3A_163 = vector.shape_cast %get3A_162 : vector<1x16xf32> to vector<16xf32>
        %get3A_164 = arith.index_cast %add3A_121 : i32 to index
        %get3A_165 = arith.constant 96 : index
        %get3A_166 = tpu.vector_load %arg4[%get3A_164, %get3A_165] {strides = array<i32>} : memref<125x128xf32, #tpu.memory_space<vmem>>, vector<1x16xf32>,
        %get3A_167 = vector.shape_cast %get3A_166 : vector<1x16xf32> to vector<16xf32>
        %bitcast_convert_type3A_168 = tpu.bitcast %get3A_163 : vector<16xf32> -> vector<16xi32>
        %bitcast_convert_type3A_169 = tpu.bitcast %get3A_167 : vector<16xf32> -> vector<16xi32>
        %shift_right_logical3A_170 = arith.constant 16 : i32
        %shift_right_logical3A_171 = vector.broadcast %shift_right_logical3A_170 : i32 to vector<16xi32>
        %shift_right_logical3A_172 = arith.shrui %bitcast_convert_type3A_168, %shift_right_logical3A_171 : vector<16xi32>
        %and3A_173 = arith.constant -65536 : i32
        %and3A_174 = vector.broadcast %and3A_173 : i32 to vector<16xi32>
        %and3A_175 = arith.andi %bitcast_convert_type3A_169, %and3A_174 : vector<16xi32>
        %or3A_176 = arith.ori %and3A_175, %shift_right_logical3A_172 : vector<16xi32>
        %swap3A_177 = arith.index_cast %add3A_121 : i32 to index
        %swap3A_178 = arith.constant 32 : index
        %swap3A_179 = tpu.vector_load %arg6[%swap3A_177, %swap3A_178] {strides = array<i32>} : memref<125x64xi32, #tpu.memory_space<vmem>>, vector<1x16xi32>,
        %swap3A_180 = vector.shape_cast %swap3A_179 : vector<1x16xi32> to vector<16xi32>
        %swap3A_181 = vector.shape_cast %or3A_176 : vector<16xi32> to vector<1x16xi32>
        tpu.vector_store %arg6[%swap3A_177, %swap3A_178], %swap3A_181 {strides = array<i32>} : memref<125x64xi32, #tpu.memory_space<vmem>>, vector<1x16xi32>,
        %get3A_182 = arith.index_cast %add3A_121 : i32 to index
        %get3A_183 = arith.constant 48 : index
        %get3A_184 = tpu.vector_load %arg4[%get3A_182, %get3A_183] {strides = array<i32>} : memref<125x128xf32, #tpu.memory_space<vmem>>, vector<1x16xf32>,
        %get3A_185 = vector.shape_cast %get3A_184 : vector<1x16xf32> to vector<16xf32>
        %get3A_186 = arith.index_cast %add3A_121 : i32 to index
        %get3A_187 = arith.constant 112 : index
        %get3A_188 = tpu.vector_load %arg4[%get3A_186, %get3A_187] {strides = array<i32>} : memref<125x128xf32, #tpu.memory_space<vmem>>, vector<1x16xf32>,
        %get3A_189 = vector.shape_cast %get3A_188 : vector<1x16xf32> to vector<16xf32>
        %bitcast_convert_type3A_190 = tpu.bitcast %get3A_185 : vector<16xf32> -> vector<16xi32>
        %bitcast_convert_type3A_191 = tpu.bitcast %get3A_189 : vector<16xf32> -> vector<16xi32>
        %shift_right_logical3A_192 = arith.constant 16 : i32
        %shift_right_logical3A_193 = vector.broadcast %shift_right_logical3A_192 : i32 to vector<16xi32>
        %shift_right_logical3A_194 = arith.shrui %bitcast_convert_type3A_190, %shift_right_logical3A_193 : vector<16xi32>
        %and3A_195 = arith.constant -65536 : i32
        %and3A_196 = vector.broadcast %and3A_195 : i32 to vector<16xi32>
        %and3A_197 = arith.andi %bitcast_convert_type3A_191, %and3A_196 : vector<16xi32>
        %or3A_198 = arith.ori %and3A_197, %shift_right_logical3A_194 : vector<16xi32>
        %swap3A_199 = arith.index_cast %add3A_121 : i32 to index
        %swap3A_200 = arith.constant 48 : index
        %swap3A_201 = tpu.vector_load %arg6[%swap3A_199, %swap3A_200] {strides = array<i32>} : memref<125x64xi32, #tpu.memory_space<vmem>>, vector<1x16xi32>,
        %swap3A_202 = vector.shape_cast %swap3A_201 : vector<1x16xi32> to vector<16xi32>
        %swap3A_203 = vector.shape_cast %or3A_198 : vector<16xi32> to vector<1x16xi32>
        tpu.vector_store %arg6[%swap3A_199, %swap3A_200], %swap3A_203 {strides = array<i32>} : memref<125x64xi32, #tpu.memory_space<vmem>>, vector<1x16xi32>,
        %mul3A_204 = arith.constant 5 : i32
        %mul3A_205 = arith.muli %scan3A_117, %mul3A_204 : i32
        %add3A_206 = arith.constant 1 : i32
        %add3A_207 = arith.addi %mul3A_205, %add3A_206 : i32
        %get3A_208 = arith.index_cast %add3A_207 : i32 to index
        %get3A_209 = arith.constant 0 : index
        %get3A_210 = tpu.vector_load %arg4[%get3A_208, %get3A_209] {strides = array<i32>} : memref<125x128xf32, #tpu.memory_space<vmem>>, vector<1x16xf32>,
        %get3A_211 = vector.shape_cast %get3A_210 : vector<1x16xf32> to vector<16xf32>
        %get3A_212 = arith.index_cast %add3A_207 : i32 to index
        %get3A_213 = arith.constant 64 : index
        %get3A_214 = tpu.vector_load %arg4[%get3A_212, %get3A_213] {strides = array<i32>} : memref<125x128xf32, #tpu.memory_space<vmem>>, vector<1x16xf32>,
        %get3A_215 = vector.shape_cast %get3A_214 : vector<1x16xf32> to vector<16xf32>
        %bitcast_convert_type3A_216 = tpu.bitcast %get3A_211 : vector<16xf32> -> vector<16xi32>
        %bitcast_convert_type3A_217 = tpu.bitcast %get3A_215 : vector<16xf32> -> vector<16xi32>
        %shift_right_logical3A_218 = arith.constant 16 : i32
        %shift_right_logical3A_219 = vector.broadcast %shift_right_logical3A_218 : i32 to vector<16xi32>
        %shift_right_logical3A_220 = arith.shrui %bitcast_convert_type3A_216, %shift_right_logical3A_219 : vector<16xi32>
        %and3A_221 = arith.constant -65536 : i32
        %and3A_222 = vector.broadcast %and3A_221 : i32 to vector<16xi32>
        %and3A_223 = arith.andi %bitcast_convert_type3A_217, %and3A_222 : vector<16xi32>
        %or3A_224 = arith.ori %and3A_223, %shift_right_logical3A_220 : vector<16xi32>
        %swap3A_225 = arith.index_cast %add3A_207 : i32 to index
        %swap3A_226 = arith.constant 0 : index
        %swap3A_227 = tpu.vector_load %arg6[%swap3A_225, %swap3A_226] {strides = array<i32>} : memref<125x64xi32, #tpu.memory_space<vmem>>, vector<1x16xi32>,
        %swap3A_228 = vector.shape_cast %swap3A_227 : vector<1x16xi32> to vector<16xi32>
        %swap3A_229 = vector.shape_cast %or3A_224 : vector<16xi32> to vector<1x16xi32>
        tpu.vector_store %arg6[%swap3A_225, %swap3A_226], %swap3A_229 {strides = array<i32>} : memref<125x64xi32, #tpu.memory_space<vmem>>, vector<1x16xi32>,
        %get3A_230 = arith.index_cast %add3A_207 : i32 to index
        %get3A_231 = arith.constant 16 : index
        %get3A_232 = tpu.vector_load %arg4[%get3A_230, %get3A_231] {strides = array<i32>} : memref<125x128xf32, #tpu.memory_space<vmem>>, vector<1x16xf32>,
        %get3A_233 = vector.shape_cast %get3A_232 : vector<1x16xf32> to vector<16xf32>
        %get3A_234 = arith.index_cast %add3A_207 : i32 to index
        %get3A_235 = arith.constant 80 : index
        %get3A_236 = tpu.vector_load %arg4[%get3A_234, %get3A_235] {strides = array<i32>} : memref<125x128xf32, #tpu.memory_space<vmem>>, vector<1x16xf32>,
        %get3A_237 = vector.shape_cast %get3A_236 : vector<1x16xf32> to vector<16xf32>
        %bitcast_convert_type3A_238 = tpu.bitcast %get3A_233 : vector<16xf32> -> vector<16xi32>
        %bitcast_convert_type3A_239 = tpu.bitcast %get3A_237 : vector<16xf32> -> vector<16xi32>
        %shift_right_logical3A_240 = arith.constant 16 : i32
        %shift_right_logical3A_241 = vector.broadcast %shift_right_logical3A_240 : i32 to vector<16xi32>
        %shift_right_logical3A_242 = arith.shrui %bitcast_convert_type3A_238, %shift_right_logical3A_241 : vector<16xi32>
        %and3A_243 = arith.constant -65536 : i32
        %and3A_244 = vector.broadcast %and3A_243 : i32 to vector<16xi32>
        %and3A_245 = arith.andi %bitcast_convert_type3A_239, %and3A_244 : vector<16xi32>
        %or3A_246 = arith.ori %and3A_245, %shift_right_logical3A_242 : vector<16xi32>
        %swap3A_247 = arith.index_cast %add3A_207 : i32 to index
        %swap3A_248 = arith.constant 16 : index
        %swap3A_249 = tpu.vector_load %arg6[%swap3A_247, %swap3A_248] {strides = array<i32>} : memref<125x64xi32, #tpu.memory_space<vmem>>, vector<1x16xi32>,
        %swap3A_250 = vector.shape_cast %swap3A_249 : vector<1x16xi32> to vector<16xi32>
        %swap3A_251 = vector.shape_cast %or3A_246 : vector<16xi32> to vector<1x16xi32>
        tpu.vector_store %arg6[%swap3A_247, %swap3A_248], %swap3A_251 {strides = array<i32>} : memref<125x64xi32, #tpu.memory_space<vmem>>, vector<1x16xi32>,
        %get3A_252 = arith.index_cast %add3A_207 : i32 to index
        %get3A_253 = arith.constant 32 : index
        %get3A_254 = tpu.vector_load %arg4[%get3A_252, %get3A_253] {strides = array<i32>} : memref<125x128xf32, #tpu.memory_space<vmem>>, vector<1x16xf32>,
        %get3A_255 = vector.shape_cast %get3A_254 : vector<1x16xf32> to vector<16xf32>
        %get3A_256 = arith.index_cast %add3A_207 : i32 to index
        %get3A_257 = arith.constant 96 : index
        %get3A_258 = tpu.vector_load %arg4[%get3A_256, %get3A_257] {strides = array<i32>} : memref<125x128xf32, #tpu.memory_space<vmem>>, vector<1x16xf32>,
        %get3A_259 = vector.shape_cast %get3A_258 : vector<1x16xf32> to vector<16xf32>
        %bitcast_convert_type3A_260 = tpu.bitcast %get3A_255 : vector<16xf32> -> vector<16xi32>
        %bitcast_convert_type3A_261 = tpu.bitcast %get3A_259 : vector<16xf32> -> vector<16xi32>
        %shift_right_logical3A_262 = arith.constant 16 : i32
        %shift_right_logical3A_263 = vector.broadcast %shift_right_logical3A_262 : i32 to vector<16xi32>
        %shift_right_logical3A_264 = arith.shrui %bitcast_convert_type3A_260, %shift_right_logical3A_263 : vector<16xi32>
        %and3A_265 = arith.constant -65536 : i32
        %and3A_266 = vector.broadcast %and3A_265 : i32 to vector<16xi32>
        %and3A_267 = arith.andi %bitcast_convert_type3A_261, %and3A_266 : vector<16xi32>
        %or3A_268 = arith.ori %and3A_267, %shift_right_logical3A_264 : vector<16xi32>
        %swap3A_269 = arith.index_cast %add3A_207 : i32 to index
        %swap3A_270 = arith.constant 32 : index
        %swap3A_271 = tpu.vector_load %arg6[%swap3A_269, %swap3A_270] {strides = array<i32>} : memref<125x64xi32, #tpu.memory_space<vmem>>, vector<1x16xi32>,
        %swap3A_272 = vector.shape_cast %swap3A_271 : vector<1x16xi32> to vector<16xi32>
        %swap3A_273 = vector.shape_cast %or3A_268 : vector<16xi32> to vector<1x16xi32>
        tpu.vector_store %arg6[%swap3A_269, %swap3A_270], %swap3A_273 {strides = array<i32>} : memref<125x64xi32, #tpu.memory_space<vmem>>, vector<1x16xi32>,
        %get3A_274 = arith.index_cast %add3A_207 : i32 to index
        %get3A_275 = arith.constant 48 : index
        %get3A_276 = tpu.vector_load %arg4[%get3A_274, %get3A_275] {strides = array<i32>} : memref<125x128xf32, #tpu.memory_space<vmem>>, vector<1x16xf32>,
        %get3A_277 = vector.shape_cast %get3A_276 : vector<1x16xf32> to vector<16xf32>
        %get3A_278 = arith.index_cast %add3A_207 : i32 to index
        %get3A_279 = arith.constant 112 : index
        %get3A_280 = tpu.vector_load %arg4[%get3A_278, %get3A_279] {strides = array<i32>} : memref<125x128xf32, #tpu.memory_space<vmem>>, vector<1x16xf32>,
        %get3A_281 = vector.shape_cast %get3A_280 : vector<1x16xf32> to vector<16xf32>
        %bitcast_convert_type3A_282 = tpu.bitcast %get3A_277 : vector<16xf32> -> vector<16xi32>
        %bitcast_convert_type3A_283 = tpu.bitcast %get3A_281 : vector<16xf32> -> vector<16xi32>
        %shift_right_logical3A_284 = arith.constant 16 : i32
        %shift_right_logical3A_285 = vector.broadcast %shift_right_logical3A_284 : i32 to vector<16xi32>
        %shift_right_logical3A_286 = arith.shrui %bitcast_convert_type3A_282, %shift_right_logical3A_285 : vector<16xi32>
        %and3A_287 = arith.constant -65536 : i32
        %and3A_288 = vector.broadcast %and3A_287 : i32 to vector<16xi32>
        %and3A_289 = arith.andi %bitcast_convert_type3A_283, %and3A_288 : vector<16xi32>
        %or3A_290 = arith.ori %and3A_289, %shift_right_logical3A_286 : vector<16xi32>
        %swap3A_291 = arith.index_cast %add3A_207 : i32 to index
        %swap3A_292 = arith.constant 48 : index
        %swap3A_293 = tpu.vector_load %arg6[%swap3A_291, %swap3A_292] {strides = array<i32>} : memref<125x64xi32, #tpu.memory_space<vmem>>, vector<1x16xi32>,
        %swap3A_294 = vector.shape_cast %swap3A_293 : vector<1x16xi32> to vector<16xi32>
        %swap3A_295 = vector.shape_cast %or3A_290 : vector<16xi32> to vector<1x16xi32>
        tpu.vector_store %arg6[%swap3A_291, %swap3A_292], %swap3A_295 {strides = array<i32>} : memref<125x64xi32, #tpu.memory_space<vmem>>, vector<1x16xi32>,
        %mul3A_296 = arith.constant 5 : i32
        %mul3A_297 = arith.muli %scan3A_117, %mul3A_296 : i32
        %add3A_298 = arith.constant 2 : i32
        %add3A_299 = arith.addi %mul3A_297, %add3A_298 : i32
        %get3A_300 = arith.index_cast %add3A_299 : i32 to index
        %get3A_301 = arith.constant 0 : index
        %get3A_302 = tpu.vector_load %arg4[%get3A_300, %get3A_301] {strides = array<i32>} : memref<125x128xf32, #tpu.memory_space<vmem>>, vector<1x16xf32>,
        %get3A_303 = vector.shape_cast %get3A_302 : vector<1x16xf32> to vector<16xf32>
        %get3A_304 = arith.index_cast %add3A_299 : i32 to index
        %get3A_305 = arith.constant 64 : index
        %get3A_306 = tpu.vector_load %arg4[%get3A_304, %get3A_305] {strides = array<i32>} : memref<125x128xf32, #tpu.memory_space<vmem>>, vector<1x16xf32>,
        %get3A_307 = vector.shape_cast %get3A_306 : vector<1x16xf32> to vector<16xf32>
        %bitcast_convert_type3A_308 = tpu.bitcast %get3A_303 : vector<16xf32> -> vector<16xi32>
        %bitcast_convert_type3A_309 = tpu.bitcast %get3A_307 : vector<16xf32> -> vector<16xi32>
        %shift_right_logical3A_310 = arith.constant 16 : i32
        %shift_right_logical3A_311 = vector.broadcast %shift_right_logical3A_310 : i32 to vector<16xi32>
        %shift_right_logical3A_312 = arith.shrui %bitcast_convert_type3A_308, %shift_right_logical3A_311 : vector<16xi32>
        %and3A_313 = arith.constant -65536 : i32
        %and3A_314 = vector.broadcast %and3A_313 : i32 to vector<16xi32>
        %and3A_315 = arith.andi %bitcast_convert_type3A_309, %and3A_314 : vector<16xi32>
        %or3A_316 = arith.ori %and3A_315, %shift_right_logical3A_312 : vector<16xi32>
        %swap3A_317 = arith.index_cast %add3A_299 : i32 to index
        %swap3A_318 = arith.constant 0 : index
        %swap3A_319 = tpu.vector_load %arg6[%swap3A_317, %swap3A_318] {strides = array<i32>} : memref<125x64xi32, #tpu.memory_space<vmem>>, vector<1x16xi32>,
        %swap3A_320 = vector.shape_cast %swap3A_319 : vector<1x16xi32> to vector<16xi32>
        %swap3A_321 = vector.shape_cast %or3A_316 : vector<16xi32> to vector<1x16xi32>
        tpu.vector_store %arg6[%swap3A_317, %swap3A_318], %swap3A_321 {strides = array<i32>} : memref<125x64xi32, #tpu.memory_space<vmem>>, vector<1x16xi32>,
        %get3A_322 = arith.index_cast %add3A_299 : i32 to index
        %get3A_323 = arith.constant 16 : index
        %get3A_324 = tpu.vector_load %arg4[%get3A_322, %get3A_323] {strides = array<i32>} : memref<125x128xf32, #tpu.memory_space<vmem>>, vector<1x16xf32>,
        %get3A_325 = vector.shape_cast %get3A_324 : vector<1x16xf32> to vector<16xf32>
        %get3A_326 = arith.index_cast %add3A_299 : i32 to index
        %get3A_327 = arith.constant 80 : index
        %get3A_328 = tpu.vector_load %arg4[%get3A_326, %get3A_327] {strides = array<i32>} : memref<125x128xf32, #tpu.memory_space<vmem>>, vector<1x16xf32>,
        %get3A_329 = vector.shape_cast %get3A_328 : vector<1x16xf32> to vector<16xf32>
        %bitcast_convert_type3A_330 = tpu.bitcast %get3A_325 : vector<16xf32> -> vector<16xi32>
        %bitcast_convert_type3A_331 = tpu.bitcast %get3A_329 : vector<16xf32> -> vector<16xi32>
        %shift_right_logical3A_332 = arith.constant 16 : i32
        %shift_right_logical3A_333 = vector.broadcast %shift_right_logical3A_332 : i32 to vector<16xi32>
        %shift_right_logical3A_334 = arith.shrui %bitcast_convert_type3A_330, %shift_right_logical3A_333 : vector<16xi32>
        %and3A_335 = arith.constant -65536 : i32
        %and3A_336 = vector.broadcast %and3A_335 : i32 to vector<16xi32>
        %and3A_337 = arith.andi %bitcast_convert_type3A_331, %and3A_336 : vector<16xi32>
        %or3A_338 = arith.ori %and3A_337, %shift_right_logical3A_334 : vector<16xi32>
        %swap3A_339 = arith.index_cast %add3A_299 : i32 to index
        %swap3A_340 = arith.constant 16 : index
        %swap3A_341 = tpu.vector_load %arg6[%swap3A_339, %swap3A_340] {strides = array<i32>} : memref<125x64xi32, #tpu.memory_space<vmem>>, vector<1x16xi32>,
        %swap3A_342 = vector.shape_cast %swap3A_341 : vector<1x16xi32> to vector<16xi32>
        %swap3A_343 = vector.shape_cast %or3A_338 : vector<16xi32> to vector<1x16xi32>
        tpu.vector_store %arg6[%swap3A_339, %swap3A_340], %swap3A_343 {strides = array<i32>} : memref<125x64xi32, #tpu.memory_space<vmem>>, vector<1x16xi32>,
        %get3A_344 = arith.index_cast %add3A_299 : i32 to index
        %get3A_345 = arith.constant 32 : index
        %get3A_346 = tpu.vector_load %arg4[%get3A_344, %get3A_345] {strides = array<i32>} : memref<125x128xf32, #tpu.memory_space<vmem>>, vector<1x16xf32>,
        %get3A_347 = vector.shape_cast %get3A_346 : vector<1x16xf32> to vector<16xf32>
        %get3A_348 = arith.index_cast %add3A_299 : i32 to index
        %get3A_349 = arith.constant 96 : index
        %get3A_350 = tpu.vector_load %arg4[%get3A_348, %get3A_349] {strides = array<i32>} : memref<125x128xf32, #tpu.memory_space<vmem>>, vector<1x16xf32>,
        %get3A_351 = vector.shape_cast %get3A_350 : vector<1x16xf32> to vector<16xf32>
        %bitcast_convert_type3A_352 = tpu.bitcast %get3A_347 : vector<16xf32> -> vector<16xi32>
        %bitcast_convert_type3A_353 = tpu.bitcast %get3A_351 : vector<16xf32> -> vector<16xi32>
        %shift_right_logical3A_354 = arith.constant 16 : i32
        %shift_right_logical3A_355 = vector.broadcast %shift_right_logical3A_354 : i32 to vector<16xi32>
        %shift_right_logical3A_356 = arith.shrui %bitcast_convert_type3A_352, %shift_right_logical3A_355 : vector<16xi32>
        %and3A_357 = arith.constant -65536 : i32
        %and3A_358 = vector.broadcast %and3A_357 : i32 to vector<16xi32>
        %and3A_359 = arith.andi %bitcast_convert_type3A_353, %and3A_358 : vector<16xi32>
        %or3A_360 = arith.ori %and3A_359, %shift_right_logical3A_356 : vector<16xi32>
        %swap3A_361 = arith.index_cast %add3A_299 : i32 to index
        %swap3A_362 = arith.constant 32 : index
        %swap3A_363 = tpu.vector_load %arg6[%swap3A_361, %swap3A_362] {strides = array<i32>} : memref<125x64xi32, #tpu.memory_space<vmem>>, vector<1x16xi32>,
        %swap3A_364 = vector.shape_cast %swap3A_363 : vector<1x16xi32> to vector<16xi32>
        %swap3A_365 = vector.shape_cast %or3A_360 : vector<16xi32> to vector<1x16xi32>
        tpu.vector_store %arg6[%swap3A_361, %swap3A_362], %swap3A_365 {strides = array<i32>} : memref<125x64xi32, #tpu.memory_space<vmem>>, vector<1x16xi32>,
        %get3A_366 = arith.index_cast %add3A_299 : i32 to index
        %get3A_367 = arith.constant 48 : index
        %get3A_368 = tpu.vector_load %arg4[%get3A_366, %get3A_367] {strides = array<i32>} : memref<125x128xf32, #tpu.memory_space<vmem>>, vector<1x16xf32>,
        %get3A_369 = vector.shape_cast %get3A_368 : vector<1x16xf32> to vector<16xf32>
        %get3A_370 = arith.index_cast %add3A_299 : i32 to index
        %get3A_371 = arith.constant 112 : index
        %get3A_372 = tpu.vector_load %arg4[%get3A_370, %get3A_371] {strides = array<i32>} : memref<125x128xf32, #tpu.memory_space<vmem>>, vector<1x16xf32>,
        %get3A_373 = vector.shape_cast %get3A_372 : vector<1x16xf32> to vector<16xf32>
        %bitcast_convert_type3A_374 = tpu.bitcast %get3A_369 : vector<16xf32> -> vector<16xi32>
        %bitcast_convert_type3A_375 = tpu.bitcast %get3A_373 : vector<16xf32> -> vector<16xi32>
        %shift_right_logical3A_376 = arith.constant 16 : i32
        %shift_right_logical3A_377 = vector.broadcast %shift_right_logical3A_376 : i32 to vector<16xi32>
        %shift_right_logical3A_378 = arith.shrui %bitcast_convert_type3A_374, %shift_right_logical3A_377 : vector<16xi32>
        %and3A_379 = arith.constant -65536 : i32
        %and3A_380 = vector.broadcast %and3A_379 : i32 to vector<16xi32>
        %and3A_381 = arith.andi %bitcast_convert_type3A_375, %and3A_380 : vector<16xi32>
        %or3A_382 = arith.ori %and3A_381, %shift_right_logical3A_378 : vector<16xi32>
        %swap3A_383 = arith.index_cast %add3A_299 : i32 to index
        %swap3A_384 = arith.constant 48 : index
        %swap3A_385 = tpu.vector_load %arg6[%swap3A_383, %swap3A_384] {strides = array<i32>} : memref<125x64xi32, #tpu.memory_space<vmem>>, vector<1x16xi32>,
        %swap3A_386 = vector.shape_cast %swap3A_385 : vector<1x16xi32> to vector<16xi32>
        %swap3A_387 = vector.shape_cast %or3A_382 : vector<16xi32> to vector<1x16xi32>
        tpu.vector_store %arg6[%swap3A_383, %swap3A_384], %swap3A_387 {strides = array<i32>} : memref<125x64xi32, #tpu.memory_space<vmem>>, vector<1x16xi32>,
        %mul3A_388 = arith.constant 5 : i32
        %mul3A_389 = arith.muli %scan3A_117, %mul3A_388 : i32
        %add3A_390 = arith.constant 3 : i32
        %add3A_391 = arith.addi %mul3A_389, %add3A_390 : i32
        %get3A_392 = arith.index_cast %add3A_391 : i32 to index
        %get3A_393 = arith.constant 0 : index
        %get3A_394 = tpu.vector_load %arg4[%get3A_392, %get3A_393] {strides = array<i32>} : memref<125x128xf32, #tpu.memory_space<vmem>>, vector<1x16xf32>,
        %get3A_395 = vector.shape_cast %get3A_394 : vector<1x16xf32> to vector<16xf32>
        %get3A_396 = arith.index_cast %add3A_391 : i32 to index
        %get3A_397 = arith.constant 64 : index
        %get3A_398 = tpu.vector_load %arg4[%get3A_396, %get3A_397] {strides = array<i32>} : memref<125x128xf32, #tpu.memory_space<vmem>>, vector<1x16xf32>,
        %get3A_399 = vector.shape_cast %get3A_398 : vector<1x16xf32> to vector<16xf32>
        %bitcast_convert_type3A_400 = tpu.bitcast %get3A_395 : vector<16xf32> -> vector<16xi32>
        %bitcast_convert_type3A_401 = tpu.bitcast %get3A_399 : vector<16xf32> -> vector<16xi32>
        %shift_right_logical3A_402 = arith.constant 16 : i32
        %shift_right_logical3A_403 = vector.broadcast %shift_right_logical3A_402 : i32 to vector<16xi32>
        %shift_right_logical3A_404 = arith.shrui %bitcast_convert_type3A_400, %shift_right_logical3A_403 : vector<16xi32>
        %and3A_405 = arith.constant -65536 : i32
        %and3A_406 = vector.broadcast %and3A_405 : i32 to vector<16xi32>
        %and3A_407 = arith.andi %bitcast_convert_type3A_401, %and3A_406 : vector<16xi32>
        %or3A_408 = arith.ori %and3A_407, %shift_right_logical3A_404 : vector<16xi32>
        %swap3A_409 = arith.index_cast %add3A_391 : i32 to index
        %swap3A_410 = arith.constant 0 : index
        %swap3A_411 = tpu.vector_load %arg6[%swap3A_409, %swap3A_410] {strides = array<i32>} : memref<125x64xi32, #tpu.memory_space<vmem>>, vector<1x16xi32>,
        %swap3A_412 = vector.shape_cast %swap3A_411 : vector<1x16xi32> to vector<16xi32>
        %swap3A_413 = vector.shape_cast %or3A_408 : vector<16xi32> to vector<1x16xi32>
        tpu.vector_store %arg6[%swap3A_409, %swap3A_410], %swap3A_413 {strides = array<i32>} : memref<125x64xi32, #tpu.memory_space<vmem>>, vector<1x16xi32>,
        %get3A_414 = arith.index_cast %add3A_391 : i32 to index
        %get3A_415 = arith.constant 16 : index
        %get3A_416 = tpu.vector_load %arg4[%get3A_414, %get3A_415] {strides = array<i32>} : memref<125x128xf32, #tpu.memory_space<vmem>>, vector<1x16xf32>,
        %get3A_417 = vector.shape_cast %get3A_416 : vector<1x16xf32> to vector<16xf32>
        %get3A_418 = arith.index_cast %add3A_391 : i32 to index
        %get3A_419 = arith.constant 80 : index
        %get3A_420 = tpu.vector_load %arg4[%get3A_418, %get3A_419] {strides = array<i32>} : memref<125x128xf32, #tpu.memory_space<vmem>>, vector<1x16xf32>,
        %get3A_421 = vector.shape_cast %get3A_420 : vector<1x16xf32> to vector<16xf32>
        %bitcast_convert_type3A_422 = tpu.bitcast %get3A_417 : vector<16xf32> -> vector<16xi32>
        %bitcast_convert_type3A_423 = tpu.bitcast %get3A_421 : vector<16xf32> -> vector<16xi32>
        %shift_right_logical3A_424 = arith.constant 16 : i32
        %shift_right_logical3A_425 = vector.broadcast %shift_right_logical3A_424 : i32 to vector<16xi32>
        %shift_right_logical3A_426 = arith.shrui %bitcast_convert_type3A_422, %shift_right_logical3A_425 : vector<16xi32>
        %and3A_427 = arith.constant -65536 : i32
        %and3A_428 = vector.broadcast %and3A_427 : i32 to vector<16xi32>
        %and3A_429 = arith.andi %bitcast_convert_type3A_423, %and3A_428 : vector<16xi32>
        %or3A_430 = arith.ori %and3A_429, %shift_right_logical3A_426 : vector<16xi32>
        %swap3A_431 = arith.index_cast %add3A_391 : i32 to index
        %swap3A_432 = arith.constant 16 : index
        %swap3A_433 = tpu.vector_load %arg6[%swap3A_431, %swap3A_432] {strides = array<i32>} : memref<125x64xi32, #tpu.memory_space<vmem>>, vector<1x16xi32>,
        %swap3A_434 = vector.shape_cast %swap3A_433 : vector<1x16xi32> to vector<16xi32>
        %swap3A_435 = vector.shape_cast %or3A_430 : vector<16xi32> to vector<1x16xi32>
        tpu.vector_store %arg6[%swap3A_431, %swap3A_432], %swap3A_435 {strides = array<i32>} : memref<125x64xi32, #tpu.memory_space<vmem>>, vector<1x16xi32>,
        %get3A_436 = arith.index_cast %add3A_391 : i32 to index
        %get3A_437 = arith.constant 32 : index
        %get3A_438 = tpu.vector_load %arg4[%get3A_436, %get3A_437] {strides = array<i32>} : memref<125x128xf32, #tpu.memory_space<vmem>>, vector<1x16xf32>,
        %get3A_439 = vector.shape_cast %get3A_438 : vector<1x16xf32> to vector<16xf32>
        %get3A_440 = arith.index_cast %add3A_391 : i32 to index
        %get3A_441 = arith.constant 96 : index
        %get3A_442 = tpu.vector_load %arg4[%get3A_440, %get3A_441] {strides = array<i32>} : memref<125x128xf32, #tpu.memory_space<vmem>>, vector<1x16xf32>,
        %get3A_443 = vector.shape_cast %get3A_442 : vector<1x16xf32> to vector<16xf32>
        %bitcast_convert_type3A_444 = tpu.bitcast %get3A_439 : vector<16xf32> -> vector<16xi32>
        %bitcast_convert_type3A_445 = tpu.bitcast %get3A_443 : vector<16xf32> -> vector<16xi32>
        %shift_right_logical3A_446 = arith.constant 16 : i32
        %shift_right_logical3A_447 = vector.broadcast %shift_right_logical3A_446 : i32 to vector<16xi32>
        %shift_right_logical3A_448 = arith.shrui %bitcast_convert_type3A_444, %shift_right_logical3A_447 : vector<16xi32>
        %and3A_449 = arith.constant -65536 : i32
        %and3A_450 = vector.broadcast %and3A_449 : i32 to vector<16xi32>
        %and3A_451 = arith.andi %bitcast_convert_type3A_445, %and3A_450 : vector<16xi32>
        %or3A_452 = arith.ori %and3A_451, %shift_right_logical3A_448 : vector<16xi32>
        %swap3A_453 = arith.index_cast %add3A_391 : i32 to index
        %swap3A_454 = arith.constant 32 : index
        %swap3A_455 = tpu.vector_load %arg6[%swap3A_453, %swap3A_454] {strides = array<i32>} : memref<125x64xi32, #tpu.memory_space<vmem>>, vector<1x16xi32>,
        %swap3A_456 = vector.shape_cast %swap3A_455 : vector<1x16xi32> to vector<16xi32>
        %swap3A_457 = vector.shape_cast %or3A_452 : vector<16xi32> to vector<1x16xi32>
        tpu.vector_store %arg6[%swap3A_453, %swap3A_454], %swap3A_457 {strides = array<i32>} : memref<125x64xi32, #tpu.memory_space<vmem>>, vector<1x16xi32>,
        %get3A_458 = arith.index_cast %add3A_391 : i32 to index
        %get3A_459 = arith.constant 48 : index
        %get3A_460 = tpu.vector_load %arg4[%get3A_458, %get3A_459] {strides = array<i32>} : memref<125x128xf32, #tpu.memory_space<vmem>>, vector<1x16xf32>,
        %get3A_461 = vector.shape_cast %get3A_460 : vector<1x16xf32> to vector<16xf32>
        %get3A_462 = arith.index_cast %add3A_391 : i32 to index
        %get3A_463 = arith.constant 112 : index
        %get3A_464 = tpu.vector_load %arg4[%get3A_462, %get3A_463] {strides = array<i32>} : memref<125x128xf32, #tpu.memory_space<vmem>>, vector<1x16xf32>,
        %get3A_465 = vector.shape_cast %get3A_464 : vector<1x16xf32> to vector<16xf32>
        %bitcast_convert_type3A_466 = tpu.bitcast %get3A_461 : vector<16xf32> -> vector<16xi32>
        %bitcast_convert_type3A_467 = tpu.bitcast %get3A_465 : vector<16xf32> -> vector<16xi32>
        %shift_right_logical3A_468 = arith.constant 16 : i32
        %shift_right_logical3A_469 = vector.broadcast %shift_right_logical3A_468 : i32 to vector<16xi32>
        %shift_right_logical3A_470 = arith.shrui %bitcast_convert_type3A_466, %shift_right_logical3A_469 : vector<16xi32>
        %and3A_471 = arith.constant -65536 : i32
        %and3A_472 = vector.broadcast %and3A_471 : i32 to vector<16xi32>
        %and3A_473 = arith.andi %bitcast_convert_type3A_467, %and3A_472 : vector<16xi32>
        %or3A_474 = arith.ori %and3A_473, %shift_right_logical3A_470 : vector<16xi32>
        %swap3A_475 = arith.index_cast %add3A_391 : i32 to index
        %swap3A_476 = arith.constant 48 : index
        %swap3A_477 = tpu.vector_load %arg6[%swap3A_475, %swap3A_476] {strides = array<i32>} : memref<125x64xi32, #tpu.memory_space<vmem>>, vector<1x16xi32>,
        %swap3A_478 = vector.shape_cast %swap3A_477 : vector<1x16xi32> to vector<16xi32>
        %swap3A_479 = vector.shape_cast %or3A_474 : vector<16xi32> to vector<1x16xi32>
        tpu.vector_store %arg6[%swap3A_475, %swap3A_476], %swap3A_479 {strides = array<i32>} : memref<125x64xi32, #tpu.memory_space<vmem>>, vector<1x16xi32>,
        %mul3A_480 = arith.constant 5 : i32
        %mul3A_481 = arith.muli %scan3A_117, %mul3A_480 : i32
        %add3A_482 = arith.constant 4 : i32
        %add3A_483 = arith.addi %mul3A_481, %add3A_482 : i32
        %get3A_484 = arith.index_cast %add3A_483 : i32 to index
        %get3A_485 = arith.constant 0 : index
        %get3A_486 = tpu.vector_load %arg4[%get3A_484, %get3A_485] {strides = array<i32>} : memref<125x128xf32, #tpu.memory_space<vmem>>, vector<1x16xf32>,
        %get3A_487 = vector.shape_cast %get3A_486 : vector<1x16xf32> to vector<16xf32>
        %get3A_488 = arith.index_cast %add3A_483 : i32 to index
        %get3A_489 = arith.constant 64 : index
        %get3A_490 = tpu.vector_load %arg4[%get3A_488, %get3A_489] {strides = array<i32>} : memref<125x128xf32, #tpu.memory_space<vmem>>, vector<1x16xf32>,
        %get3A_491 = vector.shape_cast %get3A_490 : vector<1x16xf32> to vector<16xf32>
        %bitcast_convert_type3A_492 = tpu.bitcast %get3A_487 : vector<16xf32> -> vector<16xi32>
        %bitcast_convert_type3A_493 = tpu.bitcast %get3A_491 : vector<16xf32> -> vector<16xi32>
        %shift_right_logical3A_494 = arith.constant 16 : i32
        %shift_right_logical3A_495 = vector.broadcast %shift_right_logical3A_494 : i32 to vector<16xi32>
        %shift_right_logical3A_496 = arith.shrui %bitcast_convert_type3A_492, %shift_right_logical3A_495 : vector<16xi32>
        %and3A_497 = arith.constant -65536 : i32
        %and3A_498 = vector.broadcast %and3A_497 : i32 to vector<16xi32>
        %and3A_499 = arith.andi %bitcast_convert_type3A_493, %and3A_498 : vector<16xi32>
        %or3A_500 = arith.ori %and3A_499, %shift_right_logical3A_496 : vector<16xi32>
        %swap3A_501 = arith.index_cast %add3A_483 : i32 to index
        %swap3A_502 = arith.constant 0 : index
        %swap3A_503 = tpu.vector_load %arg6[%swap3A_501, %swap3A_502] {strides = array<i32>} : memref<125x64xi32, #tpu.memory_space<vmem>>, vector<1x16xi32>,
        %swap3A_504 = vector.shape_cast %swap3A_503 : vector<1x16xi32> to vector<16xi32>
        %swap3A_505 = vector.shape_cast %or3A_500 : vector<16xi32> to vector<1x16xi32>
        tpu.vector_store %arg6[%swap3A_501, %swap3A_502], %swap3A_505 {strides = array<i32>} : memref<125x64xi32, #tpu.memory_space<vmem>>, vector<1x16xi32>,
        %get3A_506 = arith.index_cast %add3A_483 : i32 to index
        %get3A_507 = arith.constant 16 : index
        %get3A_508 = tpu.vector_load %arg4[%get3A_506, %get3A_507] {strides = array<i32>} : memref<125x128xf32, #tpu.memory_space<vmem>>, vector<1x16xf32>,
        %get3A_509 = vector.shape_cast %get3A_508 : vector<1x16xf32> to vector<16xf32>
        %get3A_510 = arith.index_cast %add3A_483 : i32 to index
        %get3A_511 = arith.constant 80 : index
        %get3A_512 = tpu.vector_load %arg4[%get3A_510, %get3A_511] {strides = array<i32>} : memref<125x128xf32, #tpu.memory_space<vmem>>, vector<1x16xf32>,
        %get3A_513 = vector.shape_cast %get3A_512 : vector<1x16xf32> to vector<16xf32>
        %bitcast_convert_type3A_514 = tpu.bitcast %get3A_509 : vector<16xf32> -> vector<16xi32>
        %bitcast_convert_type3A_515 = tpu.bitcast %get3A_513 : vector<16xf32> -> vector<16xi32>
        %shift_right_logical3A_516 = arith.constant 16 : i32
        %shift_right_logical3A_517 = vector.broadcast %shift_right_logical3A_516 : i32 to vector<16xi32>
        %shift_right_logical3A_518 = arith.shrui %bitcast_convert_type3A_514, %shift_right_logical3A_517 : vector<16xi32>
        %and3A_519 = arith.constant -65536 : i32
        %and3A_520 = vector.broadcast %and3A_519 : i32 to vector<16xi32>
        %and3A_521 = arith.andi %bitcast_convert_type3A_515, %and3A_520 : vector<16xi32>
        %or3A_522 = arith.ori %and3A_521, %shift_right_logical3A_518 : vector<16xi32>
        %swap3A_523 = arith.index_cast %add3A_483 : i32 to index
        %swap3A_524 = arith.constant 16 : index
        %swap3A_525 = tpu.vector_load %arg6[%swap3A_523, %swap3A_524] {strides = array<i32>} : memref<125x64xi32, #tpu.memory_space<vmem>>, vector<1x16xi32>,
        %swap3A_526 = vector.shape_cast %swap3A_525 : vector<1x16xi32> to vector<16xi32>
        %swap3A_527 = vector.shape_cast %or3A_522 : vector<16xi32> to vector<1x16xi32>
        tpu.vector_store %arg6[%swap3A_523, %swap3A_524], %swap3A_527 {strides = array<i32>} : memref<125x64xi32, #tpu.memory_space<vmem>>, vector<1x16xi32>,
        %get3A_528 = arith.index_cast %add3A_483 : i32 to index
        %get3A_529 = arith.constant 32 : index
        %get3A_530 = tpu.vector_load %arg4[%get3A_528, %get3A_529] {strides = array<i32>} : memref<125x128xf32, #tpu.memory_space<vmem>>, vector<1x16xf32>,
        %get3A_531 = vector.shape_cast %get3A_530 : vector<1x16xf32> to vector<16xf32>
        %get3A_532 = arith.index_cast %add3A_483 : i32 to index
        %get3A_533 = arith.constant 96 : index
        %get3A_534 = tpu.vector_load %arg4[%get3A_532, %get3A_533] {strides = array<i32>} : memref<125x128xf32, #tpu.memory_space<vmem>>, vector<1x16xf32>,
        %get3A_535 = vector.shape_cast %get3A_534 : vector<1x16xf32> to vector<16xf32>
        %bitcast_convert_type3A_536 = tpu.bitcast %get3A_531 : vector<16xf32> -> vector<16xi32>
        %bitcast_convert_type3A_537 = tpu.bitcast %get3A_535 : vector<16xf32> -> vector<16xi32>
        %shift_right_logical3A_538 = arith.constant 16 : i32
        %shift_right_logical3A_539 = vector.broadcast %shift_right_logical3A_538 : i32 to vector<16xi32>
        %shift_right_logical3A_540 = arith.shrui %bitcast_convert_type3A_536, %shift_right_logical3A_539 : vector<16xi32>
        %and3A_541 = arith.constant -65536 : i32
        %and3A_542 = vector.broadcast %and3A_541 : i32 to vector<16xi32>
        %and3A_543 = arith.andi %bitcast_convert_type3A_537, %and3A_542 : vector<16xi32>
        %or3A_544 = arith.ori %and3A_543, %shift_right_logical3A_540 : vector<16xi32>
        %swap3A_545 = arith.index_cast %add3A_483 : i32 to index
        %swap3A_546 = arith.constant 32 : index
        %swap3A_547 = tpu.vector_load %arg6[%swap3A_545, %swap3A_546] {strides = array<i32>} : memref<125x64xi32, #tpu.memory_space<vmem>>, vector<1x16xi32>,
        %swap3A_548 = vector.shape_cast %swap3A_547 : vector<1x16xi32> to vector<16xi32>
        %swap3A_549 = vector.shape_cast %or3A_544 : vector<16xi32> to vector<1x16xi32>
        tpu.vector_store %arg6[%swap3A_545, %swap3A_546], %swap3A_549 {strides = array<i32>} : memref<125x64xi32, #tpu.memory_space<vmem>>, vector<1x16xi32>,
        %get3A_550 = arith.index_cast %add3A_483 : i32 to index
        %get3A_551 = arith.constant 48 : index
        %get3A_552 = tpu.vector_load %arg4[%get3A_550, %get3A_551] {strides = array<i32>} : memref<125x128xf32, #tpu.memory_space<vmem>>, vector<1x16xf32>,
        %get3A_553 = vector.shape_cast %get3A_552 : vector<1x16xf32> to vector<16xf32>
        %get3A_554 = arith.index_cast %add3A_483 : i32 to index
        %get3A_555 = arith.constant 112 : index
        %get3A_556 = tpu.vector_load %arg4[%get3A_554, %get3A_555] {strides = array<i32>} : memref<125x128xf32, #tpu.memory_space<vmem>>, vector<1x16xf32>,
        %get3A_557 = vector.shape_cast %get3A_556 : vector<1x16xf32> to vector<16xf32>
        %bitcast_convert_type3A_558 = tpu.bitcast %get3A_553 : vector<16xf32> -> vector<16xi32>
        %bitcast_convert_type3A_559 = tpu.bitcast %get3A_557 : vector<16xf32> -> vector<16xi32>
        %shift_right_logical3A_560 = arith.constant 16 : i32
        %shift_right_logical3A_561 = vector.broadcast %shift_right_logical3A_560 : i32 to vector<16xi32>
        %shift_right_logical3A_562 = arith.shrui %bitcast_convert_type3A_558, %shift_right_logical3A_561 : vector<16xi32>
        %and3A_563 = arith.constant -65536 : i32
        %and3A_564 = vector.broadcast %and3A_563 : i32 to vector<16xi32>
        %and3A_565 = arith.andi %bitcast_convert_type3A_559, %and3A_564 : vector<16xi32>
        %or3A_566 = arith.ori %and3A_565, %shift_right_logical3A_562 : vector<16xi32>
        %swap3A_567 = arith.index_cast %add3A_483 : i32 to index
        %swap3A_568 = arith.constant 48 : index
        %swap3A_569 = tpu.vector_load %arg6[%swap3A_567, %swap3A_568] {strides = array<i32>} : memref<125x64xi32, #tpu.memory_space<vmem>>, vector<1x16xi32>,
        %swap3A_570 = vector.shape_cast %swap3A_569 : vector<1x16xi32> to vector<16xi32>
        %swap3A_571 = vector.shape_cast %or3A_566 : vector<16xi32> to vector<1x16xi32>
        tpu.vector_store %arg6[%swap3A_567, %swap3A_568], %swap3A_571 {strides = array<i32>} : memref<125x64xi32, #tpu.memory_space<vmem>>, vector<1x16xi32>,
      }
      %scan3A_70 = arith.constant 25 : i32
      %mul3A_71 = arith.constant 125 : i32
      %mul3A_72 = arith.muli %mul3A_56, %mul3A_71 : i32
      %add3A_73 = arith.addi %mul3A_2, %mul3A_72 : i32
      %dma_start3A_74 = arith.constant 0 : i32
      %dma_start3A_75 = tpu.memref_slice %arg3[%add3A_73, %dma_start3A_74] : memref<100000x64xi32, #tpu.memory_space<hbm>> -> memref<125x64xi32, #tpu.memory_space<hbm>>
      %dma_start3A_76 = arith.constant 0 : i32
      %dma_start3A_77 = tpu.memref_slice %arg3[%add3A_73, %dma_start3A_76] : memref<100000x64xi32, #tpu.memory_space<hbm>> -> memref<125x64xi32, #tpu.memory_space<hbm>>
      tpu.enqueue_dma source(%arg6 : memref<125x64xi32, #tpu.memory_space<vmem>>) target(%dma_start3A_77 : memref<125x64xi32, #tpu.memory_space<hbm>>) target_semaphore(%arg10 : memref<!tpu.dma_semaphore, #tpu.memory_space<semaphore_mem>>)
      %add3A_78 = arith.constant 2 : i32
      %add3A_79 = arith.addi %mul3A_56, %add3A_78 : i32
      %lt3A = arith.constant 25 : i32
      %lt3A_80 = arith.cmpi slt, %add3A_79, %lt3A : i32
      %convert_element_type3A_81 = arith.extui %lt3A_80 : i1 to i32
      %cond3A_82 = arith.constant 0 : i32
      %cond3A_83 = arith.cmpi ne, %convert_element_type3A_81, %cond3A_82 : i32
      scf.if %cond3A_83 {
        %add3A_117 = arith.constant 2 : i32
        %add3A_118 = arith.addi %mul3A_56, %add3A_117 : i32
        %mul3A_119 = arith.constant 125 : i32
        %mul3A_120 = arith.muli %add3A_118, %mul3A_119 : i32
        %add3A_121 = arith.addi %mul3A_2, %mul3A_120 : i32
        %dma_start3A_122 = arith.constant 0 : i32
        %dma_start3A_123 = tpu.memref_slice %arg2[%add3A_121, %dma_start3A_122] : memref<100000x128xf32, #tpu.memory_space<hbm>> -> memref<125x128xf32, #tpu.memory_space<hbm>>
        %dma_start3A_124 = arith.constant 0 : i32
        %dma_start3A_125 = tpu.memref_slice %arg2[%add3A_121, %dma_start3A_124] : memref<100000x128xf32, #tpu.memory_space<hbm>> -> memref<125x128xf32, #tpu.memory_space<hbm>>
        tpu.enqueue_dma source(%dma_start3A_125 : memref<125x128xf32, #tpu.memory_space<hbm>>) target(%arg4 : memref<125x128xf32, #tpu.memory_space<vmem>>) target_semaphore(%arg8 : memref<!tpu.dma_semaphore, #tpu.memory_space<semaphore_mem>>)
      } else {
      }
      %dma_wait3A_84 = arith.constant 0 : i32
      %dma_wait3A_85 = arith.constant 0 : i32
      %dma_wait3A_86 = tpu.memref_slice %arg2[%dma_wait3A_84, %dma_wait3A_85] : memref<100000x128xf32, #tpu.memory_space<hbm>> -> memref<125x128xf32, #tpu.memory_space<hbm>>
      %dma_wait3A_87 = arith.constant 0 : i32
      %dma_wait3A_88 = arith.constant 0 : i32
      %dma_wait3A_89 = tpu.memref_slice %arg2[%dma_wait3A_87, %dma_wait3A_88] : memref<100000x128xf32, #tpu.memory_space<hbm>> -> memref<125x128xf32, #tpu.memory_space<hbm>>
      tpu.wait_dma2 semaphore(%arg9 : memref<!tpu.dma_semaphore, #tpu.memory_space<semaphore_mem>>) src(%dma_wait3A_89 : memref<125x128xf32, #tpu.memory_space<hbm>>) dst(%arg5 : memref<125x128xf32, #tpu.memory_space<vmem>>)
      %add3A_90 = arith.constant 1 : i32
      %add3A_91 = arith.addi %mul3A_56, %add3A_90 : i32
      %gt3A_92 = arith.constant 0 : i32
      %gt3A_93 = arith.cmpi sgt, %scan3A_54, %gt3A_92 : i32
      %convert_element_type3A_94 = arith.extui %gt3A_93 : i1 to i32
      %cond3A_95 = arith.constant 0 : i32
      %cond3A_96 = arith.cmpi ne, %convert_element_type3A_94, %cond3A_95 : i32
      scf.if %cond3A_96 {
        %dma_wait3A_117 = arith.constant 0 : i32
        %dma_wait3A_118 = arith.constant 0 : i32
        %dma_wait3A_119 = tpu.memref_slice %arg3[%dma_wait3A_117, %dma_wait3A_118] : memref<100000x64xi32, #tpu.memory_space<hbm>> -> memref<125x64xi32, #tpu.memory_space<hbm>>
        %dma_wait3A_120 = arith.constant 0 : i32
        %dma_wait3A_121 = arith.constant 0 : i32
        %dma_wait3A_122 = tpu.memref_slice %arg3[%dma_wait3A_120, %dma_wait3A_121] : memref<100000x64xi32, #tpu.memory_space<hbm>> -> memref<125x64xi32, #tpu.memory_space<hbm>>
        tpu.wait_dma2 semaphore(%arg11 : memref<!tpu.dma_semaphore, #tpu.memory_space<semaphore_mem>>) src(%arg7 : memref<125x64xi32, #tpu.memory_space<vmem>>) dst(%dma_wait3A_122 : memref<125x64xi32, #tpu.memory_space<hbm>>)
      } else {
      }
      %scan3A_97 = arith.constant 0 : i32
      %scan3A_98 = arith.constant 0 : i32
      %scan3A_99 = arith.constant 25 : i32
      %scan3A_100 = arith.addi %scan3A_98, %scan3A_99 : i32
      %scan3A_101 = arith.constant 1 : i32
      scf.for %scan3A_117 = %scan3A_98 to %scan3A_100 step %scan3A_101  : i32 {
        %mul3A_118 = arith.constant 5 : i32
        %mul3A_119 = arith.muli %scan3A_117, %mul3A_118 : i32
        %add3A_120 = arith.constant 0 : i32
        %add3A_121 = arith.addi %mul3A_119, %add3A_120 : i32
        %get3A = arith.index_cast %add3A_121 : i32 to index
        %get3A_122 = arith.constant 0 : index
        %get3A_123 = tpu.vector_load %arg5[%get3A, %get3A_122] {strides = array<i32>} : memref<125x128xf32, #tpu.memory_space<vmem>>, vector<1x16xf32>,
        %get3A_124 = vector.shape_cast %get3A_123 : vector<1x16xf32> to vector<16xf32>
        %get3A_125 = arith.index_cast %add3A_121 : i32 to index
        %get3A_126 = arith.constant 64 : index
        %get3A_127 = tpu.vector_load %arg5[%get3A_125, %get3A_126] {strides = array<i32>} : memref<125x128xf32, #tpu.memory_space<vmem>>, vector<1x16xf32>,
        %get3A_128 = vector.shape_cast %get3A_127 : vector<1x16xf32> to vector<16xf32>
        %bitcast_convert_type3A = tpu.bitcast %get3A_124 : vector<16xf32> -> vector<16xi32>
        %bitcast_convert_type3A_129 = tpu.bitcast %get3A_128 : vector<16xf32> -> vector<16xi32>
        %shift_right_logical3A = arith.constant 16 : i32
        %shift_right_logical3A_130 = vector.broadcast %shift_right_logical3A : i32 to vector<16xi32>
        %shift_right_logical3A_131 = arith.shrui %bitcast_convert_type3A, %shift_right_logical3A_130 : vector<16xi32>
        %and3A = arith.constant -65536 : i32
        %and3A_132 = vector.broadcast %and3A : i32 to vector<16xi32>
        %and3A_133 = arith.andi %bitcast_convert_type3A_129, %and3A_132 : vector<16xi32>
        %or3A = arith.ori %and3A_133, %shift_right_logical3A_131 : vector<16xi32>
        %swap3A = arith.index_cast %add3A_121 : i32 to index
        %swap3A_134 = arith.constant 0 : index
        %swap3A_135 = tpu.vector_load %arg7[%swap3A, %swap3A_134] {strides = array<i32>} : memref<125x64xi32, #tpu.memory_space<vmem>>, vector<1x16xi32>,
        %swap3A_136 = vector.shape_cast %swap3A_135 : vector<1x16xi32> to vector<16xi32>
        %swap3A_137 = vector.shape_cast %or3A : vector<16xi32> to vector<1x16xi32>
        tpu.vector_store %arg7[%swap3A, %swap3A_134], %swap3A_137 {strides = array<i32>} : memref<125x64xi32, #tpu.memory_space<vmem>>, vector<1x16xi32>,
        %get3A_138 = arith.index_cast %add3A_121 : i32 to index
        %get3A_139 = arith.constant 16 : index
        %get3A_140 = tpu.vector_load %arg5[%get3A_138, %get3A_139] {strides = array<i32>} : memref<125x128xf32, #tpu.memory_space<vmem>>, vector<1x16xf32>,
        %get3A_141 = vector.shape_cast %get3A_140 : vector<1x16xf32> to vector<16xf32>
        %get3A_142 = arith.index_cast %add3A_121 : i32 to index
        %get3A_143 = arith.constant 80 : index
        %get3A_144 = tpu.vector_load %arg5[%get3A_142, %get3A_143] {strides = array<i32>} : memref<125x128xf32, #tpu.memory_space<vmem>>, vector<1x16xf32>,
        %get3A_145 = vector.shape_cast %get3A_144 : vector<1x16xf32> to vector<16xf32>
        %bitcast_convert_type3A_146 = tpu.bitcast %get3A_141 : vector<16xf32> -> vector<16xi32>
        %bitcast_convert_type3A_147 = tpu.bitcast %get3A_145 : vector<16xf32> -> vector<16xi32>
        %shift_right_logical3A_148 = arith.constant 16 : i32
        %shift_right_logical3A_149 = vector.broadcast %shift_right_logical3A_148 : i32 to vector<16xi32>
        %shift_right_logical3A_150 = arith.shrui %bitcast_convert_type3A_146, %shift_right_logical3A_149 : vector<16xi32>
        %and3A_151 = arith.constant -65536 : i32
        %and3A_152 = vector.broadcast %and3A_151 : i32 to vector<16xi32>
        %and3A_153 = arith.andi %bitcast_convert_type3A_147, %and3A_152 : vector<16xi32>
        %or3A_154 = arith.ori %and3A_153, %shift_right_logical3A_150 : vector<16xi32>
        %swap3A_155 = arith.index_cast %add3A_121 : i32 to index
        %swap3A_156 = arith.constant 16 : index
        %swap3A_157 = tpu.vector_load %arg7[%swap3A_155, %swap3A_156] {strides = array<i32>} : memref<125x64xi32, #tpu.memory_space<vmem>>, vector<1x16xi32>,
        %swap3A_158 = vector.shape_cast %swap3A_157 : vector<1x16xi32> to vector<16xi32>
        %swap3A_159 = vector.shape_cast %or3A_154 : vector<16xi32> to vector<1x16xi32>
        tpu.vector_store %arg7[%swap3A_155, %swap3A_156], %swap3A_159 {strides = array<i32>} : memref<125x64xi32, #tpu.memory_space<vmem>>, vector<1x16xi32>,
        %get3A_160 = arith.index_cast %add3A_121 : i32 to index
        %get3A_161 = arith.constant 32 : index
        %get3A_162 = tpu.vector_load %arg5[%get3A_160, %get3A_161] {strides = array<i32>} : memref<125x128xf32, #tpu.memory_space<vmem>>, vector<1x16xf32>,
        %get3A_163 = vector.shape_cast %get3A_162 : vector<1x16xf32> to vector<16xf32>
        %get3A_164 = arith.index_cast %add3A_121 : i32 to index
        %get3A_165 = arith.constant 96 : index
        %get3A_166 = tpu.vector_load %arg5[%get3A_164, %get3A_165] {strides = array<i32>} : memref<125x128xf32, #tpu.memory_space<vmem>>, vector<1x16xf32>,
        %get3A_167 = vector.shape_cast %get3A_166 : vector<1x16xf32> to vector<16xf32>
        %bitcast_convert_type3A_168 = tpu.bitcast %get3A_163 : vector<16xf32> -> vector<16xi32>
        %bitcast_convert_type3A_169 = tpu.bitcast %get3A_167 : vector<16xf32> -> vector<16xi32>
        %shift_right_logical3A_170 = arith.constant 16 : i32
        %shift_right_logical3A_171 = vector.broadcast %shift_right_logical3A_170 : i32 to vector<16xi32>
        %shift_right_logical3A_172 = arith.shrui %bitcast_convert_type3A_168, %shift_right_logical3A_171 : vector<16xi32>
        %and3A_173 = arith.constant -65536 : i32
        %and3A_174 = vector.broadcast %and3A_173 : i32 to vector<16xi32>
        %and3A_175 = arith.andi %bitcast_convert_type3A_169, %and3A_174 : vector<16xi32>
        %or3A_176 = arith.ori %and3A_175, %shift_right_logical3A_172 : vector<16xi32>
        %swap3A_177 = arith.index_cast %add3A_121 : i32 to index
        %swap3A_178 = arith.constant 32 : index
        %swap3A_179 = tpu.vector_load %arg7[%swap3A_177, %swap3A_178] {strides = array<i32>} : memref<125x64xi32, #tpu.memory_space<vmem>>, vector<1x16xi32>,
        %swap3A_180 = vector.shape_cast %swap3A_179 : vector<1x16xi32> to vector<16xi32>
        %swap3A_181 = vector.shape_cast %or3A_176 : vector<16xi32> to vector<1x16xi32>
        tpu.vector_store %arg7[%swap3A_177, %swap3A_178], %swap3A_181 {strides = array<i32>} : memref<125x64xi32, #tpu.memory_space<vmem>>, vector<1x16xi32>,
        %get3A_182 = arith.index_cast %add3A_121 : i32 to index
        %get3A_183 = arith.constant 48 : index
        %get3A_184 = tpu.vector_load %arg5[%get3A_182, %get3A_183] {strides = array<i32>} : memref<125x128xf32, #tpu.memory_space<vmem>>, vector<1x16xf32>,
        %get3A_185 = vector.shape_cast %get3A_184 : vector<1x16xf32> to vector<16xf32>
        %get3A_186 = arith.index_cast %add3A_121 : i32 to index
        %get3A_187 = arith.constant 112 : index
        %get3A_188 = tpu.vector_load %arg5[%get3A_186, %get3A_187] {strides = array<i32>} : memref<125x128xf32, #tpu.memory_space<vmem>>, vector<1x16xf32>,
        %get3A_189 = vector.shape_cast %get3A_188 : vector<1x16xf32> to vector<16xf32>
        %bitcast_convert_type3A_190 = tpu.bitcast %get3A_185 : vector<16xf32> -> vector<16xi32>
        %bitcast_convert_type3A_191 = tpu.bitcast %get3A_189 : vector<16xf32> -> vector<16xi32>
        %shift_right_logical3A_192 = arith.constant 16 : i32
        %shift_right_logical3A_193 = vector.broadcast %shift_right_logical3A_192 : i32 to vector<16xi32>
        %shift_right_logical3A_194 = arith.shrui %bitcast_convert_type3A_190, %shift_right_logical3A_193 : vector<16xi32>
        %and3A_195 = arith.constant -65536 : i32
        %and3A_196 = vector.broadcast %and3A_195 : i32 to vector<16xi32>
        %and3A_197 = arith.andi %bitcast_convert_type3A_191, %and3A_196 : vector<16xi32>
        %or3A_198 = arith.ori %and3A_197, %shift_right_logical3A_194 : vector<16xi32>
        %swap3A_199 = arith.index_cast %add3A_121 : i32 to index
        %swap3A_200 = arith.constant 48 : index
        %swap3A_201 = tpu.vector_load %arg7[%swap3A_199, %swap3A_200] {strides = array<i32>} : memref<125x64xi32, #tpu.memory_space<vmem>>, vector<1x16xi32>,
        %swap3A_202 = vector.shape_cast %swap3A_201 : vector<1x16xi32> to vector<16xi32>
        %swap3A_203 = vector.shape_cast %or3A_198 : vector<16xi32> to vector<1x16xi32>
        tpu.vector_store %arg7[%swap3A_199, %swap3A_200], %swap3A_203 {strides = array<i32>} : memref<125x64xi32, #tpu.memory_space<vmem>>, vector<1x16xi32>,
        %mul3A_204 = arith.constant 5 : i32
        %mul3A_205 = arith.muli %scan3A_117, %mul3A_204 : i32
        %add3A_206 = arith.constant 1 : i32
        %add3A_207 = arith.addi %mul3A_205, %add3A_206 : i32
        %get3A_208 = arith.index_cast %add3A_207 : i32 to index
        %get3A_209 = arith.constant 0 : index
        %get3A_210 = tpu.vector_load %arg5[%get3A_208, %get3A_209] {strides = array<i32>} : memref<125x128xf32, #tpu.memory_space<vmem>>, vector<1x16xf32>,
        %get3A_211 = vector.shape_cast %get3A_210 : vector<1x16xf32> to vector<16xf32>
        %get3A_212 = arith.index_cast %add3A_207 : i32 to index
        %get3A_213 = arith.constant 64 : index
        %get3A_214 = tpu.vector_load %arg5[%get3A_212, %get3A_213] {strides = array<i32>} : memref<125x128xf32, #tpu.memory_space<vmem>>, vector<1x16xf32>,
        %get3A_215 = vector.shape_cast %get3A_214 : vector<1x16xf32> to vector<16xf32>
        %bitcast_convert_type3A_216 = tpu.bitcast %get3A_211 : vector<16xf32> -> vector<16xi32>
        %bitcast_convert_type3A_217 = tpu.bitcast %get3A_215 : vector<16xf32> -> vector<16xi32>
        %shift_right_logical3A_218 = arith.constant 16 : i32
        %shift_right_logical3A_219 = vector.broadcast %shift_right_logical3A_218 : i32 to vector<16xi32>
        %shift_right_logical3A_220 = arith.shrui %bitcast_convert_type3A_216, %shift_right_logical3A_219 : vector<16xi32>
        %and3A_221 = arith.constant -65536 : i32
        %and3A_222 = vector.broadcast %and3A_221 : i32 to vector<16xi32>
        %and3A_223 = arith.andi %bitcast_convert_type3A_217, %and3A_222 : vector<16xi32>
        %or3A_224 = arith.ori %and3A_223, %shift_right_logical3A_220 : vector<16xi32>
        %swap3A_225 = arith.index_cast %add3A_207 : i32 to index
        %swap3A_226 = arith.constant 0 : index
        %swap3A_227 = tpu.vector_load %arg7[%swap3A_225, %swap3A_226] {strides = array<i32>} : memref<125x64xi32, #tpu.memory_space<vmem>>, vector<1x16xi32>,
        %swap3A_228 = vector.shape_cast %swap3A_227 : vector<1x16xi32> to vector<16xi32>
        %swap3A_229 = vector.shape_cast %or3A_224 : vector<16xi32> to vector<1x16xi32>
        tpu.vector_store %arg7[%swap3A_225, %swap3A_226], %swap3A_229 {strides = array<i32>} : memref<125x64xi32, #tpu.memory_space<vmem>>, vector<1x16xi32>,
        %get3A_230 = arith.index_cast %add3A_207 : i32 to index
        %get3A_231 = arith.constant 16 : index
        %get3A_232 = tpu.vector_load %arg5[%get3A_230, %get3A_231] {strides = array<i32>} : memref<125x128xf32, #tpu.memory_space<vmem>>, vector<1x16xf32>,
        %get3A_233 = vector.shape_cast %get3A_232 : vector<1x16xf32> to vector<16xf32>
        %get3A_234 = arith.index_cast %add3A_207 : i32 to index
        %get3A_235 = arith.constant 80 : index
        %get3A_236 = tpu.vector_load %arg5[%get3A_234, %get3A_235] {strides = array<i32>} : memref<125x128xf32, #tpu.memory_space<vmem>>, vector<1x16xf32>,
        %get3A_237 = vector.shape_cast %get3A_236 : vector<1x16xf32> to vector<16xf32>
        %bitcast_convert_type3A_238 = tpu.bitcast %get3A_233 : vector<16xf32> -> vector<16xi32>
        %bitcast_convert_type3A_239 = tpu.bitcast %get3A_237 : vector<16xf32> -> vector<16xi32>
        %shift_right_logical3A_240 = arith.constant 16 : i32
        %shift_right_logical3A_241 = vector.broadcast %shift_right_logical3A_240 : i32 to vector<16xi32>
        %shift_right_logical3A_242 = arith.shrui %bitcast_convert_type3A_238, %shift_right_logical3A_241 : vector<16xi32>
        %and3A_243 = arith.constant -65536 : i32
        %and3A_244 = vector.broadcast %and3A_243 : i32 to vector<16xi32>
        %and3A_245 = arith.andi %bitcast_convert_type3A_239, %and3A_244 : vector<16xi32>
        %or3A_246 = arith.ori %and3A_245, %shift_right_logical3A_242 : vector<16xi32>
        %swap3A_247 = arith.index_cast %add3A_207 : i32 to index
        %swap3A_248 = arith.constant 16 : index
        %swap3A_249 = tpu.vector_load %arg7[%swap3A_247, %swap3A_248] {strides = array<i32>} : memref<125x64xi32, #tpu.memory_space<vmem>>, vector<1x16xi32>,
        %swap3A_250 = vector.shape_cast %swap3A_249 : vector<1x16xi32> to vector<16xi32>
        %swap3A_251 = vector.shape_cast %or3A_246 : vector<16xi32> to vector<1x16xi32>
        tpu.vector_store %arg7[%swap3A_247, %swap3A_248], %swap3A_251 {strides = array<i32>} : memref<125x64xi32, #tpu.memory_space<vmem>>, vector<1x16xi32>,
        %get3A_252 = arith.index_cast %add3A_207 : i32 to index
        %get3A_253 = arith.constant 32 : index
        %get3A_254 = tpu.vector_load %arg5[%get3A_252, %get3A_253] {strides = array<i32>} : memref<125x128xf32, #tpu.memory_space<vmem>>, vector<1x16xf32>,
        %get3A_255 = vector.shape_cast %get3A_254 : vector<1x16xf32> to vector<16xf32>
        %get3A_256 = arith.index_cast %add3A_207 : i32 to index
        %get3A_257 = arith.constant 96 : index
        %get3A_258 = tpu.vector_load %arg5[%get3A_256, %get3A_257] {strides = array<i32>} : memref<125x128xf32, #tpu.memory_space<vmem>>, vector<1x16xf32>,
        %get3A_259 = vector.shape_cast %get3A_258 : vector<1x16xf32> to vector<16xf32>
        %bitcast_convert_type3A_260 = tpu.bitcast %get3A_255 : vector<16xf32> -> vector<16xi32>
        %bitcast_convert_type3A_261 = tpu.bitcast %get3A_259 : vector<16xf32> -> vector<16xi32>
        %shift_right_logical3A_262 = arith.constant 16 : i32
        %shift_right_logical3A_263 = vector.broadcast %shift_right_logical3A_262 : i32 to vector<16xi32>
        %shift_right_logical3A_264 = arith.shrui %bitcast_convert_type3A_260, %shift_right_logical3A_263 : vector<16xi32>
        %and3A_265 = arith.constant -65536 : i32
        %and3A_266 = vector.broadcast %and3A_265 : i32 to vector<16xi32>
        %and3A_267 = arith.andi %bitcast_convert_type3A_261, %and3A_266 : vector<16xi32>
        %or3A_268 = arith.ori %and3A_267, %shift_right_logical3A_264 : vector<16xi32>
        %swap3A_269 = arith.index_cast %add3A_207 : i32 to index
        %swap3A_270 = arith.constant 32 : index
        %swap3A_271 = tpu.vector_load %arg7[%swap3A_269, %swap3A_270] {strides = array<i32>} : memref<125x64xi32, #tpu.memory_space<vmem>>, vector<1x16xi32>,
        %swap3A_272 = vector.shape_cast %swap3A_271 : vector<1x16xi32> to vector<16xi32>
        %swap3A_273 = vector.shape_cast %or3A_268 : vector<16xi32> to vector<1x16xi32>
        tpu.vector_store %arg7[%swap3A_269, %swap3A_270], %swap3A_273 {strides = array<i32>} : memref<125x64xi32, #tpu.memory_space<vmem>>, vector<1x16xi32>,
        %get3A_274 = arith.index_cast %add3A_207 : i32 to index
        %get3A_275 = arith.constant 48 : index
        %get3A_276 = tpu.vector_load %arg5[%get3A_274, %get3A_275] {strides = array<i32>} : memref<125x128xf32, #tpu.memory_space<vmem>>, vector<1x16xf32>,
        %get3A_277 = vector.shape_cast %get3A_276 : vector<1x16xf32> to vector<16xf32>
        %get3A_278 = arith.index_cast %add3A_207 : i32 to index
        %get3A_279 = arith.constant 112 : index
        %get3A_280 = tpu.vector_load %arg5[%get3A_278, %get3A_279] {strides = array<i32>} : memref<125x128xf32, #tpu.memory_space<vmem>>, vector<1x16xf32>,
        %get3A_281 = vector.shape_cast %get3A_280 : vector<1x16xf32> to vector<16xf32>
        %bitcast_convert_type3A_282 = tpu.bitcast %get3A_277 : vector<16xf32> -> vector<16xi32>
        %bitcast_convert_type3A_283 = tpu.bitcast %get3A_281 : vector<16xf32> -> vector<16xi32>
        %shift_right_logical3A_284 = arith.constant 16 : i32
        %shift_right_logical3A_285 = vector.broadcast %shift_right_logical3A_284 : i32 to vector<16xi32>
        %shift_right_logical3A_286 = arith.shrui %bitcast_convert_type3A_282, %shift_right_logical3A_285 : vector<16xi32>
        %and3A_287 = arith.constant -65536 : i32
        %and3A_288 = vector.broadcast %and3A_287 : i32 to vector<16xi32>
        %and3A_289 = arith.andi %bitcast_convert_type3A_283, %and3A_288 : vector<16xi32>
        %or3A_290 = arith.ori %and3A_289, %shift_right_logical3A_286 : vector<16xi32>
        %swap3A_291 = arith.index_cast %add3A_207 : i32 to index
        %swap3A_292 = arith.constant 48 : index
        %swap3A_293 = tpu.vector_load %arg7[%swap3A_291, %swap3A_292] {strides = array<i32>} : memref<125x64xi32, #tpu.memory_space<vmem>>, vector<1x16xi32>,
        %swap3A_294 = vector.shape_cast %swap3A_293 : vector<1x16xi32> to vector<16xi32>
        %swap3A_295 = vector.shape_cast %or3A_290 : vector<16xi32> to vector<1x16xi32>
        tpu.vector_store %arg7[%swap3A_291, %swap3A_292], %swap3A_295 {strides = array<i32>} : memref<125x64xi32, #tpu.memory_space<vmem>>, vector<1x16xi32>,
        %mul3A_296 = arith.constant 5 : i32
        %mul3A_297 = arith.muli %scan3A_117, %mul3A_296 : i32
        %add3A_298 = arith.constant 2 : i32
        %add3A_299 = arith.addi %mul3A_297, %add3A_298 : i32
        %get3A_300 = arith.index_cast %add3A_299 : i32 to index
        %get3A_301 = arith.constant 0 : index
        %get3A_302 = tpu.vector_load %arg5[%get3A_300, %get3A_301] {strides = array<i32>} : memref<125x128xf32, #tpu.memory_space<vmem>>, vector<1x16xf32>,
        %get3A_303 = vector.shape_cast %get3A_302 : vector<1x16xf32> to vector<16xf32>
        %get3A_304 = arith.index_cast %add3A_299 : i32 to index
        %get3A_305 = arith.constant 64 : index
        %get3A_306 = tpu.vector_load %arg5[%get3A_304, %get3A_305] {strides = array<i32>} : memref<125x128xf32, #tpu.memory_space<vmem>>, vector<1x16xf32>,
        %get3A_307 = vector.shape_cast %get3A_306 : vector<1x16xf32> to vector<16xf32>
        %bitcast_convert_type3A_308 = tpu.bitcast %get3A_303 : vector<16xf32> -> vector<16xi32>
        %bitcast_convert_type3A_309 = tpu.bitcast %get3A_307 : vector<16xf32> -> vector<16xi32>
        %shift_right_logical3A_310 = arith.constant 16 : i32
        %shift_right_logical3A_311 = vector.broadcast %shift_right_logical3A_310 : i32 to vector<16xi32>
        %shift_right_logical3A_312 = arith.shrui %bitcast_convert_type3A_308, %shift_right_logical3A_311 : vector<16xi32>
        %and3A_313 = arith.constant -65536 : i32
        %and3A_314 = vector.broadcast %and3A_313 : i32 to vector<16xi32>
        %and3A_315 = arith.andi %bitcast_convert_type3A_309, %and3A_314 : vector<16xi32>
        %or3A_316 = arith.ori %and3A_315, %shift_right_logical3A_312 : vector<16xi32>
        %swap3A_317 = arith.index_cast %add3A_299 : i32 to index
        %swap3A_318 = arith.constant 0 : index
        %swap3A_319 = tpu.vector_load %arg7[%swap3A_317, %swap3A_318] {strides = array<i32>} : memref<125x64xi32, #tpu.memory_space<vmem>>, vector<1x16xi32>,
        %swap3A_320 = vector.shape_cast %swap3A_319 : vector<1x16xi32> to vector<16xi32>
        %swap3A_321 = vector.shape_cast %or3A_316 : vector<16xi32> to vector<1x16xi32>
        tpu.vector_store %arg7[%swap3A_317, %swap3A_318], %swap3A_321 {strides = array<i32>} : memref<125x64xi32, #tpu.memory_space<vmem>>, vector<1x16xi32>,
        %get3A_322 = arith.index_cast %add3A_299 : i32 to index
        %get3A_323 = arith.constant 16 : index
        %get3A_324 = tpu.vector_load %arg5[%get3A_322, %get3A_323] {strides = array<i32>} : memref<125x128xf32, #tpu.memory_space<vmem>>, vector<1x16xf32>,
        %get3A_325 = vector.shape_cast %get3A_324 : vector<1x16xf32> to vector<16xf32>
        %get3A_326 = arith.index_cast %add3A_299 : i32 to index
        %get3A_327 = arith.constant 80 : index
        %get3A_328 = tpu.vector_load %arg5[%get3A_326, %get3A_327] {strides = array<i32>} : memref<125x128xf32, #tpu.memory_space<vmem>>, vector<1x16xf32>,
        %get3A_329 = vector.shape_cast %get3A_328 : vector<1x16xf32> to vector<16xf32>
        %bitcast_convert_type3A_330 = tpu.bitcast %get3A_325 : vector<16xf32> -> vector<16xi32>
        %bitcast_convert_type3A_331 = tpu.bitcast %get3A_329 : vector<16xf32> -> vector<16xi32>
        %shift_right_logical3A_332 = arith.constant 16 : i32
        %shift_right_logical3A_333 = vector.broadcast %shift_right_logical3A_332 : i32 to vector<16xi32>
        %shift_right_logical3A_334 = arith.shrui %bitcast_convert_type3A_330, %shift_right_logical3A_333 : vector<16xi32>
        %and3A_335 = arith.constant -65536 : i32
        %and3A_336 = vector.broadcast %and3A_335 : i32 to vector<16xi32>
        %and3A_337 = arith.andi %bitcast_convert_type3A_331, %and3A_336 : vector<16xi32>
        %or3A_338 = arith.ori %and3A_337, %shift_right_logical3A_334 : vector<16xi32>
        %swap3A_339 = arith.index_cast %add3A_299 : i32 to index
        %swap3A_340 = arith.constant 16 : index
        %swap3A_341 = tpu.vector_load %arg7[%swap3A_339, %swap3A_340] {strides = array<i32>} : memref<125x64xi32, #tpu.memory_space<vmem>>, vector<1x16xi32>,
        %swap3A_342 = vector.shape_cast %swap3A_341 : vector<1x16xi32> to vector<16xi32>
        %swap3A_343 = vector.shape_cast %or3A_338 : vector<16xi32> to vector<1x16xi32>
        tpu.vector_store %arg7[%swap3A_339, %swap3A_340], %swap3A_343 {strides = array<i32>} : memref<125x64xi32, #tpu.memory_space<vmem>>, vector<1x16xi32>,
        %get3A_344 = arith.index_cast %add3A_299 : i32 to index
        %get3A_345 = arith.constant 32 : index
        %get3A_346 = tpu.vector_load %arg5[%get3A_344, %get3A_345] {strides = array<i32>} : memref<125x128xf32, #tpu.memory_space<vmem>>, vector<1x16xf32>,
        %get3A_347 = vector.shape_cast %get3A_346 : vector<1x16xf32> to vector<16xf32>
        %get3A_348 = arith.index_cast %add3A_299 : i32 to index
        %get3A_349 = arith.constant 96 : index
        %get3A_350 = tpu.vector_load %arg5[%get3A_348, %get3A_349] {strides = array<i32>} : memref<125x128xf32, #tpu.memory_space<vmem>>, vector<1x16xf32>,
        %get3A_351 = vector.shape_cast %get3A_350 : vector<1x16xf32> to vector<16xf32>
        %bitcast_convert_type3A_352 = tpu.bitcast %get3A_347 : vector<16xf32> -> vector<16xi32>
        %bitcast_convert_type3A_353 = tpu.bitcast %get3A_351 : vector<16xf32> -> vector<16xi32>
        %shift_right_logical3A_354 = arith.constant 16 : i32
        %shift_right_logical3A_355 = vector.broadcast %shift_right_logical3A_354 : i32 to vector<16xi32>
        %shift_right_logical3A_356 = arith.shrui %bitcast_convert_type3A_352, %shift_right_logical3A_355 : vector<16xi32>
        %and3A_357 = arith.constant -65536 : i32
        %and3A_358 = vector.broadcast %and3A_357 : i32 to vector<16xi32>
        %and3A_359 = arith.andi %bitcast_convert_type3A_353, %and3A_358 : vector<16xi32>
        %or3A_360 = arith.ori %and3A_359, %shift_right_logical3A_356 : vector<16xi32>
        %swap3A_361 = arith.index_cast %add3A_299 : i32 to index
        %swap3A_362 = arith.constant 32 : index
        %swap3A_363 = tpu.vector_load %arg7[%swap3A_361, %swap3A_362] {strides = array<i32>} : memref<125x64xi32, #tpu.memory_space<vmem>>, vector<1x16xi32>,
        %swap3A_364 = vector.shape_cast %swap3A_363 : vector<1x16xi32> to vector<16xi32>
        %swap3A_365 = vector.shape_cast %or3A_360 : vector<16xi32> to vector<1x16xi32>
        tpu.vector_store %arg7[%swap3A_361, %swap3A_362], %swap3A_365 {strides = array<i32>} : memref<125x64xi32, #tpu.memory_space<vmem>>, vector<1x16xi32>,
        %get3A_366 = arith.index_cast %add3A_299 : i32 to index
        %get3A_367 = arith.constant 48 : index
        %get3A_368 = tpu.vector_load %arg5[%get3A_366, %get3A_367] {strides = array<i32>} : memref<125x128xf32, #tpu.memory_space<vmem>>, vector<1x16xf32>,
        %get3A_369 = vector.shape_cast %get3A_368 : vector<1x16xf32> to vector<16xf32>
        %get3A_370 = arith.index_cast %add3A_299 : i32 to index
        %get3A_371 = arith.constant 112 : index
        %get3A_372 = tpu.vector_load %arg5[%get3A_370, %get3A_371] {strides = array<i32>} : memref<125x128xf32, #tpu.memory_space<vmem>>, vector<1x16xf32>,
        %get3A_373 = vector.shape_cast %get3A_372 : vector<1x16xf32> to vector<16xf32>
        %bitcast_convert_type3A_374 = tpu.bitcast %get3A_369 : vector<16xf32> -> vector<16xi32>
        %bitcast_convert_type3A_375 = tpu.bitcast %get3A_373 : vector<16xf32> -> vector<16xi32>
        %shift_right_logical3A_376 = arith.constant 16 : i32
        %shift_right_logical3A_377 = vector.broadcast %shift_right_logical3A_376 : i32 to vector<16xi32>
        %shift_right_logical3A_378 = arith.shrui %bitcast_convert_type3A_374, %shift_right_logical3A_377 : vector<16xi32>
        %and3A_379 = arith.constant -65536 : i32
        %and3A_380 = vector.broadcast %and3A_379 : i32 to vector<16xi32>
        %and3A_381 = arith.andi %bitcast_convert_type3A_375, %and3A_380 : vector<16xi32>
        %or3A_382 = arith.ori %and3A_381, %shift_right_logical3A_378 : vector<16xi32>
        %swap3A_383 = arith.index_cast %add3A_299 : i32 to index
        %swap3A_384 = arith.constant 48 : index
        %swap3A_385 = tpu.vector_load %arg7[%swap3A_383, %swap3A_384] {strides = array<i32>} : memref<125x64xi32, #tpu.memory_space<vmem>>, vector<1x16xi32>,
        %swap3A_386 = vector.shape_cast %swap3A_385 : vector<1x16xi32> to vector<16xi32>
        %swap3A_387 = vector.shape_cast %or3A_382 : vector<16xi32> to vector<1x16xi32>
        tpu.vector_store %arg7[%swap3A_383, %swap3A_384], %swap3A_387 {strides = array<i32>} : memref<125x64xi32, #tpu.memory_space<vmem>>, vector<1x16xi32>,
        %mul3A_388 = arith.constant 5 : i32
        %mul3A_389 = arith.muli %scan3A_117, %mul3A_388 : i32
        %add3A_390 = arith.constant 3 : i32
        %add3A_391 = arith.addi %mul3A_389, %add3A_390 : i32
        %get3A_392 = arith.index_cast %add3A_391 : i32 to index
        %get3A_393 = arith.constant 0 : index
        %get3A_394 = tpu.vector_load %arg5[%get3A_392, %get3A_393] {strides = array<i32>} : memref<125x128xf32, #tpu.memory_space<vmem>>, vector<1x16xf32>,
        %get3A_395 = vector.shape_cast %get3A_394 : vector<1x16xf32> to vector<16xf32>
        %get3A_396 = arith.index_cast %add3A_391 : i32 to index
        %get3A_397 = arith.constant 64 : index
        %get3A_398 = tpu.vector_load %arg5[%get3A_396, %get3A_397] {strides = array<i32>} : memref<125x128xf32, #tpu.memory_space<vmem>>, vector<1x16xf32>,
        %get3A_399 = vector.shape_cast %get3A_398 : vector<1x16xf32> to vector<16xf32>
        %bitcast_convert_type3A_400 = tpu.bitcast %get3A_395 : vector<16xf32> -> vector<16xi32>
        %bitcast_convert_type3A_401 = tpu.bitcast %get3A_399 : vector<16xf32> -> vector<16xi32>
        %shift_right_logical3A_402 = arith.constant 16 : i32
        %shift_right_logical3A_403 = vector.broadcast %shift_right_logical3A_402 : i32 to vector<16xi32>
        %shift_right_logical3A_404 = arith.shrui %bitcast_convert_type3A_400, %shift_right_logical3A_403 : vector<16xi32>
        %and3A_405 = arith.constant -65536 : i32
        %and3A_406 = vector.broadcast %and3A_405 : i32 to vector<16xi32>
        %and3A_407 = arith.andi %bitcast_convert_type3A_401, %and3A_406 : vector<16xi32>
        %or3A_408 = arith.ori %and3A_407, %shift_right_logical3A_404 : vector<16xi32>
        %swap3A_409 = arith.index_cast %add3A_391 : i32 to index
        %swap3A_410 = arith.constant 0 : index
        %swap3A_411 = tpu.vector_load %arg7[%swap3A_409, %swap3A_410] {strides = array<i32>} : memref<125x64xi32, #tpu.memory_space<vmem>>, vector<1x16xi32>,
        %swap3A_412 = vector.shape_cast %swap3A_411 : vector<1x16xi32> to vector<16xi32>
        %swap3A_413 = vector.shape_cast %or3A_408 : vector<16xi32> to vector<1x16xi32>
        tpu.vector_store %arg7[%swap3A_409, %swap3A_410], %swap3A_413 {strides = array<i32>} : memref<125x64xi32, #tpu.memory_space<vmem>>, vector<1x16xi32>,
        %get3A_414 = arith.index_cast %add3A_391 : i32 to index
        %get3A_415 = arith.constant 16 : index
        %get3A_416 = tpu.vector_load %arg5[%get3A_414, %get3A_415] {strides = array<i32>} : memref<125x128xf32, #tpu.memory_space<vmem>>, vector<1x16xf32>,
        %get3A_417 = vector.shape_cast %get3A_416 : vector<1x16xf32> to vector<16xf32>
        %get3A_418 = arith.index_cast %add3A_391 : i32 to index
        %get3A_419 = arith.constant 80 : index
        %get3A_420 = tpu.vector_load %arg5[%get3A_418, %get3A_419] {strides = array<i32>} : memref<125x128xf32, #tpu.memory_space<vmem>>, vector<1x16xf32>,
        %get3A_421 = vector.shape_cast %get3A_420 : vector<1x16xf32> to vector<16xf32>
        %bitcast_convert_type3A_422 = tpu.bitcast %get3A_417 : vector<16xf32> -> vector<16xi32>
        %bitcast_convert_type3A_423 = tpu.bitcast %get3A_421 : vector<16xf32> -> vector<16xi32>
        %shift_right_logical3A_424 = arith.constant 16 : i32
        %shift_right_logical3A_425 = vector.broadcast %shift_right_logical3A_424 : i32 to vector<16xi32>
        %shift_right_logical3A_426 = arith.shrui %bitcast_convert_type3A_422, %shift_right_logical3A_425 : vector<16xi32>
        %and3A_427 = arith.constant -65536 : i32
        %and3A_428 = vector.broadcast %and3A_427 : i32 to vector<16xi32>
        %and3A_429 = arith.andi %bitcast_convert_type3A_423, %and3A_428 : vector<16xi32>
        %or3A_430 = arith.ori %and3A_429, %shift_right_logical3A_426 : vector<16xi32>
        %swap3A_431 = arith.index_cast %add3A_391 : i32 to index
        %swap3A_432 = arith.constant 16 : index
        %swap3A_433 = tpu.vector_load %arg7[%swap3A_431, %swap3A_432] {strides = array<i32>} : memref<125x64xi32, #tpu.memory_space<vmem>>, vector<1x16xi32>,
        %swap3A_434 = vector.shape_cast %swap3A_433 : vector<1x16xi32> to vector<16xi32>
        %swap3A_435 = vector.shape_cast %or3A_430 : vector<16xi32> to vector<1x16xi32>
        tpu.vector_store %arg7[%swap3A_431, %swap3A_432], %swap3A_435 {strides = array<i32>} : memref<125x64xi32, #tpu.memory_space<vmem>>, vector<1x16xi32>,
        %get3A_436 = arith.index_cast %add3A_391 : i32 to index
        %get3A_437 = arith.constant 32 : index
        %get3A_438 = tpu.vector_load %arg5[%get3A_436, %get3A_437] {strides = array<i32>} : memref<125x128xf32, #tpu.memory_space<vmem>>, vector<1x16xf32>,
        %get3A_439 = vector.shape_cast %get3A_438 : vector<1x16xf32> to vector<16xf32>
        %get3A_440 = arith.index_cast %add3A_391 : i32 to index
        %get3A_441 = arith.constant 96 : index
        %get3A_442 = tpu.vector_load %arg5[%get3A_440, %get3A_441] {strides = array<i32>} : memref<125x128xf32, #tpu.memory_space<vmem>>, vector<1x16xf32>,
        %get3A_443 = vector.shape_cast %get3A_442 : vector<1x16xf32> to vector<16xf32>
        %bitcast_convert_type3A_444 = tpu.bitcast %get3A_439 : vector<16xf32> -> vector<16xi32>
        %bitcast_convert_type3A_445 = tpu.bitcast %get3A_443 : vector<16xf32> -> vector<16xi32>
        %shift_right_logical3A_446 = arith.constant 16 : i32
        %shift_right_logical3A_447 = vector.broadcast %shift_right_logical3A_446 : i32 to vector<16xi32>
        %shift_right_logical3A_448 = arith.shrui %bitcast_convert_type3A_444, %shift_right_logical3A_447 : vector<16xi32>
        %and3A_449 = arith.constant -65536 : i32
        %and3A_450 = vector.broadcast %and3A_449 : i32 to vector<16xi32>
        %and3A_451 = arith.andi %bitcast_convert_type3A_445, %and3A_450 : vector<16xi32>
        %or3A_452 = arith.ori %and3A_451, %shift_right_logical3A_448 : vector<16xi32>
        %swap3A_453 = arith.index_cast %add3A_391 : i32 to index
        %swap3A_454 = arith.constant 32 : index
        %swap3A_455 = tpu.vector_load %arg7[%swap3A_453, %swap3A_454] {strides = array<i32>} : memref<125x64xi32, #tpu.memory_space<vmem>>, vector<1x16xi32>,
        %swap3A_456 = vector.shape_cast %swap3A_455 : vector<1x16xi32> to vector<16xi32>
        %swap3A_457 = vector.shape_cast %or3A_452 : vector<16xi32> to vector<1x16xi32>
        tpu.vector_store %arg7[%swap3A_453, %swap3A_454], %swap3A_457 {strides = array<i32>} : memref<125x64xi32, #tpu.memory_space<vmem>>, vector<1x16xi32>,
        %get3A_458 = arith.index_cast %add3A_391 : i32 to index
        %get3A_459 = arith.constant 48 : index
        %get3A_460 = tpu.vector_load %arg5[%get3A_458, %get3A_459] {strides = array<i32>} : memref<125x128xf32, #tpu.memory_space<vmem>>, vector<1x16xf32>,
        %get3A_461 = vector.shape_cast %get3A_460 : vector<1x16xf32> to vector<16xf32>
        %get3A_462 = arith.index_cast %add3A_391 : i32 to index
        %get3A_463 = arith.constant 112 : index
        %get3A_464 = tpu.vector_load %arg5[%get3A_462, %get3A_463] {strides = array<i32>} : memref<125x128xf32, #tpu.memory_space<vmem>>, vector<1x16xf32>,
        %get3A_465 = vector.shape_cast %get3A_464 : vector<1x16xf32> to vector<16xf32>
        %bitcast_convert_type3A_466 = tpu.bitcast %get3A_461 : vector<16xf32> -> vector<16xi32>
        %bitcast_convert_type3A_467 = tpu.bitcast %get3A_465 : vector<16xf32> -> vector<16xi32>
        %shift_right_logical3A_468 = arith.constant 16 : i32
        %shift_right_logical3A_469 = vector.broadcast %shift_right_logical3A_468 : i32 to vector<16xi32>
        %shift_right_logical3A_470 = arith.shrui %bitcast_convert_type3A_466, %shift_right_logical3A_469 : vector<16xi32>
        %and3A_471 = arith.constant -65536 : i32
        %and3A_472 = vector.broadcast %and3A_471 : i32 to vector<16xi32>
        %and3A_473 = arith.andi %bitcast_convert_type3A_467, %and3A_472 : vector<16xi32>
        %or3A_474 = arith.ori %and3A_473, %shift_right_logical3A_470 : vector<16xi32>
        %swap3A_475 = arith.index_cast %add3A_391 : i32 to index
        %swap3A_476 = arith.constant 48 : index
        %swap3A_477 = tpu.vector_load %arg7[%swap3A_475, %swap3A_476] {strides = array<i32>} : memref<125x64xi32, #tpu.memory_space<vmem>>, vector<1x16xi32>,
        %swap3A_478 = vector.shape_cast %swap3A_477 : vector<1x16xi32> to vector<16xi32>
        %swap3A_479 = vector.shape_cast %or3A_474 : vector<16xi32> to vector<1x16xi32>
        tpu.vector_store %arg7[%swap3A_475, %swap3A_476], %swap3A_479 {strides = array<i32>} : memref<125x64xi32, #tpu.memory_space<vmem>>, vector<1x16xi32>,
        %mul3A_480 = arith.constant 5 : i32
        %mul3A_481 = arith.muli %scan3A_117, %mul3A_480 : i32
        %add3A_482 = arith.constant 4 : i32
        %add3A_483 = arith.addi %mul3A_481, %add3A_482 : i32
        %get3A_484 = arith.index_cast %add3A_483 : i32 to index
        %get3A_485 = arith.constant 0 : index
        %get3A_486 = tpu.vector_load %arg5[%get3A_484, %get3A_485] {strides = array<i32>} : memref<125x128xf32, #tpu.memory_space<vmem>>, vector<1x16xf32>,
        %get3A_487 = vector.shape_cast %get3A_486 : vector<1x16xf32> to vector<16xf32>
        %get3A_488 = arith.index_cast %add3A_483 : i32 to index
        %get3A_489 = arith.constant 64 : index
        %get3A_490 = tpu.vector_load %arg5[%get3A_488, %get3A_489] {strides = array<i32>} : memref<125x128xf32, #tpu.memory_space<vmem>>, vector<1x16xf32>,
        %get3A_491 = vector.shape_cast %get3A_490 : vector<1x16xf32> to vector<16xf32>
        %bitcast_convert_type3A_492 = tpu.bitcast %get3A_487 : vector<16xf32> -> vector<16xi32>
        %bitcast_convert_type3A_493 = tpu.bitcast %get3A_491 : vector<16xf32> -> vector<16xi32>
        %shift_right_logical3A_494 = arith.constant 16 : i32
        %shift_right_logical3A_495 = vector.broadcast %shift_right_logical3A_494 : i32 to vector<16xi32>
        %shift_right_logical3A_496 = arith.shrui %bitcast_convert_type3A_492, %shift_right_logical3A_495 : vector<16xi32>
        %and3A_497 = arith.constant -65536 : i32
        %and3A_498 = vector.broadcast %and3A_497 : i32 to vector<16xi32>
        %and3A_499 = arith.andi %bitcast_convert_type3A_493, %and3A_498 : vector<16xi32>
        %or3A_500 = arith.ori %and3A_499, %shift_right_logical3A_496 : vector<16xi32>
        %swap3A_501 = arith.index_cast %add3A_483 : i32 to index
        %swap3A_502 = arith.constant 0 : index
        %swap3A_503 = tpu.vector_load %arg7[%swap3A_501, %swap3A_502] {strides = array<i32>} : memref<125x64xi32, #tpu.memory_space<vmem>>, vector<1x16xi32>,
        %swap3A_504 = vector.shape_cast %swap3A_503 : vector<1x16xi32> to vector<16xi32>
        %swap3A_505 = vector.shape_cast %or3A_500 : vector<16xi32> to vector<1x16xi32>
        tpu.vector_store %arg7[%swap3A_501, %swap3A_502], %swap3A_505 {strides = array<i32>} : memref<125x64xi32, #tpu.memory_space<vmem>>, vector<1x16xi32>,
        %get3A_506 = arith.index_cast %add3A_483 : i32 to index
        %get3A_507 = arith.constant 16 : index
        %get3A_508 = tpu.vector_load %arg5[%get3A_506, %get3A_507] {strides = array<i32>} : memref<125x128xf32, #tpu.memory_space<vmem>>, vector<1x16xf32>,
        %get3A_509 = vector.shape_cast %get3A_508 : vector<1x16xf32> to vector<16xf32>
        %get3A_510 = arith.index_cast %add3A_483 : i32 to index
        %get3A_511 = arith.constant 80 : index
        %get3A_512 = tpu.vector_load %arg5[%get3A_510, %get3A_511] {strides = array<i32>} : memref<125x128xf32, #tpu.memory_space<vmem>>, vector<1x16xf32>,
        %get3A_513 = vector.shape_cast %get3A_512 : vector<1x16xf32> to vector<16xf32>
        %bitcast_convert_type3A_514 = tpu.bitcast %get3A_509 : vector<16xf32> -> vector<16xi32>
        %bitcast_convert_type3A_515 = tpu.bitcast %get3A_513 : vector<16xf32> -> vector<16xi32>
        %shift_right_logical3A_516 = arith.constant 16 : i32
        %shift_right_logical3A_517 = vector.broadcast %shift_right_logical3A_516 : i32 to vector<16xi32>
        %shift_right_logical3A_518 = arith.shrui %bitcast_convert_type3A_514, %shift_right_logical3A_517 : vector<16xi32>
        %and3A_519 = arith.constant -65536 : i32
        %and3A_520 = vector.broadcast %and3A_519 : i32 to vector<16xi32>
        %and3A_521 = arith.andi %bitcast_convert_type3A_515, %and3A_520 : vector<16xi32>
        %or3A_522 = arith.ori %and3A_521, %shift_right_logical3A_518 : vector<16xi32>
        %swap3A_523 = arith.index_cast %add3A_483 : i32 to index
        %swap3A_524 = arith.constant 16 : index
        %swap3A_525 = tpu.vector_load %arg7[%swap3A_523, %swap3A_524] {strides = array<i32>} : memref<125x64xi32, #tpu.memory_space<vmem>>, vector<1x16xi32>,
        %swap3A_526 = vector.shape_cast %swap3A_525 : vector<1x16xi32> to vector<16xi32>
        %swap3A_527 = vector.shape_cast %or3A_522 : vector<16xi32> to vector<1x16xi32>
        tpu.vector_store %arg7[%swap3A_523, %swap3A_524], %swap3A_527 {strides = array<i32>} : memref<125x64xi32, #tpu.memory_space<vmem>>, vector<1x16xi32>,
        %get3A_528 = arith.index_cast %add3A_483 : i32 to index
        %get3A_529 = arith.constant 32 : index
        %get3A_530 = tpu.vector_load %arg5[%get3A_528, %get3A_529] {strides = array<i32>} : memref<125x128xf32, #tpu.memory_space<vmem>>, vector<1x16xf32>,
        %get3A_531 = vector.shape_cast %get3A_530 : vector<1x16xf32> to vector<16xf32>
        %get3A_532 = arith.index_cast %add3A_483 : i32 to index
        %get3A_533 = arith.constant 96 : index
        %get3A_534 = tpu.vector_load %arg5[%get3A_532, %get3A_533] {strides = array<i32>} : memref<125x128xf32, #tpu.memory_space<vmem>>, vector<1x16xf32>,
        %get3A_535 = vector.shape_cast %get3A_534 : vector<1x16xf32> to vector<16xf32>
        %bitcast_convert_type3A_536 = tpu.bitcast %get3A_531 : vector<16xf32> -> vector<16xi32>
        %bitcast_convert_type3A_537 = tpu.bitcast %get3A_535 : vector<16xf32> -> vector<16xi32>
        %shift_right_logical3A_538 = arith.constant 16 : i32
        %shift_right_logical3A_539 = vector.broadcast %shift_right_logical3A_538 : i32 to vector<16xi32>
        %shift_right_logical3A_540 = arith.shrui %bitcast_convert_type3A_536, %shift_right_logical3A_539 : vector<16xi32>
        %and3A_541 = arith.constant -65536 : i32
        %and3A_542 = vector.broadcast %and3A_541 : i32 to vector<16xi32>
        %and3A_543 = arith.andi %bitcast_convert_type3A_537, %and3A_542 : vector<16xi32>
        %or3A_544 = arith.ori %and3A_543, %shift_right_logical3A_540 : vector<16xi32>
        %swap3A_545 = arith.index_cast %add3A_483 : i32 to index
        %swap3A_546 = arith.constant 32 : index
        %swap3A_547 = tpu.vector_load %arg7[%swap3A_545, %swap3A_546] {strides = array<i32>} : memref<125x64xi32, #tpu.memory_space<vmem>>, vector<1x16xi32>,
        %swap3A_548 = vector.shape_cast %swap3A_547 : vector<1x16xi32> to vector<16xi32>
        %swap3A_549 = vector.shape_cast %or3A_544 : vector<16xi32> to vector<1x16xi32>
        tpu.vector_store %arg7[%swap3A_545, %swap3A_546], %swap3A_549 {strides = array<i32>} : memref<125x64xi32, #tpu.memory_space<vmem>>, vector<1x16xi32>,
        %get3A_550 = arith.index_cast %add3A_483 : i32 to index
        %get3A_551 = arith.constant 48 : index
        %get3A_552 = tpu.vector_load %arg5[%get3A_550, %get3A_551] {strides = array<i32>} : memref<125x128xf32, #tpu.memory_space<vmem>>, vector<1x16xf32>,
        %get3A_553 = vector.shape_cast %get3A_552 : vector<1x16xf32> to vector<16xf32>
        %get3A_554 = arith.index_cast %add3A_483 : i32 to index
        %get3A_555 = arith.constant 112 : index
        %get3A_556 = tpu.vector_load %arg5[%get3A_554, %get3A_555] {strides = array<i32>} : memref<125x128xf32, #tpu.memory_space<vmem>>, vector<1x16xf32>,
        %get3A_557 = vector.shape_cast %get3A_556 : vector<1x16xf32> to vector<16xf32>
        %bitcast_convert_type3A_558 = tpu.bitcast %get3A_553 : vector<16xf32> -> vector<16xi32>
        %bitcast_convert_type3A_559 = tpu.bitcast %get3A_557 : vector<16xf32> -> vector<16xi32>
        %shift_right_logical3A_560 = arith.constant 16 : i32
        %shift_right_logical3A_561 = vector.broadcast %shift_right_logical3A_560 : i32 to vector<16xi32>
        %shift_right_logical3A_562 = arith.shrui %bitcast_convert_type3A_558, %shift_right_logical3A_561 : vector<16xi32>
        %and3A_563 = arith.constant -65536 : i32
        %and3A_564 = vector.broadcast %and3A_563 : i32 to vector<16xi32>
        %and3A_565 = arith.andi %bitcast_convert_type3A_559, %and3A_564 : vector<16xi32>
        %or3A_566 = arith.ori %and3A_565, %shift_right_logical3A_562 : vector<16xi32>
        %swap3A_567 = arith.index_cast %add3A_483 : i32 to index
        %swap3A_568 = arith.constant 48 : index
        %swap3A_569 = tpu.vector_load %arg7[%swap3A_567, %swap3A_568] {strides = array<i32>} : memref<125x64xi32, #tpu.memory_space<vmem>>, vector<1x16xi32>,
        %swap3A_570 = vector.shape_cast %swap3A_569 : vector<1x16xi32> to vector<16xi32>
        %swap3A_571 = vector.shape_cast %or3A_566 : vector<16xi32> to vector<1x16xi32>
        tpu.vector_store %arg7[%swap3A_567, %swap3A_568], %swap3A_571 {strides = array<i32>} : memref<125x64xi32, #tpu.memory_space<vmem>>, vector<1x16xi32>,
      }
      %scan3A_102 = arith.constant 25 : i32
      %mul3A_103 = arith.constant 125 : i32
      %mul3A_104 = arith.muli %add3A_91, %mul3A_103 : i32
      %add3A_105 = arith.addi %mul3A_2, %mul3A_104 : i32
      %dma_start3A_106 = arith.constant 0 : i32
      %dma_start3A_107 = tpu.memref_slice %arg3[%add3A_105, %dma_start3A_106] : memref<100000x64xi32, #tpu.memory_space<hbm>> -> memref<125x64xi32, #tpu.memory_space<hbm>>
      %dma_start3A_108 = arith.constant 0 : i32
      %dma_start3A_109 = tpu.memref_slice %arg3[%add3A_105, %dma_start3A_108] : memref<100000x64xi32, #tpu.memory_space<hbm>> -> memref<125x64xi32, #tpu.memory_space<hbm>>
      tpu.enqueue_dma source(%arg7 : memref<125x64xi32, #tpu.memory_space<vmem>>) target(%dma_start3A_109 : memref<125x64xi32, #tpu.memory_space<hbm>>) target_semaphore(%arg11 : memref<!tpu.dma_semaphore, #tpu.memory_space<semaphore_mem>>)
      %add3A_110 = arith.constant 3 : i32
      %add3A_111 = arith.addi %mul3A_56, %add3A_110 : i32
      %lt3A_112 = arith.constant 25 : i32
      %lt3A_113 = arith.cmpi slt, %add3A_111, %lt3A_112 : i32
      %convert_element_type3A_114 = arith.extui %lt3A_113 : i1 to i32
      %cond3A_115 = arith.constant 0 : i32
      %cond3A_116 = arith.cmpi ne, %convert_element_type3A_114, %cond3A_115 : i32
      scf.if %cond3A_116 {
        %add3A_117 = arith.constant 3 : i32
        %add3A_118 = arith.addi %mul3A_56, %add3A_117 : i32
        %mul3A_119 = arith.constant 125 : i32
        %mul3A_120 = arith.muli %add3A_118, %mul3A_119 : i32
        %add3A_121 = arith.addi %mul3A_2, %mul3A_120 : i32
        %dma_start3A_122 = arith.constant 0 : i32
        %dma_start3A_123 = tpu.memref_slice %arg2[%add3A_121, %dma_start3A_122] : memref<100000x128xf32, #tpu.memory_space<hbm>> -> memref<125x128xf32, #tpu.memory_space<hbm>>
        %dma_start3A_124 = arith.constant 0 : i32
        %dma_start3A_125 = tpu.memref_slice %arg2[%add3A_121, %dma_start3A_124] : memref<100000x128xf32, #tpu.memory_space<hbm>> -> memref<125x128xf32, #tpu.memory_space<hbm>>
        tpu.enqueue_dma source(%dma_start3A_125 : memref<125x128xf32, #tpu.memory_space<hbm>>) target(%arg5 : memref<125x128xf32, #tpu.memory_space<vmem>>) target_semaphore(%arg9 : memref<!tpu.dma_semaphore, #tpu.memory_space<semaphore_mem>>)
      } else {
      }
    }
    %scan3A_18 = arith.constant 12 : i32
    %dma_wait3A = arith.constant 0 : i32
    %dma_wait3A_19 = arith.constant 0 : i32
    %dma_wait3A_20 = tpu.memref_slice %arg2[%dma_wait3A, %dma_wait3A_19] : memref<100000x128xf32, #tpu.memory_space<hbm>> -> memref<125x128xf32, #tpu.memory_space<hbm>>
    %dma_wait3A_21 = arith.constant 0 : i32
    %dma_wait3A_22 = arith.constant 0 : i32
    %dma_wait3A_23 = tpu.memref_slice %arg2[%dma_wait3A_21, %dma_wait3A_22] : memref<100000x128xf32, #tpu.memory_space<hbm>> -> memref<125x128xf32, #tpu.memory_space<hbm>>
    tpu.wait_dma2 semaphore(%arg8 : memref<!tpu.dma_semaphore, #tpu.memory_space<semaphore_mem>>) src(%dma_wait3A_23 : memref<125x128xf32, #tpu.memory_space<hbm>>) dst(%arg4 : memref<125x128xf32, #tpu.memory_space<vmem>>)
    %dma_wait3A_24 = arith.constant 0 : i32
    %dma_wait3A_25 = arith.constant 0 : i32
    %dma_wait3A_26 = tpu.memref_slice %arg3[%dma_wait3A_24, %dma_wait3A_25] : memref<100000x64xi32, #tpu.memory_space<hbm>> -> memref<125x64xi32, #tpu.memory_space<hbm>>
    %dma_wait3A_27 = arith.constant 0 : i32
    %dma_wait3A_28 = arith.constant 0 : i32
    %dma_wait3A_29 = tpu.memref_slice %arg3[%dma_wait3A_27, %dma_wait3A_28] : memref<100000x64xi32, #tpu.memory_space<hbm>> -> memref<125x64xi32, #tpu.memory_space<hbm>>
    tpu.wait_dma2 semaphore(%arg10 : memref<!tpu.dma_semaphore, #tpu.memory_space<semaphore_mem>>) src(%arg6 : memref<125x64xi32, #tpu.memory_space<vmem>>) dst(%dma_wait3A_29 : memref<125x64xi32, #tpu.memory_space<hbm>>)
    %scan3A_30 = arith.constant 0 : i32
    %scan3A_31 = arith.constant 0 : i32
    %scan3A_32 = arith.constant 25 : i32
    %scan3A_33 = arith.addi %scan3A_31, %scan3A_32 : i32
    %scan3A_34 = arith.constant 1 : i32
    scf.for %scan3A_54 = %scan3A_31 to %scan3A_33 step %scan3A_34  : i32 {
      %mul3A_55 = arith.constant 5 : i32
      %mul3A_56 = arith.muli %scan3A_54, %mul3A_55 : i32
      %add3A_57 = arith.constant 0 : i32
      %add3A_58 = arith.addi %mul3A_56, %add3A_57 : i32
      %get3A = arith.index_cast %add3A_58 : i32 to index
      %get3A_59 = arith.constant 0 : index
      %get3A_60 = tpu.vector_load %arg4[%get3A, %get3A_59] {strides = array<i32>} : memref<125x128xf32, #tpu.memory_space<vmem>>, vector<1x16xf32>,
      %get3A_61 = vector.shape_cast %get3A_60 : vector<1x16xf32> to vector<16xf32>
      %get3A_62 = arith.index_cast %add3A_58 : i32 to index
      %get3A_63 = arith.constant 64 : index
      %get3A_64 = tpu.vector_load %arg4[%get3A_62, %get3A_63] {strides = array<i32>} : memref<125x128xf32, #tpu.memory_space<vmem>>, vector<1x16xf32>,
      %get3A_65 = vector.shape_cast %get3A_64 : vector<1x16xf32> to vector<16xf32>
      %bitcast_convert_type3A = tpu.bitcast %get3A_61 : vector<16xf32> -> vector<16xi32>
      %bitcast_convert_type3A_66 = tpu.bitcast %get3A_65 : vector<16xf32> -> vector<16xi32>
      %shift_right_logical3A = arith.constant 16 : i32
      %shift_right_logical3A_67 = vector.broadcast %shift_right_logical3A : i32 to vector<16xi32>
      %shift_right_logical3A_68 = arith.shrui %bitcast_convert_type3A, %shift_right_logical3A_67 : vector<16xi32>
      %and3A = arith.constant -65536 : i32
      %and3A_69 = vector.broadcast %and3A : i32 to vector<16xi32>
      %and3A_70 = arith.andi %bitcast_convert_type3A_66, %and3A_69 : vector<16xi32>
      %or3A = arith.ori %and3A_70, %shift_right_logical3A_68 : vector<16xi32>
      %swap3A = arith.index_cast %add3A_58 : i32 to index
      %swap3A_71 = arith.constant 0 : index
      %swap3A_72 = tpu.vector_load %arg6[%swap3A, %swap3A_71] {strides = array<i32>} : memref<125x64xi32, #tpu.memory_space<vmem>>, vector<1x16xi32>,
      %swap3A_73 = vector.shape_cast %swap3A_72 : vector<1x16xi32> to vector<16xi32>
      %swap3A_74 = vector.shape_cast %or3A : vector<16xi32> to vector<1x16xi32>
      tpu.vector_store %arg6[%swap3A, %swap3A_71], %swap3A_74 {strides = array<i32>} : memref<125x64xi32, #tpu.memory_space<vmem>>, vector<1x16xi32>,
      %get3A_75 = arith.index_cast %add3A_58 : i32 to index
      %get3A_76 = arith.constant 16 : index
      %get3A_77 = tpu.vector_load %arg4[%get3A_75, %get3A_76] {strides = array<i32>} : memref<125x128xf32, #tpu.memory_space<vmem>>, vector<1x16xf32>,
      %get3A_78 = vector.shape_cast %get3A_77 : vector<1x16xf32> to vector<16xf32>
      %get3A_79 = arith.index_cast %add3A_58 : i32 to index
      %get3A_80 = arith.constant 80 : index
      %get3A_81 = tpu.vector_load %arg4[%get3A_79, %get3A_80] {strides = array<i32>} : memref<125x128xf32, #tpu.memory_space<vmem>>, vector<1x16xf32>,
      %get3A_82 = vector.shape_cast %get3A_81 : vector<1x16xf32> to vector<16xf32>
      %bitcast_convert_type3A_83 = tpu.bitcast %get3A_78 : vector<16xf32> -> vector<16xi32>
      %bitcast_convert_type3A_84 = tpu.bitcast %get3A_82 : vector<16xf32> -> vector<16xi32>
      %shift_right_logical3A_85 = arith.constant 16 : i32
      %shift_right_logical3A_86 = vector.broadcast %shift_right_logical3A_85 : i32 to vector<16xi32>
      %shift_right_logical3A_87 = arith.shrui %bitcast_convert_type3A_83, %shift_right_logical3A_86 : vector<16xi32>
      %and3A_88 = arith.constant -65536 : i32
      %and3A_89 = vector.broadcast %and3A_88 : i32 to vector<16xi32>
      %and3A_90 = arith.andi %bitcast_convert_type3A_84, %and3A_89 : vector<16xi32>
      %or3A_91 = arith.ori %and3A_90, %shift_right_logical3A_87 : vector<16xi32>
      %swap3A_92 = arith.index_cast %add3A_58 : i32 to index
      %swap3A_93 = arith.constant 16 : index
      %swap3A_94 = tpu.vector_load %arg6[%swap3A_92, %swap3A_93] {strides = array<i32>} : memref<125x64xi32, #tpu.memory_space<vmem>>, vector<1x16xi32>,
      %swap3A_95 = vector.shape_cast %swap3A_94 : vector<1x16xi32> to vector<16xi32>
      %swap3A_96 = vector.shape_cast %or3A_91 : vector<16xi32> to vector<1x16xi32>
      tpu.vector_store %arg6[%swap3A_92, %swap3A_93], %swap3A_96 {strides = array<i32>} : memref<125x64xi32, #tpu.memory_space<vmem>>, vector<1x16xi32>,
      %get3A_97 = arith.index_cast %add3A_58 : i32 to index
      %get3A_98 = arith.constant 32 : index
      %get3A_99 = tpu.vector_load %arg4[%get3A_97, %get3A_98] {strides = array<i32>} : memref<125x128xf32, #tpu.memory_space<vmem>>, vector<1x16xf32>,
      %get3A_100 = vector.shape_cast %get3A_99 : vector<1x16xf32> to vector<16xf32>
      %get3A_101 = arith.index_cast %add3A_58 : i32 to index
      %get3A_102 = arith.constant 96 : index
      %get3A_103 = tpu.vector_load %arg4[%get3A_101, %get3A_102] {strides = array<i32>} : memref<125x128xf32, #tpu.memory_space<vmem>>, vector<1x16xf32>,
      %get3A_104 = vector.shape_cast %get3A_103 : vector<1x16xf32> to vector<16xf32>
      %bitcast_convert_type3A_105 = tpu.bitcast %get3A_100 : vector<16xf32> -> vector<16xi32>
      %bitcast_convert_type3A_106 = tpu.bitcast %get3A_104 : vector<16xf32> -> vector<16xi32>
      %shift_right_logical3A_107 = arith.constant 16 : i32
      %shift_right_logical3A_108 = vector.broadcast %shift_right_logical3A_107 : i32 to vector<16xi32>
      %shift_right_logical3A_109 = arith.shrui %bitcast_convert_type3A_105, %shift_right_logical3A_108 : vector<16xi32>
      %and3A_110 = arith.constant -65536 : i32
      %and3A_111 = vector.broadcast %and3A_110 : i32 to vector<16xi32>
      %and3A_112 = arith.andi %bitcast_convert_type3A_106, %and3A_111 : vector<16xi32>
      %or3A_113 = arith.ori %and3A_112, %shift_right_logical3A_109 : vector<16xi32>
      %swap3A_114 = arith.index_cast %add3A_58 : i32 to index
      %swap3A_115 = arith.constant 32 : index
      %swap3A_116 = tpu.vector_load %arg6[%swap3A_114, %swap3A_115] {strides = array<i32>} : memref<125x64xi32, #tpu.memory_space<vmem>>, vector<1x16xi32>,
      %swap3A_117 = vector.shape_cast %swap3A_116 : vector<1x16xi32> to vector<16xi32>
      %swap3A_118 = vector.shape_cast %or3A_113 : vector<16xi32> to vector<1x16xi32>
      tpu.vector_store %arg6[%swap3A_114, %swap3A_115], %swap3A_118 {strides = array<i32>} : memref<125x64xi32, #tpu.memory_space<vmem>>, vector<1x16xi32>,
      %get3A_119 = arith.index_cast %add3A_58 : i32 to index
      %get3A_120 = arith.constant 48 : index
      %get3A_121 = tpu.vector_load %arg4[%get3A_119, %get3A_120] {strides = array<i32>} : memref<125x128xf32, #tpu.memory_space<vmem>>, vector<1x16xf32>,
      %get3A_122 = vector.shape_cast %get3A_121 : vector<1x16xf32> to vector<16xf32>
      %get3A_123 = arith.index_cast %add3A_58 : i32 to index
      %get3A_124 = arith.constant 112 : index
      %get3A_125 = tpu.vector_load %arg4[%get3A_123, %get3A_124] {strides = array<i32>} : memref<125x128xf32, #tpu.memory_space<vmem>>, vector<1x16xf32>,
      %get3A_126 = vector.shape_cast %get3A_125 : vector<1x16xf32> to vector<16xf32>
      %bitcast_convert_type3A_127 = tpu.bitcast %get3A_122 : vector<16xf32> -> vector<16xi32>
      %bitcast_convert_type3A_128 = tpu.bitcast %get3A_126 : vector<16xf32> -> vector<16xi32>
      %shift_right_logical3A_129 = arith.constant 16 : i32
      %shift_right_logical3A_130 = vector.broadcast %shift_right_logical3A_129 : i32 to vector<16xi32>
      %shift_right_logical3A_131 = arith.shrui %bitcast_convert_type3A_127, %shift_right_logical3A_130 : vector<16xi32>
      %and3A_132 = arith.constant -65536 : i32
      %and3A_133 = vector.broadcast %and3A_132 : i32 to vector<16xi32>
      %and3A_134 = arith.andi %bitcast_convert_type3A_128, %and3A_133 : vector<16xi32>
      %or3A_135 = arith.ori %and3A_134, %shift_right_logical3A_131 : vector<16xi32>
      %swap3A_136 = arith.index_cast %add3A_58 : i32 to index
      %swap3A_137 = arith.constant 48 : index
      %swap3A_138 = tpu.vector_load %arg6[%swap3A_136, %swap3A_137] {strides = array<i32>} : memref<125x64xi32, #tpu.memory_space<vmem>>, vector<1x16xi32>,
      %swap3A_139 = vector.shape_cast %swap3A_138 : vector<1x16xi32> to vector<16xi32>
      %swap3A_140 = vector.shape_cast %or3A_135 : vector<16xi32> to vector<1x16xi32>
      tpu.vector_store %arg6[%swap3A_136, %swap3A_137], %swap3A_140 {strides = array<i32>} : memref<125x64xi32, #tpu.memory_space<vmem>>, vector<1x16xi32>,
      %mul3A_141 = arith.constant 5 : i32
      %mul3A_142 = arith.muli %scan3A_54, %mul3A_141 : i32
      %add3A_143 = arith.constant 1 : i32
      %add3A_144 = arith.addi %mul3A_142, %add3A_143 : i32
      %get3A_145 = arith.index_cast %add3A_144 : i32 to index
      %get3A_146 = arith.constant 0 : index
      %get3A_147 = tpu.vector_load %arg4[%get3A_145, %get3A_146] {strides = array<i32>} : memref<125x128xf32, #tpu.memory_space<vmem>>, vector<1x16xf32>,
      %get3A_148 = vector.shape_cast %get3A_147 : vector<1x16xf32> to vector<16xf32>
      %get3A_149 = arith.index_cast %add3A_144 : i32 to index
      %get3A_150 = arith.constant 64 : index
      %get3A_151 = tpu.vector_load %arg4[%get3A_149, %get3A_150] {strides = array<i32>} : memref<125x128xf32, #tpu.memory_space<vmem>>, vector<1x16xf32>,
      %get3A_152 = vector.shape_cast %get3A_151 : vector<1x16xf32> to vector<16xf32>
      %bitcast_convert_type3A_153 = tpu.bitcast %get3A_148 : vector<16xf32> -> vector<16xi32>
      %bitcast_convert_type3A_154 = tpu.bitcast %get3A_152 : vector<16xf32> -> vector<16xi32>
      %shift_right_logical3A_155 = arith.constant 16 : i32
      %shift_right_logical3A_156 = vector.broadcast %shift_right_logical3A_155 : i32 to vector<16xi32>
      %shift_right_logical3A_157 = arith.shrui %bitcast_convert_type3A_153, %shift_right_logical3A_156 : vector<16xi32>
      %and3A_158 = arith.constant -65536 : i32
      %and3A_159 = vector.broadcast %and3A_158 : i32 to vector<16xi32>
      %and3A_160 = arith.andi %bitcast_convert_type3A_154, %and3A_159 : vector<16xi32>
      %or3A_161 = arith.ori %and3A_160, %shift_right_logical3A_157 : vector<16xi32>
      %swap3A_162 = arith.index_cast %add3A_144 : i32 to index
      %swap3A_163 = arith.constant 0 : index
      %swap3A_164 = tpu.vector_load %arg6[%swap3A_162, %swap3A_163] {strides = array<i32>} : memref<125x64xi32, #tpu.memory_space<vmem>>, vector<1x16xi32>,
      %swap3A_165 = vector.shape_cast %swap3A_164 : vector<1x16xi32> to vector<16xi32>
      %swap3A_166 = vector.shape_cast %or3A_161 : vector<16xi32> to vector<1x16xi32>
      tpu.vector_store %arg6[%swap3A_162, %swap3A_163], %swap3A_166 {strides = array<i32>} : memref<125x64xi32, #tpu.memory_space<vmem>>, vector<1x16xi32>,
      %get3A_167 = arith.index_cast %add3A_144 : i32 to index
      %get3A_168 = arith.constant 16 : index
      %get3A_169 = tpu.vector_load %arg4[%get3A_167, %get3A_168] {strides = array<i32>} : memref<125x128xf32, #tpu.memory_space<vmem>>, vector<1x16xf32>,
      %get3A_170 = vector.shape_cast %get3A_169 : vector<1x16xf32> to vector<16xf32>
      %get3A_171 = arith.index_cast %add3A_144 : i32 to index
      %get3A_172 = arith.constant 80 : index
      %get3A_173 = tpu.vector_load %arg4[%get3A_171, %get3A_172] {strides = array<i32>} : memref<125x128xf32, #tpu.memory_space<vmem>>, vector<1x16xf32>,
      %get3A_174 = vector.shape_cast %get3A_173 : vector<1x16xf32> to vector<16xf32>
      %bitcast_convert_type3A_175 = tpu.bitcast %get3A_170 : vector<16xf32> -> vector<16xi32>
      %bitcast_convert_type3A_176 = tpu.bitcast %get3A_174 : vector<16xf32> -> vector<16xi32>
      %shift_right_logical3A_177 = arith.constant 16 : i32
      %shift_right_logical3A_178 = vector.broadcast %shift_right_logical3A_177 : i32 to vector<16xi32>
      %shift_right_logical3A_179 = arith.shrui %bitcast_convert_type3A_175, %shift_right_logical3A_178 : vector<16xi32>
      %and3A_180 = arith.constant -65536 : i32
      %and3A_181 = vector.broadcast %and3A_180 : i32 to vector<16xi32>
      %and3A_182 = arith.andi %bitcast_convert_type3A_176, %and3A_181 : vector<16xi32>
      %or3A_183 = arith.ori %and3A_182, %shift_right_logical3A_179 : vector<16xi32>
      %swap3A_184 = arith.index_cast %add3A_144 : i32 to index
      %swap3A_185 = arith.constant 16 : index
      %swap3A_186 = tpu.vector_load %arg6[%swap3A_184, %swap3A_185] {strides = array<i32>} : memref<125x64xi32, #tpu.memory_space<vmem>>, vector<1x16xi32>,
      %swap3A_187 = vector.shape_cast %swap3A_186 : vector<1x16xi32> to vector<16xi32>
      %swap3A_188 = vector.shape_cast %or3A_183 : vector<16xi32> to vector<1x16xi32>
      tpu.vector_store %arg6[%swap3A_184, %swap3A_185], %swap3A_188 {strides = array<i32>} : memref<125x64xi32, #tpu.memory_space<vmem>>, vector<1x16xi32>,
      %get3A_189 = arith.index_cast %add3A_144 : i32 to index
      %get3A_190 = arith.constant 32 : index
      %get3A_191 = tpu.vector_load %arg4[%get3A_189, %get3A_190] {strides = array<i32>} : memref<125x128xf32, #tpu.memory_space<vmem>>, vector<1x16xf32>,
      %get3A_192 = vector.shape_cast %get3A_191 : vector<1x16xf32> to vector<16xf32>
      %get3A_193 = arith.index_cast %add3A_144 : i32 to index
      %get3A_194 = arith.constant 96 : index
      %get3A_195 = tpu.vector_load %arg4[%get3A_193, %get3A_194] {strides = array<i32>} : memref<125x128xf32, #tpu.memory_space<vmem>>, vector<1x16xf32>,
      %get3A_196 = vector.shape_cast %get3A_195 : vector<1x16xf32> to vector<16xf32>
      %bitcast_convert_type3A_197 = tpu.bitcast %get3A_192 : vector<16xf32> -> vector<16xi32>
      %bitcast_convert_type3A_198 = tpu.bitcast %get3A_196 : vector<16xf32> -> vector<16xi32>
      %shift_right_logical3A_199 = arith.constant 16 : i32
      %shift_right_logical3A_200 = vector.broadcast %shift_right_logical3A_199 : i32 to vector<16xi32>
      %shift_right_logical3A_201 = arith.shrui %bitcast_convert_type3A_197, %shift_right_logical3A_200 : vector<16xi32>
      %and3A_202 = arith.constant -65536 : i32
      %and3A_203 = vector.broadcast %and3A_202 : i32 to vector<16xi32>
      %and3A_204 = arith.andi %bitcast_convert_type3A_198, %and3A_203 : vector<16xi32>
      %or3A_205 = arith.ori %and3A_204, %shift_right_logical3A_201 : vector<16xi32>
      %swap3A_206 = arith.index_cast %add3A_144 : i32 to index
      %swap3A_207 = arith.constant 32 : index
      %swap3A_208 = tpu.vector_load %arg6[%swap3A_206, %swap3A_207] {strides = array<i32>} : memref<125x64xi32, #tpu.memory_space<vmem>>, vector<1x16xi32>,
      %swap3A_209 = vector.shape_cast %swap3A_208 : vector<1x16xi32> to vector<16xi32>
      %swap3A_210 = vector.shape_cast %or3A_205 : vector<16xi32> to vector<1x16xi32>
      tpu.vector_store %arg6[%swap3A_206, %swap3A_207], %swap3A_210 {strides = array<i32>} : memref<125x64xi32, #tpu.memory_space<vmem>>, vector<1x16xi32>,
      %get3A_211 = arith.index_cast %add3A_144 : i32 to index
      %get3A_212 = arith.constant 48 : index
      %get3A_213 = tpu.vector_load %arg4[%get3A_211, %get3A_212] {strides = array<i32>} : memref<125x128xf32, #tpu.memory_space<vmem>>, vector<1x16xf32>,
      %get3A_214 = vector.shape_cast %get3A_213 : vector<1x16xf32> to vector<16xf32>
      %get3A_215 = arith.index_cast %add3A_144 : i32 to index
      %get3A_216 = arith.constant 112 : index
      %get3A_217 = tpu.vector_load %arg4[%get3A_215, %get3A_216] {strides = array<i32>} : memref<125x128xf32, #tpu.memory_space<vmem>>, vector<1x16xf32>,
      %get3A_218 = vector.shape_cast %get3A_217 : vector<1x16xf32> to vector<16xf32>
      %bitcast_convert_type3A_219 = tpu.bitcast %get3A_214 : vector<16xf32> -> vector<16xi32>
      %bitcast_convert_type3A_220 = tpu.bitcast %get3A_218 : vector<16xf32> -> vector<16xi32>
      %shift_right_logical3A_221 = arith.constant 16 : i32
      %shift_right_logical3A_222 = vector.broadcast %shift_right_logical3A_221 : i32 to vector<16xi32>
      %shift_right_logical3A_223 = arith.shrui %bitcast_convert_type3A_219, %shift_right_logical3A_222 : vector<16xi32>
      %and3A_224 = arith.constant -65536 : i32
      %and3A_225 = vector.broadcast %and3A_224 : i32 to vector<16xi32>
      %and3A_226 = arith.andi %bitcast_convert_type3A_220, %and3A_225 : vector<16xi32>
      %or3A_227 = arith.ori %and3A_226, %shift_right_logical3A_223 : vector<16xi32>
      %swap3A_228 = arith.index_cast %add3A_144 : i32 to index
      %swap3A_229 = arith.constant 48 : index
      %swap3A_230 = tpu.vector_load %arg6[%swap3A_228, %swap3A_229] {strides = array<i32>} : memref<125x64xi32, #tpu.memory_space<vmem>>, vector<1x16xi32>,
      %swap3A_231 = vector.shape_cast %swap3A_230 : vector<1x16xi32> to vector<16xi32>
      %swap3A_232 = vector.shape_cast %or3A_227 : vector<16xi32> to vector<1x16xi32>
      tpu.vector_store %arg6[%swap3A_228, %swap3A_229], %swap3A_232 {strides = array<i32>} : memref<125x64xi32, #tpu.memory_space<vmem>>, vector<1x16xi32>,
      %mul3A_233 = arith.constant 5 : i32
      %mul3A_234 = arith.muli %scan3A_54, %mul3A_233 : i32
      %add3A_235 = arith.constant 2 : i32
      %add3A_236 = arith.addi %mul3A_234, %add3A_235 : i32
      %get3A_237 = arith.index_cast %add3A_236 : i32 to index
      %get3A_238 = arith.constant 0 : index
      %get3A_239 = tpu.vector_load %arg4[%get3A_237, %get3A_238] {strides = array<i32>} : memref<125x128xf32, #tpu.memory_space<vmem>>, vector<1x16xf32>,
      %get3A_240 = vector.shape_cast %get3A_239 : vector<1x16xf32> to vector<16xf32>
      %get3A_241 = arith.index_cast %add3A_236 : i32 to index
      %get3A_242 = arith.constant 64 : index
      %get3A_243 = tpu.vector_load %arg4[%get3A_241, %get3A_242] {strides = array<i32>} : memref<125x128xf32, #tpu.memory_space<vmem>>, vector<1x16xf32>,
      %get3A_244 = vector.shape_cast %get3A_243 : vector<1x16xf32> to vector<16xf32>
      %bitcast_convert_type3A_245 = tpu.bitcast %get3A_240 : vector<16xf32> -> vector<16xi32>
      %bitcast_convert_type3A_246 = tpu.bitcast %get3A_244 : vector<16xf32> -> vector<16xi32>
      %shift_right_logical3A_247 = arith.constant 16 : i32
      %shift_right_logical3A_248 = vector.broadcast %shift_right_logical3A_247 : i32 to vector<16xi32>
      %shift_right_logical3A_249 = arith.shrui %bitcast_convert_type3A_245, %shift_right_logical3A_248 : vector<16xi32>
      %and3A_250 = arith.constant -65536 : i32
      %and3A_251 = vector.broadcast %and3A_250 : i32 to vector<16xi32>
      %and3A_252 = arith.andi %bitcast_convert_type3A_246, %and3A_251 : vector<16xi32>
      %or3A_253 = arith.ori %and3A_252, %shift_right_logical3A_249 : vector<16xi32>
      %swap3A_254 = arith.index_cast %add3A_236 : i32 to index
      %swap3A_255 = arith.constant 0 : index
      %swap3A_256 = tpu.vector_load %arg6[%swap3A_254, %swap3A_255] {strides = array<i32>} : memref<125x64xi32, #tpu.memory_space<vmem>>, vector<1x16xi32>,
      %swap3A_257 = vector.shape_cast %swap3A_256 : vector<1x16xi32> to vector<16xi32>
      %swap3A_258 = vector.shape_cast %or3A_253 : vector<16xi32> to vector<1x16xi32>
      tpu.vector_store %arg6[%swap3A_254, %swap3A_255], %swap3A_258 {strides = array<i32>} : memref<125x64xi32, #tpu.memory_space<vmem>>, vector<1x16xi32>,
      %get3A_259 = arith.index_cast %add3A_236 : i32 to index
      %get3A_260 = arith.constant 16 : index
      %get3A_261 = tpu.vector_load %arg4[%get3A_259, %get3A_260] {strides = array<i32>} : memref<125x128xf32, #tpu.memory_space<vmem>>, vector<1x16xf32>,
      %get3A_262 = vector.shape_cast %get3A_261 : vector<1x16xf32> to vector<16xf32>
      %get3A_263 = arith.index_cast %add3A_236 : i32 to index
      %get3A_264 = arith.constant 80 : index
      %get3A_265 = tpu.vector_load %arg4[%get3A_263, %get3A_264] {strides = array<i32>} : memref<125x128xf32, #tpu.memory_space<vmem>>, vector<1x16xf32>,
      %get3A_266 = vector.shape_cast %get3A_265 : vector<1x16xf32> to vector<16xf32>
      %bitcast_convert_type3A_267 = tpu.bitcast %get3A_262 : vector<16xf32> -> vector<16xi32>
      %bitcast_convert_type3A_268 = tpu.bitcast %get3A_266 : vector<16xf32> -> vector<16xi32>
      %shift_right_logical3A_269 = arith.constant 16 : i32
      %shift_right_logical3A_270 = vector.broadcast %shift_right_logical3A_269 : i32 to vector<16xi32>
      %shift_right_logical3A_271 = arith.shrui %bitcast_convert_type3A_267, %shift_right_logical3A_270 : vector<16xi32>
      %and3A_272 = arith.constant -65536 : i32
      %and3A_273 = vector.broadcast %and3A_272 : i32 to vector<16xi32>
      %and3A_274 = arith.andi %bitcast_convert_type3A_268, %and3A_273 : vector<16xi32>
      %or3A_275 = arith.ori %and3A_274, %shift_right_logical3A_271 : vector<16xi32>
      %swap3A_276 = arith.index_cast %add3A_236 : i32 to index
      %swap3A_277 = arith.constant 16 : index
      %swap3A_278 = tpu.vector_load %arg6[%swap3A_276, %swap3A_277] {strides = array<i32>} : memref<125x64xi32, #tpu.memory_space<vmem>>, vector<1x16xi32>,
      %swap3A_279 = vector.shape_cast %swap3A_278 : vector<1x16xi32> to vector<16xi32>
      %swap3A_280 = vector.shape_cast %or3A_275 : vector<16xi32> to vector<1x16xi32>
      tpu.vector_store %arg6[%swap3A_276, %swap3A_277], %swap3A_280 {strides = array<i32>} : memref<125x64xi32, #tpu.memory_space<vmem>>, vector<1x16xi32>,
      %get3A_281 = arith.index_cast %add3A_236 : i32 to index
      %get3A_282 = arith.constant 32 : index
      %get3A_283 = tpu.vector_load %arg4[%get3A_281, %get3A_282] {strides = array<i32>} : memref<125x128xf32, #tpu.memory_space<vmem>>, vector<1x16xf32>,
      %get3A_284 = vector.shape_cast %get3A_283 : vector<1x16xf32> to vector<16xf32>
      %get3A_285 = arith.index_cast %add3A_236 : i32 to index
      %get3A_286 = arith.constant 96 : index
      %get3A_287 = tpu.vector_load %arg4[%get3A_285, %get3A_286] {strides = array<i32>} : memref<125x128xf32, #tpu.memory_space<vmem>>, vector<1x16xf32>,
      %get3A_288 = vector.shape_cast %get3A_287 : vector<1x16xf32> to vector<16xf32>
      %bitcast_convert_type3A_289 = tpu.bitcast %get3A_284 : vector<16xf32> -> vector<16xi32>
      %bitcast_convert_type3A_290 = tpu.bitcast %get3A_288 : vector<16xf32> -> vector<16xi32>
      %shift_right_logical3A_291 = arith.constant 16 : i32
      %shift_right_logical3A_292 = vector.broadcast %shift_right_logical3A_291 : i32 to vector<16xi32>
      %shift_right_logical3A_293 = arith.shrui %bitcast_convert_type3A_289, %shift_right_logical3A_292 : vector<16xi32>
      %and3A_294 = arith.constant -65536 : i32
      %and3A_295 = vector.broadcast %and3A_294 : i32 to vector<16xi32>
      %and3A_296 = arith.andi %bitcast_convert_type3A_290, %and3A_295 : vector<16xi32>
      %or3A_297 = arith.ori %and3A_296, %shift_right_logical3A_293 : vector<16xi32>
      %swap3A_298 = arith.index_cast %add3A_236 : i32 to index
      %swap3A_299 = arith.constant 32 : index
      %swap3A_300 = tpu.vector_load %arg6[%swap3A_298, %swap3A_299] {strides = array<i32>} : memref<125x64xi32, #tpu.memory_space<vmem>>, vector<1x16xi32>,
      %swap3A_301 = vector.shape_cast %swap3A_300 : vector<1x16xi32> to vector<16xi32>
      %swap3A_302 = vector.shape_cast %or3A_297 : vector<16xi32> to vector<1x16xi32>
      tpu.vector_store %arg6[%swap3A_298, %swap3A_299], %swap3A_302 {strides = array<i32>} : memref<125x64xi32, #tpu.memory_space<vmem>>, vector<1x16xi32>,
      %get3A_303 = arith.index_cast %add3A_236 : i32 to index
      %get3A_304 = arith.constant 48 : index
      %get3A_305 = tpu.vector_load %arg4[%get3A_303, %get3A_304] {strides = array<i32>} : memref<125x128xf32, #tpu.memory_space<vmem>>, vector<1x16xf32>,
      %get3A_306 = vector.shape_cast %get3A_305 : vector<1x16xf32> to vector<16xf32>
      %get3A_307 = arith.index_cast %add3A_236 : i32 to index
      %get3A_308 = arith.constant 112 : index
      %get3A_309 = tpu.vector_load %arg4[%get3A_307, %get3A_308] {strides = array<i32>} : memref<125x128xf32, #tpu.memory_space<vmem>>, vector<1x16xf32>,
      %get3A_310 = vector.shape_cast %get3A_309 : vector<1x16xf32> to vector<16xf32>
      %bitcast_convert_type3A_311 = tpu.bitcast %get3A_306 : vector<16xf32> -> vector<16xi32>
      %bitcast_convert_type3A_312 = tpu.bitcast %get3A_310 : vector<16xf32> -> vector<16xi32>
      %shift_right_logical3A_313 = arith.constant 16 : i32
      %shift_right_logical3A_314 = vector.broadcast %shift_right_logical3A_313 : i32 to vector<16xi32>
      %shift_right_logical3A_315 = arith.shrui %bitcast_convert_type3A_311, %shift_right_logical3A_314 : vector<16xi32>
      %and3A_316 = arith.constant -65536 : i32
      %and3A_317 = vector.broadcast %and3A_316 : i32 to vector<16xi32>
      %and3A_318 = arith.andi %bitcast_convert_type3A_312, %and3A_317 : vector<16xi32>
      %or3A_319 = arith.ori %and3A_318, %shift_right_logical3A_315 : vector<16xi32>
      %swap3A_320 = arith.index_cast %add3A_236 : i32 to index
      %swap3A_321 = arith.constant 48 : index
      %swap3A_322 = tpu.vector_load %arg6[%swap3A_320, %swap3A_321] {strides = array<i32>} : memref<125x64xi32, #tpu.memory_space<vmem>>, vector<1x16xi32>,
      %swap3A_323 = vector.shape_cast %swap3A_322 : vector<1x16xi32> to vector<16xi32>
      %swap3A_324 = vector.shape_cast %or3A_319 : vector<16xi32> to vector<1x16xi32>
      tpu.vector_store %arg6[%swap3A_320, %swap3A_321], %swap3A_324 {strides = array<i32>} : memref<125x64xi32, #tpu.memory_space<vmem>>, vector<1x16xi32>,
      %mul3A_325 = arith.constant 5 : i32
      %mul3A_326 = arith.muli %scan3A_54, %mul3A_325 : i32
      %add3A_327 = arith.constant 3 : i32
      %add3A_328 = arith.addi %mul3A_326, %add3A_327 : i32
      %get3A_329 = arith.index_cast %add3A_328 : i32 to index
      %get3A_330 = arith.constant 0 : index
      %get3A_331 = tpu.vector_load %arg4[%get3A_329, %get3A_330] {strides = array<i32>} : memref<125x128xf32, #tpu.memory_space<vmem>>, vector<1x16xf32>,
      %get3A_332 = vector.shape_cast %get3A_331 : vector<1x16xf32> to vector<16xf32>
      %get3A_333 = arith.index_cast %add3A_328 : i32 to index
      %get3A_334 = arith.constant 64 : index
      %get3A_335 = tpu.vector_load %arg4[%get3A_333, %get3A_334] {strides = array<i32>} : memref<125x128xf32, #tpu.memory_space<vmem>>, vector<1x16xf32>,
      %get3A_336 = vector.shape_cast %get3A_335 : vector<1x16xf32> to vector<16xf32>
      %bitcast_convert_type3A_337 = tpu.bitcast %get3A_332 : vector<16xf32> -> vector<16xi32>
      %bitcast_convert_type3A_338 = tpu.bitcast %get3A_336 : vector<16xf32> -> vector<16xi32>
      %shift_right_logical3A_339 = arith.constant 16 : i32
      %shift_right_logical3A_340 = vector.broadcast %shift_right_logical3A_339 : i32 to vector<16xi32>
      %shift_right_logical3A_341 = arith.shrui %bitcast_convert_type3A_337, %shift_right_logical3A_340 : vector<16xi32>
      %and3A_342 = arith.constant -65536 : i32
      %and3A_343 = vector.broadcast %and3A_342 : i32 to vector<16xi32>
      %and3A_344 = arith.andi %bitcast_convert_type3A_338, %and3A_343 : vector<16xi32>
      %or3A_345 = arith.ori %and3A_344, %shift_right_logical3A_341 : vector<16xi32>
      %swap3A_346 = arith.index_cast %add3A_328 : i32 to index
      %swap3A_347 = arith.constant 0 : index
      %swap3A_348 = tpu.vector_load %arg6[%swap3A_346, %swap3A_347] {strides = array<i32>} : memref<125x64xi32, #tpu.memory_space<vmem>>, vector<1x16xi32>,
      %swap3A_349 = vector.shape_cast %swap3A_348 : vector<1x16xi32> to vector<16xi32>
      %swap3A_350 = vector.shape_cast %or3A_345 : vector<16xi32> to vector<1x16xi32>
      tpu.vector_store %arg6[%swap3A_346, %swap3A_347], %swap3A_350 {strides = array<i32>} : memref<125x64xi32, #tpu.memory_space<vmem>>, vector<1x16xi32>,
      %get3A_351 = arith.index_cast %add3A_328 : i32 to index
      %get3A_352 = arith.constant 16 : index
      %get3A_353 = tpu.vector_load %arg4[%get3A_351, %get3A_352] {strides = array<i32>} : memref<125x128xf32, #tpu.memory_space<vmem>>, vector<1x16xf32>,
      %get3A_354 = vector.shape_cast %get3A_353 : vector<1x16xf32> to vector<16xf32>
      %get3A_355 = arith.index_cast %add3A_328 : i32 to index
      %get3A_356 = arith.constant 80 : index
      %get3A_357 = tpu.vector_load %arg4[%get3A_355, %get3A_356] {strides = array<i32>} : memref<125x128xf32, #tpu.memory_space<vmem>>, vector<1x16xf32>,
      %get3A_358 = vector.shape_cast %get3A_357 : vector<1x16xf32> to vector<16xf32>
      %bitcast_convert_type3A_359 = tpu.bitcast %get3A_354 : vector<16xf32> -> vector<16xi32>
      %bitcast_convert_type3A_360 = tpu.bitcast %get3A_358 : vector<16xf32> -> vector<16xi32>
      %shift_right_logical3A_361 = arith.constant 16 : i32
      %shift_right_logical3A_362 = vector.broadcast %shift_right_logical3A_361 : i32 to vector<16xi32>
      %shift_right_logical3A_363 = arith.shrui %bitcast_convert_type3A_359, %shift_right_logical3A_362 : vector<16xi32>
      %and3A_364 = arith.constant -65536 : i32
      %and3A_365 = vector.broadcast %and3A_364 : i32 to vector<16xi32>
      %and3A_366 = arith.andi %bitcast_convert_type3A_360, %and3A_365 : vector<16xi32>
      %or3A_367 = arith.ori %and3A_366, %shift_right_logical3A_363 : vector<16xi32>
      %swap3A_368 = arith.index_cast %add3A_328 : i32 to index
      %swap3A_369 = arith.constant 16 : index
      %swap3A_370 = tpu.vector_load %arg6[%swap3A_368, %swap3A_369] {strides = array<i32>} : memref<125x64xi32, #tpu.memory_space<vmem>>, vector<1x16xi32>,
      %swap3A_371 = vector.shape_cast %swap3A_370 : vector<1x16xi32> to vector<16xi32>
      %swap3A_372 = vector.shape_cast %or3A_367 : vector<16xi32> to vector<1x16xi32>
      tpu.vector_store %arg6[%swap3A_368, %swap3A_369], %swap3A_372 {strides = array<i32>} : memref<125x64xi32, #tpu.memory_space<vmem>>, vector<1x16xi32>,
      %get3A_373 = arith.index_cast %add3A_328 : i32 to index
      %get3A_374 = arith.constant 32 : index
      %get3A_375 = tpu.vector_load %arg4[%get3A_373, %get3A_374] {strides = array<i32>} : memref<125x128xf32, #tpu.memory_space<vmem>>, vector<1x16xf32>,
      %get3A_376 = vector.shape_cast %get3A_375 : vector<1x16xf32> to vector<16xf32>
      %get3A_377 = arith.index_cast %add3A_328 : i32 to index
      %get3A_378 = arith.constant 96 : index
      %get3A_379 = tpu.vector_load %arg4[%get3A_377, %get3A_378] {strides = array<i32>} : memref<125x128xf32, #tpu.memory_space<vmem>>, vector<1x16xf32>,
      %get3A_380 = vector.shape_cast %get3A_379 : vector<1x16xf32> to vector<16xf32>
      %bitcast_convert_type3A_381 = tpu.bitcast %get3A_376 : vector<16xf32> -> vector<16xi32>
      %bitcast_convert_type3A_382 = tpu.bitcast %get3A_380 : vector<16xf32> -> vector<16xi32>
      %shift_right_logical3A_383 = arith.constant 16 : i32
      %shift_right_logical3A_384 = vector.broadcast %shift_right_logical3A_383 : i32 to vector<16xi32>
      %shift_right_logical3A_385 = arith.shrui %bitcast_convert_type3A_381, %shift_right_logical3A_384 : vector<16xi32>
      %and3A_386 = arith.constant -65536 : i32
      %and3A_387 = vector.broadcast %and3A_386 : i32 to vector<16xi32>
      %and3A_388 = arith.andi %bitcast_convert_type3A_382, %and3A_387 : vector<16xi32>
      %or3A_389 = arith.ori %and3A_388, %shift_right_logical3A_385 : vector<16xi32>
      %swap3A_390 = arith.index_cast %add3A_328 : i32 to index
      %swap3A_391 = arith.constant 32 : index
      %swap3A_392 = tpu.vector_load %arg6[%swap3A_390, %swap3A_391] {strides = array<i32>} : memref<125x64xi32, #tpu.memory_space<vmem>>, vector<1x16xi32>,
      %swap3A_393 = vector.shape_cast %swap3A_392 : vector<1x16xi32> to vector<16xi32>
      %swap3A_394 = vector.shape_cast %or3A_389 : vector<16xi32> to vector<1x16xi32>
      tpu.vector_store %arg6[%swap3A_390, %swap3A_391], %swap3A_394 {strides = array<i32>} : memref<125x64xi32, #tpu.memory_space<vmem>>, vector<1x16xi32>,
      %get3A_395 = arith.index_cast %add3A_328 : i32 to index
      %get3A_396 = arith.constant 48 : index
      %get3A_397 = tpu.vector_load %arg4[%get3A_395, %get3A_396] {strides = array<i32>} : memref<125x128xf32, #tpu.memory_space<vmem>>, vector<1x16xf32>,
      %get3A_398 = vector.shape_cast %get3A_397 : vector<1x16xf32> to vector<16xf32>
      %get3A_399 = arith.index_cast %add3A_328 : i32 to index
      %get3A_400 = arith.constant 112 : index
      %get3A_401 = tpu.vector_load %arg4[%get3A_399, %get3A_400] {strides = array<i32>} : memref<125x128xf32, #tpu.memory_space<vmem>>, vector<1x16xf32>,
      %get3A_402 = vector.shape_cast %get3A_401 : vector<1x16xf32> to vector<16xf32>
      %bitcast_convert_type3A_403 = tpu.bitcast %get3A_398 : vector<16xf32> -> vector<16xi32>
      %bitcast_convert_type3A_404 = tpu.bitcast %get3A_402 : vector<16xf32> -> vector<16xi32>
      %shift_right_logical3A_405 = arith.constant 16 : i32
      %shift_right_logical3A_406 = vector.broadcast %shift_right_logical3A_405 : i32 to vector<16xi32>
      %shift_right_logical3A_407 = arith.shrui %bitcast_convert_type3A_403, %shift_right_logical3A_406 : vector<16xi32>
      %and3A_408 = arith.constant -65536 : i32
      %and3A_409 = vector.broadcast %and3A_408 : i32 to vector<16xi32>
      %and3A_410 = arith.andi %bitcast_convert_type3A_404, %and3A_409 : vector<16xi32>
      %or3A_411 = arith.ori %and3A_410, %shift_right_logical3A_407 : vector<16xi32>
      %swap3A_412 = arith.index_cast %add3A_328 : i32 to index
      %swap3A_413 = arith.constant 48 : index
      %swap3A_414 = tpu.vector_load %arg6[%swap3A_412, %swap3A_413] {strides = array<i32>} : memref<125x64xi32, #tpu.memory_space<vmem>>, vector<1x16xi32>,
      %swap3A_415 = vector.shape_cast %swap3A_414 : vector<1x16xi32> to vector<16xi32>
      %swap3A_416 = vector.shape_cast %or3A_411 : vector<16xi32> to vector<1x16xi32>
      tpu.vector_store %arg6[%swap3A_412, %swap3A_413], %swap3A_416 {strides = array<i32>} : memref<125x64xi32, #tpu.memory_space<vmem>>, vector<1x16xi32>,
      %mul3A_417 = arith.constant 5 : i32
      %mul3A_418 = arith.muli %scan3A_54, %mul3A_417 : i32
      %add3A_419 = arith.constant 4 : i32
      %add3A_420 = arith.addi %mul3A_418, %add3A_419 : i32
      %get3A_421 = arith.index_cast %add3A_420 : i32 to index
      %get3A_422 = arith.constant 0 : index
      %get3A_423 = tpu.vector_load %arg4[%get3A_421, %get3A_422] {strides = array<i32>} : memref<125x128xf32, #tpu.memory_space<vmem>>, vector<1x16xf32>,
      %get3A_424 = vector.shape_cast %get3A_423 : vector<1x16xf32> to vector<16xf32>
      %get3A_425 = arith.index_cast %add3A_420 : i32 to index
      %get3A_426 = arith.constant 64 : index
      %get3A_427 = tpu.vector_load %arg4[%get3A_425, %get3A_426] {strides = array<i32>} : memref<125x128xf32, #tpu.memory_space<vmem>>, vector<1x16xf32>,
      %get3A_428 = vector.shape_cast %get3A_427 : vector<1x16xf32> to vector<16xf32>
      %bitcast_convert_type3A_429 = tpu.bitcast %get3A_424 : vector<16xf32> -> vector<16xi32>
      %bitcast_convert_type3A_430 = tpu.bitcast %get3A_428 : vector<16xf32> -> vector<16xi32>
      %shift_right_logical3A_431 = arith.constant 16 : i32
      %shift_right_logical3A_432 = vector.broadcast %shift_right_logical3A_431 : i32 to vector<16xi32>
      %shift_right_logical3A_433 = arith.shrui %bitcast_convert_type3A_429, %shift_right_logical3A_432 : vector<16xi32>
      %and3A_434 = arith.constant -65536 : i32
      %and3A_435 = vector.broadcast %and3A_434 : i32 to vector<16xi32>
      %and3A_436 = arith.andi %bitcast_convert_type3A_430, %and3A_435 : vector<16xi32>
      %or3A_437 = arith.ori %and3A_436, %shift_right_logical3A_433 : vector<16xi32>
      %swap3A_438 = arith.index_cast %add3A_420 : i32 to index
      %swap3A_439 = arith.constant 0 : index
      %swap3A_440 = tpu.vector_load %arg6[%swap3A_438, %swap3A_439] {strides = array<i32>} : memref<125x64xi32, #tpu.memory_space<vmem>>, vector<1x16xi32>,
      %swap3A_441 = vector.shape_cast %swap3A_440 : vector<1x16xi32> to vector<16xi32>
      %swap3A_442 = vector.shape_cast %or3A_437 : vector<16xi32> to vector<1x16xi32>
      tpu.vector_store %arg6[%swap3A_438, %swap3A_439], %swap3A_442 {strides = array<i32>} : memref<125x64xi32, #tpu.memory_space<vmem>>, vector<1x16xi32>,
      %get3A_443 = arith.index_cast %add3A_420 : i32 to index
      %get3A_444 = arith.constant 16 : index
      %get3A_445 = tpu.vector_load %arg4[%get3A_443, %get3A_444] {strides = array<i32>} : memref<125x128xf32, #tpu.memory_space<vmem>>, vector<1x16xf32>,
      %get3A_446 = vector.shape_cast %get3A_445 : vector<1x16xf32> to vector<16xf32>
      %get3A_447 = arith.index_cast %add3A_420 : i32 to index
      %get3A_448 = arith.constant 80 : index
      %get3A_449 = tpu.vector_load %arg4[%get3A_447, %get3A_448] {strides = array<i32>} : memref<125x128xf32, #tpu.memory_space<vmem>>, vector<1x16xf32>,
      %get3A_450 = vector.shape_cast %get3A_449 : vector<1x16xf32> to vector<16xf32>
      %bitcast_convert_type3A_451 = tpu.bitcast %get3A_446 : vector<16xf32> -> vector<16xi32>
      %bitcast_convert_type3A_452 = tpu.bitcast %get3A_450 : vector<16xf32> -> vector<16xi32>
      %shift_right_logical3A_453 = arith.constant 16 : i32
      %shift_right_logical3A_454 = vector.broadcast %shift_right_logical3A_453 : i32 to vector<16xi32>
      %shift_right_logical3A_455 = arith.shrui %bitcast_convert_type3A_451, %shift_right_logical3A_454 : vector<16xi32>
      %and3A_456 = arith.constant -65536 : i32
      %and3A_457 = vector.broadcast %and3A_456 : i32 to vector<16xi32>
      %and3A_458 = arith.andi %bitcast_convert_type3A_452, %and3A_457 : vector<16xi32>
      %or3A_459 = arith.ori %and3A_458, %shift_right_logical3A_455 : vector<16xi32>
      %swap3A_460 = arith.index_cast %add3A_420 : i32 to index
      %swap3A_461 = arith.constant 16 : index
      %swap3A_462 = tpu.vector_load %arg6[%swap3A_460, %swap3A_461] {strides = array<i32>} : memref<125x64xi32, #tpu.memory_space<vmem>>, vector<1x16xi32>,
      %swap3A_463 = vector.shape_cast %swap3A_462 : vector<1x16xi32> to vector<16xi32>
      %swap3A_464 = vector.shape_cast %or3A_459 : vector<16xi32> to vector<1x16xi32>
      tpu.vector_store %arg6[%swap3A_460, %swap3A_461], %swap3A_464 {strides = array<i32>} : memref<125x64xi32, #tpu.memory_space<vmem>>, vector<1x16xi32>,
      %get3A_465 = arith.index_cast %add3A_420 : i32 to index
      %get3A_466 = arith.constant 32 : index
      %get3A_467 = tpu.vector_load %arg4[%get3A_465, %get3A_466] {strides = array<i32>} : memref<125x128xf32, #tpu.memory_space<vmem>>, vector<1x16xf32>,
      %get3A_468 = vector.shape_cast %get3A_467 : vector<1x16xf32> to vector<16xf32>
      %get3A_469 = arith.index_cast %add3A_420 : i32 to index
      %get3A_470 = arith.constant 96 : index
      %get3A_471 = tpu.vector_load %arg4[%get3A_469, %get3A_470] {strides = array<i32>} : memref<125x128xf32, #tpu.memory_space<vmem>>, vector<1x16xf32>,
      %get3A_472 = vector.shape_cast %get3A_471 : vector<1x16xf32> to vector<16xf32>
      %bitcast_convert_type3A_473 = tpu.bitcast %get3A_468 : vector<16xf32> -> vector<16xi32>
      %bitcast_convert_type3A_474 = tpu.bitcast %get3A_472 : vector<16xf32> -> vector<16xi32>
      %shift_right_logical3A_475 = arith.constant 16 : i32
      %shift_right_logical3A_476 = vector.broadcast %shift_right_logical3A_475 : i32 to vector<16xi32>
      %shift_right_logical3A_477 = arith.shrui %bitcast_convert_type3A_473, %shift_right_logical3A_476 : vector<16xi32>
      %and3A_478 = arith.constant -65536 : i32
      %and3A_479 = vector.broadcast %and3A_478 : i32 to vector<16xi32>
      %and3A_480 = arith.andi %bitcast_convert_type3A_474, %and3A_479 : vector<16xi32>
      %or3A_481 = arith.ori %and3A_480, %shift_right_logical3A_477 : vector<16xi32>
      %swap3A_482 = arith.index_cast %add3A_420 : i32 to index
      %swap3A_483 = arith.constant 32 : index
      %swap3A_484 = tpu.vector_load %arg6[%swap3A_482, %swap3A_483] {strides = array<i32>} : memref<125x64xi32, #tpu.memory_space<vmem>>, vector<1x16xi32>,
      %swap3A_485 = vector.shape_cast %swap3A_484 : vector<1x16xi32> to vector<16xi32>
      %swap3A_486 = vector.shape_cast %or3A_481 : vector<16xi32> to vector<1x16xi32>
      tpu.vector_store %arg6[%swap3A_482, %swap3A_483], %swap3A_486 {strides = array<i32>} : memref<125x64xi32, #tpu.memory_space<vmem>>, vector<1x16xi32>,
      %get3A_487 = arith.index_cast %add3A_420 : i32 to index
      %get3A_488 = arith.constant 48 : index
      %get3A_489 = tpu.vector_load %arg4[%get3A_487, %get3A_488] {strides = array<i32>} : memref<125x128xf32, #tpu.memory_space<vmem>>, vector<1x16xf32>,
      %get3A_490 = vector.shape_cast %get3A_489 : vector<1x16xf32> to vector<16xf32>
      %get3A_491 = arith.index_cast %add3A_420 : i32 to index
      %get3A_492 = arith.constant 112 : index
      %get3A_493 = tpu.vector_load %arg4[%get3A_491, %get3A_492] {strides = array<i32>} : memref<125x128xf32, #tpu.memory_space<vmem>>, vector<1x16xf32>,
      %get3A_494 = vector.shape_cast %get3A_493 : vector<1x16xf32> to vector<16xf32>
      %bitcast_convert_type3A_495 = tpu.bitcast %get3A_490 : vector<16xf32> -> vector<16xi32>
      %bitcast_convert_type3A_496 = tpu.bitcast %get3A_494 : vector<16xf32> -> vector<16xi32>
      %shift_right_logical3A_497 = arith.constant 16 : i32
      %shift_right_logical3A_498 = vector.broadcast %shift_right_logical3A_497 : i32 to vector<16xi32>
      %shift_right_logical3A_499 = arith.shrui %bitcast_convert_type3A_495, %shift_right_logical3A_498 : vector<16xi32>
      %and3A_500 = arith.constant -65536 : i32
      %and3A_501 = vector.broadcast %and3A_500 : i32 to vector<16xi32>
      %and3A_502 = arith.andi %bitcast_convert_type3A_496, %and3A_501 : vector<16xi32>
      %or3A_503 = arith.ori %and3A_502, %shift_right_logical3A_499 : vector<16xi32>
      %swap3A_504 = arith.index_cast %add3A_420 : i32 to index
      %swap3A_505 = arith.constant 48 : index
      %swap3A_506 = tpu.vector_load %arg6[%swap3A_504, %swap3A_505] {strides = array<i32>} : memref<125x64xi32, #tpu.memory_space<vmem>>, vector<1x16xi32>,
      %swap3A_507 = vector.shape_cast %swap3A_506 : vector<1x16xi32> to vector<16xi32>
      %swap3A_508 = vector.shape_cast %or3A_503 : vector<16xi32> to vector<1x16xi32>
      tpu.vector_store %arg6[%swap3A_504, %swap3A_505], %swap3A_508 {strides = array<i32>} : memref<125x64xi32, #tpu.memory_space<vmem>>, vector<1x16xi32>,
    }
    %scan3A_35 = arith.constant 25 : i32
    %add3A_36 = arith.constant 3000 : i32
    %add3A_37 = arith.addi %mul3A_2, %add3A_36 : i32
    %dma_start3A_38 = arith.constant 0 : i32
    %dma_start3A_39 = tpu.memref_slice %arg3[%add3A_37, %dma_start3A_38] : memref<100000x64xi32, #tpu.memory_space<hbm>> -> memref<125x64xi32, #tpu.memory_space<hbm>>
    %dma_start3A_40 = arith.constant 0 : i32
    %dma_start3A_41 = tpu.memref_slice %arg3[%add3A_37, %dma_start3A_40] : memref<100000x64xi32, #tpu.memory_space<hbm>> -> memref<125x64xi32, #tpu.memory_space<hbm>>
    tpu.enqueue_dma source(%arg6 : memref<125x64xi32, #tpu.memory_space<vmem>>) target(%dma_start3A_41 : memref<125x64xi32, #tpu.memory_space<hbm>>) target_semaphore(%arg10 : memref<!tpu.dma_semaphore, #tpu.memory_space<semaphore_mem>>)
    %dma_wait3A_42 = arith.constant 0 : i32
    %dma_wait3A_43 = arith.constant 0 : i32
    %dma_wait3A_44 = tpu.memref_slice %arg3[%dma_wait3A_42, %dma_wait3A_43] : memref<100000x64xi32, #tpu.memory_space<hbm>> -> memref<125x64xi32, #tpu.memory_space<hbm>>
    %dma_wait3A_45 = arith.constant 0 : i32
    %dma_wait3A_46 = arith.constant 0 : i32
    %dma_wait3A_47 = tpu.memref_slice %arg3[%dma_wait3A_45, %dma_wait3A_46] : memref<100000x64xi32, #tpu.memory_space<hbm>> -> memref<125x64xi32, #tpu.memory_space<hbm>>
    tpu.wait_dma2 semaphore(%arg10 : memref<!tpu.dma_semaphore, #tpu.memory_space<semaphore_mem>>) src(%arg6 : memref<125x64xi32, #tpu.memory_space<vmem>>) dst(%dma_wait3A_47 : memref<125x64xi32, #tpu.memory_space<hbm>>)
    %dma_wait3A_48 = arith.constant 0 : i32
    %dma_wait3A_49 = arith.constant 0 : i32
    %dma_wait3A_50 = tpu.memref_slice %arg3[%dma_wait3A_48, %dma_wait3A_49] : memref<100000x64xi32, #tpu.memory_space<hbm>> -> memref<125x64xi32, #tpu.memory_space<hbm>>
    %dma_wait3A_51 = arith.constant 0 : i32
    %dma_wait3A_52 = arith.constant 0 : i32
    %dma_wait3A_53 = tpu.memref_slice %arg3[%dma_wait3A_51, %dma_wait3A_52] : memref<100000x64xi32, #tpu.memory_space<hbm>> -> memref<125x64xi32, #tpu.memory_space<hbm>>
    tpu.wait_dma2 semaphore(%arg11 : memref<!tpu.dma_semaphore, #tpu.memory_space<semaphore_mem>>) src(%arg7 : memref<125x64xi32, #tpu.memory_space<vmem>>) dst(%dma_wait3A_53 : memref<125x64xi32, #tpu.memory_space<hbm>>)
    return
  }
}

</mosaic_0001>

<sc_bundles>
// kernel: kernel.4.cloned.1.call-start
scs
__scs_entry_jumppad:
0x0: {  	(pc) =	sbr.rel $0x88, $3  }
0x1: {  	(tag) =	ssettag $0x0;
	lr =	simm.s32 $0x1  }
0x2: {  	[smem:$0x3F9F] =	sst lr;
	_ =	strace $0xD0000000  }
0x3: {  	_ = 	snop  }
0x4: {  	_ = 	snop  }
0x5: {  	_ = 	snop  }
0x6: {  	_ = 	snop  }
0x7: {  	_ = 	snop  }
__scs_overlays_trampoline_lowered:
0x8: {  	[smem:$0x3FAE] =	sst s0  }
0x9: {  	[smem:$0x3FAF] =	sst s1  }
0xa: {  	[smem:$0x3FB0] =	sst s2  }
0xb: {  	[smem:$0x3FB1] =	sst s3  }
0xc: {  	[smem:$0x3FB2] =	sst s4  }
0xd: {  	[smem:$0x3FB3] =	sst s5  }
0xe: {  	[smem:$0x3FB4] =	sst s6  }
0xf: {  	[smem:$0x3FB5] =	sst s7  }
0x10: {  	[smem:$0x3FB6] =	sst s8  }
0x11: {  	[smem:$0x3FB7] =	sst s9;
	s0 =	simm.s32 @!p0 $0x0  }
0x12: {  	s1 =	sld [smem:$0x3F9D];
	s0 =	simm.s32 @p0 $0x1  }
0x13: {  	[smem:$0x3FB8] =	sst s0;
	s0 =	simm.s32 @!p1 $0x0  }
0x14: {  	s2 =	sld [smem:$0x3F9C];
	s0 =	simm.s32 @p1 $0x1  }
0x15: {  	[smem:$0x3FB9] =	sst s0;
	s0 =	simm.s32 @!p2 $0x0  }
0x16: {  	s3 =	sld [smem:$0x3FDB];
	s0 =	simm.s32 @p2 $0x1  }
0x17: {  	s4 =	simm.s32 $0x1BF5;
	[smem:$0x3FBB] =	sst s0  }
0x18: {  	s0 =	sld [smem:$0x3F9E];
	_ =	swait.ge [sflag:s4], $0x0  }
0x19: {  	s7 =	sld [smem:$0x3F9F]  }
0x1a: {  	s8 =	sadd.s32 $0xFFFFE003, lr  }
0x1b: {  	s9 =	sadd.s32 $0xFFFFFEF7, lr;
	s5 =	simm.s32 $0xFFFFFFFF;
	p2 =	slt.u32 s8, $0xFFFFF086  }
0x1c: {  	p1 =	slt.u32 s9, $0xF7A;
	s5 =	simm.s32 @!p2 $0x0  }
0x1d: {  	s5 =	simm.s32 @p1 $0x1;
	p0 =	seq.s32 s7, s2  }
0x1e: {  	s7 =	smul.u32 @!p0 $0xF7A, s2;
	p2 =	seq.s32 @!p0 s5, $0x0  }
0x1f: {  	s9 =	smul.u32 $0xF7A, s1;
	s8 =	simm.s32 @!p0 $0x1BF5;
	p2 =	por !p2, p0  }
0x20: {  	[sflag:s8] =	ssyncset.s32 @!p0 $0xFFFFF086;
	s6 =	sadd.s32 @!p0 s3, s7;
	s7 =	simm.s32 @!p0 $0x108  }
0x21: {  	s3 =	sadd.s32 s3, s9;
	s6 =	sadd.s32 @!p0 $0x88, s6;
	s7 =	simm.s32 @p2 $0x1082  }
0x22: {  	[simem:s7], [sflag:s8] =	dma.local @!p0 [hbm:s6], $0xF7A  }
0x23: {  	s9 =	sor.u32 $0xD0000000, s2;
	s6 =	simm.s32 $0x108;
	_ =	swait.ge @!p0 [sflag:s8], $0x0  }
0x24: {  	s3 =	sadd.s32 $0x88, s3;
	s6 =	simm.s32 @!p1 $0x1082;
	[sflag:s4] =	ssyncset.s32 $0xFFFFF086  }
0x25: {  	[simem:s6], [sflag:s4] =	dma.local [hbm:s3], $0xF7A  }
0x26: {  	[smem:$0x3F9F] =	sst s1;
	(tag) =	ssettag s2;
	_ =	strace s9  }
0x27: {  	s1 =	sld [smem:$0x3FAF]  }
0x28: {  	s2 =	sld [smem:$0x3FB0]  }
0x29: {  	s4 =	sld [smem:$0x3FB2]  }
0x2a: {  	p0 =	seq.s32 s5, $0x0;
	s5 =	sld [smem:$0x3FB3]  }
0x2b: {  	s6 =	sld [smem:$0x3FB4]  }
0x2c: {  	s7 =	sld [smem:$0x3FB5]  }
0x2d: {  	s3 =	simm.s32 $0x108;
	s8 =	sld [smem:$0x3FB6]  }
0x2e: {  	s3 =	simm.s32 @!p0 $0x1082;
	s9 =	sld [smem:$0x3FB7]  }
0x2f: {  	lr =	sadd.s32 s0, s3;
	s0 =	sld [smem:$0x3FAE]  }
0x30: {  	s3 =	sld [smem:$0x3FB1]  }
0x31: {  	[smem:$0x3FBA] =	sst s10  }
0x32: {  	s10 =	sld [smem:$0x3FB8];
	_ =	sdelay $0x3  }
0x33: {  	p0 =	seq.s32 s10, $0x1;
	s10 =	sld [smem:$0x3FBA];
	_ =	sdelay $0x3  }
0x34: {  	[smem:$0x3FBA] =	sst s10  }
0x35: {  	s10 =	sld [smem:$0x3FB9];
	_ =	sdelay $0x3  }
0x36: {  	p1 =	seq.s32 s10, $0x1;
	s10 =	sld [smem:$0x3FBA];
	_ =	sdelay $0x3  }
0x37: {  	[smem:$0x3FBA] =	sst s10  }
0x38: {  	s10 =	sld [smem:$0x3FBB]  }
0x39: {  	_ = 	snop;
	(pc) =	sbr.ind lr, $3  }
0x3a: {  	_ = 	snop  }
0x3b: {  	_ = 	snop  }
0x3c: {  	p2 =	seq.s32 s10, $0x1;
	s10 =	sld [smem:$0x3FBA]  }
0x3d: {  	_ =	shalt  }
0x3e: {  	_ =	shalt  }
0x3f: {  	_ =	shalt  }
0x40: {  	_ =	shalt  }
0x41: {  	_ =	shalt  }
0x42: {  	_ =	shalt  }
0x43: {  	_ =	shalt  }
0x44: {  	_ =	shalt  }
0x45: {  	_ =	shalt  }
0x46: {  	_ =	shalt  }
0x47: {  	_ =	shalt  }
0x48: {  	_ =	shalt  }
0x49: {  	_ =	shalt  }
0x4a: {  	_ =	shalt  }
0x4b: {  	_ =	shalt  }
0x4c: {  	_ =	shalt  }
0x4d: {  	_ =	shalt  }
0x4e: {  	_ =	shalt  }
0x4f: {  	_ =	shalt  }
0x50: {  	_ =	shalt  }
0x51: {  	_ =	shalt  }
0x52: {  	_ =	shalt  }
0x53: {  	_ =	shalt  }
0x54: {  	_ =	shalt  }
0x55: {  	_ =	shalt  }
0x56: {  	_ =	shalt  }
0x57: {  	_ =	shalt  }
0x58: {  	_ =	shalt  }
0x59: {  	_ =	shalt  }
0x5a: {  	_ =	shalt  }
0x5b: {  	_ =	shalt  }
0x5c: {  	_ =	shalt  }
0x5d: {  	_ =	shalt  }
0x5e: {  	_ =	shalt  }
0x5f: {  	_ =	shalt  }
0x60: {  	_ =	shalt  }
0x61: {  	_ =	shalt  }
0x62: {  	_ =	shalt  }
0x63: {  	_ =	shalt  }
0x64: {  	_ =	shalt  }
0x65: {  	_ =	shalt  }
0x66: {  	_ =	shalt  }
0x67: {  	_ =	shalt  }
0x68: {  	_ =	shalt  }
0x69: {  	_ =	shalt  }
0x6a: {  	_ =	shalt  }
0x6b: {  	_ =	shalt  }
0x6c: {  	_ =	shalt  }
0x6d: {  	_ =	shalt  }
0x6e: {  	_ =	shalt  }
0x6f: {  	_ =	shalt  }
0x70: {  	_ =	shalt  }
0x71: {  	_ =	shalt  }
0x72: {  	_ =	shalt  }
0x73: {  	_ =	shalt  }
0x74: {  	_ =	shalt  }
0x75: {  	_ =	shalt  }
0x76: {  	_ =	shalt  }
0x77: {  	_ =	shalt  }
0x78: {  	_ =	shalt  }
0x79: {  	_ =	shalt  }
0x7a: {  	_ =	shalt  }
0x7b: {  	_ =	shalt  }
0x7c: {  	_ =	shalt  }
0x7d: {  	_ =	shalt  }
0x7e: {  	_ =	shalt  }
0x7f: {  	_ =	shalt  }
0x80: {  	_ =	shalt  }
0x81: {  	_ =	shalt  }
0x82: {  	_ =	shalt  }
0x83: {  	_ =	shalt  }
0x84: {  	_ =	shalt  }
0x85: {  	_ =	shalt  }
0x86: {  	_ =	shalt  }
0x87: {  	_ =	shalt  }
.Lfunc_end0:
.L_simem_size_0:
called_computation_lowered:
.L_overlay_start_0:
0x88: {  	s2 =	sld [smem:$0x3FD9]  }
0x89: {  	s3 =	sld [smem:$0x3FFE];
	_ =	sdelay $0x1  }
0x8a: {  	s1 =	srdreg.scid  }
0x8b: {  	s0 =	sand.u32 $0x1, s1  }
0x8c: {  	s17 =	sshll.u32 s0, $0xA;
	s2 =	sadd.s32 s3, s2  }
0x8d: {  	s2 =	sadd.s32 s2, s17  }
0x8e: {  	[smem:$0x3FC6] =	sst s2  }
0x8f: {  	_ = 	snop  }
0x90: {  	s2 =	sld [smem:$0x3FC8];
	(tm) =	ssettm $0x1  }
0x91: {  	s18 =	sld [smem:$0x3FFB];
	_ =	sdelay $0x3  }
0x92: {  	_ =	strace s18  }
0x93: {  	s3 =	sld [smem:$0x3FFC];
	_ =	sdelay $0x3  }
0x94: {  	_ =	strace s3  }
0x95: {  	s3 =	sld [smem:$0x3FFD];
	_ =	sdelay $0x3  }
0x96: {  	_ =	strace s3  }
0x97: {  	_ =	strace $0x8FFFFFFF  }
0x98: {  	s19 =	sld [smem:$0x3FDB];
	_ =	sdelay $0x1  }
0x99: {  	s4 =	simm.s32 $_scs_section_size  }
0x9a: {  	s5 =	simm.s32 $_size__tile_overlayer_lowered;
	s6 =	simm.s32 $_tile_overlayer_lowered  }
0x9b: {  	s22 =	simm.s32 $0x1BFF;
	s21 =	sshll.u32 s6, $0x1;
	s3 =	sadd.s32 s4, s19  }
0x9c: {  	s7 =	simm.s32 $0x0;
	s20 =	sshll.u32 s5, $0x1;
	s5 =	sadd.s32 s21, s3  }
0x9d: {  	[timem:s7], [sflag:s22] =	dma.local [hbm:s5], s20  }
0x9e: {  	_ =	swait.ge [sflag:s22], s20  }
0x9f: {  	s4 =	ssub.s32 $0x0, s20;
	[sflag:s22] =	ssyncset.done $0x0  }
0xa0: {  	[sflag:s22] =	ssyncadd.s32 s4;
	_ =	sdelay $0x1  }
0xa1: {  	s23 =	simm.s32 $0x1B8B  }
0xa2: {  	_ =	swait.ge [sflag:s23], $0x1  }
0xa3: {  	[sflag:s23] =	ssyncset.done $0x0  }
0xa4: {  	s25 =	simm.s32 $0x1B8E;
	s24 =	sld [smem:$0x3FFE];
	[sflag:s23] =	ssyncadd.s32 $0xFFFFFFFF  }
0xa5: {  	s26 =	simm.s32 $execute0_lowered;
	[smem:$0x3FD2] =	sst s25  }
0xa6: {  	s5 =	sshll.u32 s26, $0x1;
	_ =	strace $0x80000046;
	[dreg:$0x1] =	wrdreg $0xFFFFFFFF  }
0xa7: {  	s28 =	simm.s32 $_size_execute0_lowered;
	s3 =	sadd.s32 s3, s5;
	[dreg:$0x0] =	wrdreg $0x0  }
0xa8: {  	s5 =	sshll.u32 s28, $0x1;
	[dreg:$0x2] =	wrdreg s3  }
0xa9: {  	[dreg:$0x3] =	wrdreg s5  }
0xaa: {  	[dreg:$0x4] =	wrdreg $0xC0  }
0xab: {  	_ =	task [dreg:s7], $0x5FFFF  }
0xac: {  	[dreg:$0x1] =	wrdreg $0xFFFFFFFF  }
0xad: {  	[dreg:$0x0] =	wrdreg $0x60  }
0xae: {  	[dreg:$0x2] =	wrdreg s2  }
0xaf: {  	[dreg:$0x3] =	wrdreg s24  }
0xb0: {  	[dreg:$0x4] =	wrdreg $0x9  }
0xb1: {  	_ =	task.clear_ibuf [dreg:s7], $0x5FFFF;
	_ =	strace $0x90000046  }
0xb2: {  	s29 =	simm.s32 $0x9;
	_ =	strace $0x80000048  }
0xb3: {  	_ =	swait.ge [sflag:s29], $0x1  }
0xb4: {  	[sflag:s29] =	ssyncadd.s32 $0xFFFFFFFF  }
0xb5: {  	_ =	strace $0x90000048  }
0xb6: {  	_ =	sfence  }
0xb7: {  	s30 =	sld [smem:$0x0];
	_ =	sdelay $0x2  }
0xb8: {  	s31 =	sshll.u32 s1, $0xD;
	s1 =	sshrl.u32 s1, $0x2  }
0xb9: {  	s3 =	sand.u32 $0x4000, s31;
	s1 =	sadd.s32 s1, s30  }
0xba: {  	s0 =	sor.u32 s3, s0;
	s1 =	sshll.u32 s1, $0x11  }
0xbb: {  	s0 =	sor.u32 s1, s0  }
0xbc: {  	s0 =	sadd.s32 $0x8F2B, s0  }
0xbd: {  	[sflag:s0] =	ssyncadd.remote.s32 $0x1  }
0xbe: {  	_ =	sfence.sel $0xFFFF  }
0xbf: {  	[dreg:$0x0] =	wrdreg $0xFFFFFFFF;
	(pc) =	sbr.abs _section_cstart, $3  }
0xc0: {  	[dreg:$0x1] =	wrdreg $0xFFFFFFFF  }
0xc1: {  	_ =	task.clear_ibuf [dreg:s7], $0x2FFFF;
	_ =	strace $0x9FFFFFFF  }
0xc2: {  	(tm) =	ssettm $0x7FFFFFFF  }
0xc3: {  	_ =	shalt  }
tec
execute0_lowered:
.L_overlay_start_1:
0x0: {  	(tag) =	ssettag $0x1  }
0x1: {  	s2 =	rddreg [dreg:$0x0];
	s1 =	srdreg.scid  }
0x2: {  	s0 =	stileid.u32;
	s4 =	rddreg [dreg:$0x1];
	s3 =	simm.s32 $0x0  }
0x3: {  	s13 =	simm.s32 $0x3E80;
	s14 =	simm.s32 $0x1;
	s15 =	simm.s32 $0x7D00  }
0x4: {  	s16 =	simm.s32 $0x2;
	s17 =	simm.s32 $0x9C40;
	s18 =	simm.s32 $0x3  }
0x5: {  	s19 =	simm.s32 $0x4;
	s5 =	sand.u32 $0x1, s1;
	s6 =	sshll.u32 s0, $0x1  }
0x6: {  	s20 =	simm.s32 $0x0;
	s1 =	rddreg [dreg:$0x2];
	s6 =	sor.u32 s5, s6  }
0x7: {  	[smem:$0x7FF] =	sst s3;
	s5 =	ssub.s32 $0x2, s5;
	s7 =	smul.u32 $0xC350, s6  }
0x8: {  	s4 =	sadd.s32 $0xA00, s4;
	s8 =	smul.u32 $0x61A80, s6;
	s9 =	sshrl.u32 s5, $0x1  }
0x9: {  	_ =	strace $0x80000047;
	s10 =	smul.u32 $0x30D40, s6;
	s12 =	ssub.s32 s5, s9  }
0xa: {  	s5 =	smul.u32 $0xC35, s6;
	s8 =	sshrl.u32 s8, $0x3;
	s6 =	sadd.s32 s2, s7  }
0xb: {  	s31 =	sshrl.u32 s10, $0x3;
	s12 =	smax.u32 s12, $0x1;
	s30 =	sadd.s32 s2, s8  }
0xc: {  	s8 =	sadd.s32 $0xFA, s5;
	s11 =	sadd.s32 s4, s31;
	s9 =	sadd.s32 $0x7D, s5  }
0xd: {  	s10 =	sadd.s32 $0x177, s5;
	s7 =	sadd.s32 $0x7D0, s30;
	s11 =	sadd.s32 $0x5DC0, s11  }
.LBB2_1:
0xe: {  	[tilespmem:s3], [sflag:$0x1] =	stream.linear.gather [hbm4b:s6+s3], $0x3E80, $0x38;
	[tilespmem:$0xBB80] =	vst v63  }
0xf: {  	s21 =	simm.s32 $0x0  }
0x10: {  	[tilespmem:s13], [sflag:$0x2] =	stream.linear.gather [hbm4b:s7+s3], $0x3E80, $0x38;
	[tilespmem:$0xBB80] =	vst v63  }
.LBB2_2:
0x11: {  	_ =	swait.ge [sflag:s14], $0x3E80  }
0x12: {  	p0 =	seq.s32 s21, $0x0;
	[sflag:s14] =	ssyncset.done $0x0  }
0x13: {  	s22 =	simm.s32 @!p0 $0x3;
	[sflag:s14] =	ssyncadd.s32 $0xFFFFC180  }
0x14: {  	_ =	swait.ge @!p0 [sflag:s22], $0x1F40  }
0x15: {  	[sflag:s22] =	ssyncset.done @!p0 $0x0  }
0x16: {  	[sflag:s22] =	ssyncadd.s32 @!p0 $0xFFFFE0C0;
	s22 =	simm.s32 $0x140  }
0x17: {  	v0 =	vld [tilespmem:s22+$0xFFFFFEC0]  }
0x18: {  	v1 =	vld [tilespmem:s22+$0xFFFFFF00];
	_ =	sdelay $0x4  }
0x19: {  	v0 =	vshrl.u32 v0, $0x10;
	v1 =	vand.u32 $0xFFFF0000, v1  }
0x1a: {  	s23 =	simm.s32 $0x0;
	v0 =	vor.u32 v0, v1  }
0x1b: {  	[tilespmem:s23+$0x7D00] =	vst v0  }
0x1c: {  	v0 =	vld [tilespmem:s22+$0xFFFFFED0]  }
0x1d: {  	v1 =	vld [tilespmem:s22+$0xFFFFFF10];
	_ =	sdelay $0x4  }
0x1e: {  	v0 =	vshrl.u32 v0, $0x10;
	v1 =	vand.u32 $0xFFFF0000, v1  }
0x1f: {  	v0 =	vor.u32 v0, v1  }
0x20: {  	[tilespmem:s23+$0x7D10] =	vst v0  }
0x21: {  	v0 =	vld [tilespmem:s22+$0xFFFFFEE0]  }
0x22: {  	v1 =	vld [tilespmem:s22+$0xFFFFFF20];
	_ =	sdelay $0x4  }
0x23: {  	v0 =	vshrl.u32 v0, $0x10;
	v1 =	vand.u32 $0xFFFF0000, v1  }
0x24: {  	v0 =	vor.u32 v0, v1  }
0x25: {  	[tilespmem:s23+$0x7D20] =	vst v0  }
0x26: {  	v0 =	vld [tilespmem:s22+$0xFFFFFEF0]  }
0x27: {  	v1 =	vld [tilespmem:s22+$0xFFFFFF30];
	_ =	sdelay $0x4  }
0x28: {  	v0 =	vshrl.u32 v0, $0x10;
	v1 =	vand.u32 $0xFFFF0000, v1  }
0x29: {  	v0 =	vor.u32 v0, v1  }
0x2a: {  	[tilespmem:s23+$0x7D30] =	vst v0  }
0x2b: {  	v0 =	vld [tilespmem:s22+$0xFFFFFF40]  }
0x2c: {  	v1 =	vld [tilespmem:s22+$0xFFFFFF80];
	_ =	sdelay $0x4  }
0x2d: {  	v0 =	vshrl.u32 v0, $0x10;
	v1 =	vand.u32 $0xFFFF0000, v1  }
0x2e: {  	v0 =	vor.u32 v0, v1  }
0x2f: {  	[tilespmem:s23+$0x7D40] =	vst v0  }
0x30: {  	v0 =	vld [tilespmem:s22+$0xFFFFFF50]  }
0x31: {  	v1 =	vld [tilespmem:s22+$0xFFFFFF90];
	_ =	sdelay $0x4  }
0x32: {  	v0 =	vshrl.u32 v0, $0x10;
	v1 =	vand.u32 $0xFFFF0000, v1  }
0x33: {  	v0 =	vor.u32 v0, v1  }
0x34: {  	[tilespmem:s23+$0x7D50] =	vst v0  }
0x35: {  	v0 =	vld [tilespmem:s22+$0xFFFFFF60]  }
0x36: {  	v1 =	vld [tilespmem:s22+$0xFFFFFFA0];
	_ =	sdelay $0x4  }
0x37: {  	v0 =	vshrl.u32 v0, $0x10;
	v1 =	vand.u32 $0xFFFF0000, v1  }
0x38: {  	v0 =	vor.u32 v0, v1  }
0x39: {  	[tilespmem:s23+$0x7D60] =	vst v0  }
0x3a: {  	v0 =	vld [tilespmem:s22+$0xFFFFFF70]  }
0x3b: {  	v1 =	vld [tilespmem:s22+$0xFFFFFFB0];
	_ =	sdelay $0x4  }
0x3c: {  	v0 =	vshrl.u32 v0, $0x10;
	v1 =	vand.u32 $0xFFFF0000, v1  }
0x3d: {  	v0 =	vor.u32 v0, v1  }
0x3e: {  	[tilespmem:s23+$0x7D70] =	vst v0  }
0x3f: {  	v0 =	vld [tilespmem:s22+$0xFFFFFFC0]  }
0x40: {  	v1 =	vld [tilespmem:s22+$0x0];
	_ =	sdelay $0x4  }
0x41: {  	v0 =	vshrl.u32 v0, $0x10;
	v1 =	vand.u32 $0xFFFF0000, v1  }
0x42: {  	v0 =	vor.u32 v0, v1  }
0x43: {  	[tilespmem:s23+$0x7D80] =	vst v0  }
0x44: {  	v0 =	vld [tilespmem:s22+$0xFFFFFFD0]  }
0x45: {  	v1 =	vld [tilespmem:s22+$0x10];
	_ =	sdelay $0x4  }
0x46: {  	v0 =	vshrl.u32 v0, $0x10;
	v1 =	vand.u32 $0xFFFF0000, v1  }
0x47: {  	v0 =	vor.u32 v0, v1  }
0x48: {  	[tilespmem:s23+$0x7D90] =	vst v0  }
0x49: {  	v0 =	vld [tilespmem:s22+$0xFFFFFFE0]  }
0x4a: {  	v1 =	vld [tilespmem:s22+$0x20];
	_ =	sdelay $0x4  }
0x4b: {  	v0 =	vshrl.u32 v0, $0x10;
	v1 =	vand.u32 $0xFFFF0000, v1  }
0x4c: {  	v0 =	vor.u32 v0, v1  }
0x4d: {  	[tilespmem:s23+$0x7DA0] =	vst v0  }
0x4e: {  	v0 =	vld [tilespmem:s22+$0xFFFFFFF0]  }
0x4f: {  	v1 =	vld [tilespmem:s22+$0x30];
	_ =	sdelay $0x4  }
0x50: {  	v0 =	vshrl.u32 v0, $0x10;
	v1 =	vand.u32 $0xFFFF0000, v1  }
0x51: {  	v0 =	vor.u32 v0, v1  }
0x52: {  	[tilespmem:s23+$0x7DB0] =	vst v0  }
0x53: {  	v0 =	vld [tilespmem:s22+$0x40]  }
0x54: {  	v1 =	vld [tilespmem:s22+$0x80];
	_ =	sdelay $0x4  }
0x55: {  	v0 =	vshrl.u32 v0, $0x10;
	v1 =	vand.u32 $0xFFFF0000, v1  }
0x56: {  	v0 =	vor.u32 v0, v1  }
0x57: {  	[tilespmem:s23+$0x7DC0] =	vst v0  }
0x58: {  	v0 =	vld [tilespmem:s22+$0x50]  }
0x59: {  	v1 =	vld [tilespmem:s22+$0x90];
	_ =	sdelay $0x4  }
0x5a: {  	v0 =	vshrl.u32 v0, $0x10;
	v1 =	vand.u32 $0xFFFF0000, v1  }
0x5b: {  	v0 =	vor.u32 v0, v1  }
0x5c: {  	[tilespmem:s23+$0x7DD0] =	vst v0  }
0x5d: {  	v0 =	vld [tilespmem:s22+$0x60]  }
0x5e: {  	v1 =	vld [tilespmem:s22+$0xA0];
	_ =	sdelay $0x4  }
0x5f: {  	v0 =	vshrl.u32 v0, $0x10;
	v1 =	vand.u32 $0xFFFF0000, v1  }
0x60: {  	v0 =	vor.u32 v0, v1  }
0x61: {  	[tilespmem:s23+$0x7DE0] =	vst v0  }
0x62: {  	v0 =	vld [tilespmem:s22+$0x70]  }
0x63: {  	v1 =	vld [tilespmem:s22+$0xB0];
	_ =	sdelay $0x4  }
0x64: {  	v0 =	vshrl.u32 v0, $0x10;
	v1 =	vand.u32 $0xFFFF0000, v1  }
0x65: {  	v0 =	vor.u32 v0, v1  }
0x66: {  	[tilespmem:s23+$0x7DF0] =	vst v0  }
0x67: {  	v0 =	vld [tilespmem:s22+$0xC0]  }
0x68: {  	v1 =	vld [tilespmem:s22+$0x100];
	_ =	sdelay $0x4  }
0x69: {  	v0 =	vshrl.u32 v0, $0x10;
	v1 =	vand.u32 $0xFFFF0000, v1  }
0x6a: {  	v0 =	vor.u32 v0, v1  }
0x6b: {  	[tilespmem:s23+$0x7E00] =	vst v0  }
0x6c: {  	v0 =	vld [tilespmem:s22+$0xD0]  }
0x6d: {  	v1 =	vld [tilespmem:s22+$0x110];
	_ =	sdelay $0x4  }
0x6e: {  	s25 =	simm.s32 $0x500;
	s24 =	simm.s32 $0x140;
	v0 =	vshrl.u32 v0, $0x10;
	v1 =	vand.u32 $0xFFFF0000, v1  }
.LBB2_3:
0x6f: {  	p1 =	sne.s32 s25, $0x7800  }
0x70: {  	v0 =	vor.u32 v0, v1;
	s22 =	sadd.s32 $0x280, s22;
	s26 =	smov.u32 s25;
	s25 =	sadd.s32 $0x500, s25  }
0x71: {  	[tilespmem:s23+$0x7E10] =	vst v0  }
0x72: {  	v0 =	vld [tilespmem:s24+$0xE0]  }
0x73: {  	v1 =	vld [tilespmem:s24+$0x120];
	_ =	sdelay $0x3  }
0x74: {  	v0 =	vshrl.u32 v0, $0x10  }
0x75: {  	v1 =	vand.u32 $0xFFFF0000, v1  }
0x76: {  	v0 =	vor.u32 v0, v1  }
0x77: {  	[tilespmem:s23+$0x7E20] =	vst v0  }
0x78: {  	v0 =	vld [tilespmem:s24+$0xF0]  }
0x79: {  	v1 =	vld [tilespmem:s24+$0x130];
	s24 =	smov.u32 s22;
	_ =	sdelay $0x3  }
0x7a: {  	v0 =	vshrl.u32 v0, $0x10  }
0x7b: {  	v1 =	vand.u32 $0xFFFF0000, v1  }
0x7c: {  	v0 =	vor.u32 v0, v1  }
0x7d: {  	[tilespmem:s23+$0x7E30] =	vst v0  }
0x7e: {  	v0 =	vld [tilespmem:s22+$0xFFFFFEC0]  }
0x7f: {  	v1 =	vld [tilespmem:s22+$0xFFFFFF00];
	_ =	sdelay $0x4  }
0x80: {  	v0 =	vshrl.u32 v0, $0x10;
	v1 =	vand.u32 $0xFFFF0000, v1  }
0x81: {  	s23 =	sshra.s32 s26, $0x2;
	v0 =	vor.u32 v0, v1  }
0x82: {  	[tilespmem:s23+$0x7D00] =	vst v0  }
0x83: {  	v0 =	vld [tilespmem:s22+$0xFFFFFED0]  }
0x84: {  	v1 =	vld [tilespmem:s22+$0xFFFFFF10];
	_ =	sdelay $0x3  }
0x85: {  	v0 =	vshrl.u32 v0, $0x10  }
0x86: {  	v1 =	vand.u32 $0xFFFF0000, v1  }
0x87: {  	v0 =	vor.u32 v0, v1  }
0x88: {  	[tilespmem:s23+$0x7D10] =	vst v0  }
0x89: {  	v0 =	vld [tilespmem:s22+$0xFFFFFEE0]  }
0x8a: {  	v1 =	vld [tilespmem:s22+$0xFFFFFF20];
	_ =	sdelay $0x3  }
0x8b: {  	v0 =	vshrl.u32 v0, $0x10  }
0x8c: {  	v1 =	vand.u32 $0xFFFF0000, v1  }
0x8d: {  	v0 =	vor.u32 v0, v1  }
0x8e: {  	[tilespmem:s23+$0x7D20] =	vst v0  }
0x8f: {  	v0 =	vld [tilespmem:s22+$0xFFFFFEF0]  }
0x90: {  	v1 =	vld [tilespmem:s22+$0xFFFFFF30];
	_ =	sdelay $0x3  }
0x91: {  	v0 =	vshrl.u32 v0, $0x10  }
0x92: {  	v1 =	vand.u32 $0xFFFF0000, v1  }
0x93: {  	v0 =	vor.u32 v0, v1  }
0x94: {  	[tilespmem:s23+$0x7D30] =	vst v0  }
0x95: {  	v0 =	vld [tilespmem:s22+$0xFFFFFF40]  }
0x96: {  	v1 =	vld [tilespmem:s22+$0xFFFFFF80];
	_ =	sdelay $0x3  }
0x97: {  	v0 =	vshrl.u32 v0, $0x10  }
0x98: {  	v1 =	vand.u32 $0xFFFF0000, v1  }
0x99: {  	v0 =	vor.u32 v0, v1  }
0x9a: {  	[tilespmem:s23+$0x7D40] =	vst v0  }
0x9b: {  	v0 =	vld [tilespmem:s22+$0xFFFFFF50]  }
0x9c: {  	v1 =	vld [tilespmem:s22+$0xFFFFFF90];
	_ =	sdelay $0x3  }
0x9d: {  	v0 =	vshrl.u32 v0, $0x10  }
0x9e: {  	v1 =	vand.u32 $0xFFFF0000, v1  }
0x9f: {  	v0 =	vor.u32 v0, v1  }
0xa0: {  	[tilespmem:s23+$0x7D50] =	vst v0  }
0xa1: {  	v0 =	vld [tilespmem:s22+$0xFFFFFF60]  }
0xa2: {  	v1 =	vld [tilespmem:s22+$0xFFFFFFA0];
	_ =	sdelay $0x3  }
0xa3: {  	v0 =	vshrl.u32 v0, $0x10  }
0xa4: {  	v1 =	vand.u32 $0xFFFF0000, v1  }
0xa5: {  	v0 =	vor.u32 v0, v1  }
0xa6: {  	[tilespmem:s23+$0x7D60] =	vst v0  }
0xa7: {  	v0 =	vld [tilespmem:s22+$0xFFFFFF70]  }
0xa8: {  	v1 =	vld [tilespmem:s22+$0xFFFFFFB0];
	_ =	sdelay $0x3  }
0xa9: {  	v0 =	vshrl.u32 v0, $0x10  }
0xaa: {  	v1 =	vand.u32 $0xFFFF0000, v1  }
0xab: {  	v0 =	vor.u32 v0, v1  }
0xac: {  	[tilespmem:s23+$0x7D70] =	vst v0  }
0xad: {  	v0 =	vld [tilespmem:s22+$0xFFFFFFC0]  }
0xae: {  	v1 =	vld [tilespmem:s22+$0x0];
	_ =	sdelay $0x3  }
0xaf: {  	v0 =	vshrl.u32 v0, $0x10  }
0xb0: {  	v1 =	vand.u32 $0xFFFF0000, v1  }
0xb1: {  	v0 =	vor.u32 v0, v1  }
0xb2: {  	[tilespmem:s23+$0x7D80] =	vst v0  }
0xb3: {  	v0 =	vld [tilespmem:s22+$0xFFFFFFD0]  }
0xb4: {  	v1 =	vld [tilespmem:s22+$0x10];
	_ =	sdelay $0x3  }
0xb5: {  	v0 =	vshrl.u32 v0, $0x10  }
0xb6: {  	v1 =	vand.u32 $0xFFFF0000, v1  }
0xb7: {  	v0 =	vor.u32 v0, v1  }
0xb8: {  	[tilespmem:s23+$0x7D90] =	vst v0  }
0xb9: {  	v0 =	vld [tilespmem:s22+$0xFFFFFFE0]  }
0xba: {  	v1 =	vld [tilespmem:s22+$0x20];
	_ =	sdelay $0x3  }
0xbb: {  	v0 =	vshrl.u32 v0, $0x10  }
0xbc: {  	v1 =	vand.u32 $0xFFFF0000, v1  }
0xbd: {  	v0 =	vor.u32 v0, v1  }
0xbe: {  	[tilespmem:s23+$0x7DA0] =	vst v0  }
0xbf: {  	v0 =	vld [tilespmem:s22+$0xFFFFFFF0]  }
0xc0: {  	v1 =	vld [tilespmem:s22+$0x30];
	_ =	sdelay $0x3  }
0xc1: {  	v0 =	vshrl.u32 v0, $0x10  }
0xc2: {  	v1 =	vand.u32 $0xFFFF0000, v1  }
0xc3: {  	v0 =	vor.u32 v0, v1  }
0xc4: {  	[tilespmem:s23+$0x7DB0] =	vst v0  }
0xc5: {  	v0 =	vld [tilespmem:s22+$0x40]  }
0xc6: {  	v1 =	vld [tilespmem:s22+$0x80];
	_ =	sdelay $0x3  }
0xc7: {  	v0 =	vshrl.u32 v0, $0x10  }
0xc8: {  	v1 =	vand.u32 $0xFFFF0000, v1  }
0xc9: {  	v0 =	vor.u32 v0, v1  }
0xca: {  	[tilespmem:s23+$0x7DC0] =	vst v0  }
0xcb: {  	v0 =	vld [tilespmem:s22+$0x50]  }
0xcc: {  	v1 =	vld [tilespmem:s22+$0x90];
	_ =	sdelay $0x3  }
0xcd: {  	v0 =	vshrl.u32 v0, $0x10  }
0xce: {  	v1 =	vand.u32 $0xFFFF0000, v1  }
0xcf: {  	v0 =	vor.u32 v0, v1  }
0xd0: {  	[tilespmem:s23+$0x7DD0] =	vst v0  }
0xd1: {  	v0 =	vld [tilespmem:s22+$0x60]  }
0xd2: {  	v1 =	vld [tilespmem:s22+$0xA0];
	_ =	sdelay $0x3  }
0xd3: {  	v0 =	vshrl.u32 v0, $0x10  }
0xd4: {  	v1 =	vand.u32 $0xFFFF0000, v1  }
0xd5: {  	v0 =	vor.u32 v0, v1  }
0xd6: {  	[tilespmem:s23+$0x7DE0] =	vst v0  }
0xd7: {  	v0 =	vld [tilespmem:s22+$0x70]  }
0xd8: {  	v1 =	vld [tilespmem:s22+$0xB0];
	_ =	sdelay $0x3  }
0xd9: {  	v0 =	vshrl.u32 v0, $0x10  }
0xda: {  	v1 =	vand.u32 $0xFFFF0000, v1  }
0xdb: {  	v0 =	vor.u32 v0, v1  }
0xdc: {  	[tilespmem:s23+$0x7DF0] =	vst v0  }
0xdd: {  	v0 =	vld [tilespmem:s22+$0xC0]  }
0xde: {  	v1 =	vld [tilespmem:s22+$0x100];
	_ =	sdelay $0x3  }
0xdf: {  	v0 =	vshrl.u32 v0, $0x10  }
0xe0: {  	v1 =	vand.u32 $0xFFFF0000, v1  }
0xe1: {  	v0 =	vor.u32 v0, v1  }
0xe2: {  	[tilespmem:s23+$0x7E00] =	vst v0  }
0xe3: {  	v0 =	vld [tilespmem:s22+$0xD0]  }
0xe4: {  	v1 =	vld [tilespmem:s22+$0x110]  }
.Ltmp0:
0xe5: {  	(pc) =	sbr.rel @p1 .LBB2_3-.Ltmp0, $3  }
0xe6: {  	_ =	sdelay $0x1  }
0xe7: {  	v0 =	vshrl.u32 v0, $0x10  }
0xe8: {  	v1 =	vand.u32 $0xFFFF0000, v1  }
0xe9: {  	v0 =	vor.u32 v0, v1  }
0xea: {  	[tilespmem:s23+$0x7E10] =	vst v0  }
0xeb: {  	v0 =	vld [tilespmem:s24+$0xE0]  }
0xec: {  	v1 =	vld [tilespmem:s24+$0x120];
	_ =	sdelay $0x4  }
0xed: {  	v0 =	vshrl.u32 v0, $0x10;
	v1 =	vand.u32 $0xFFFF0000, v1  }
0xee: {  	v0 =	vor.u32 v0, v1  }
0xef: {  	[tilespmem:s23+$0x7E20] =	vst v0  }
0xf0: {  	v0 =	vld [tilespmem:s24+$0xF0]  }
0xf1: {  	v1 =	vld [tilespmem:s24+$0x130];
	_ =	sdelay $0x2  }
0xf2: {  	s22 =	smul.u32 $0xFA, s21;
	_ =	sdelay $0x1  }
0xf3: {  	s29 =	sadd.s32 s5, s22;
	v0 =	vshrl.u32 v0, $0x10;
	v1 =	vand.u32 $0xFFFF0000, v1  }
0xf4: {  	s31 =	sadd.s32 s22, s8;
	s24 =	sshll.u32 s29, $0x3;
	v0 =	vor.u32 v0, v1  }
0xf5: {  	s30 =	sadd.s32 s4, s24;
	[tilespmem:s23+$0x7E30] =	vst v0;
	s23 =	sshll.u32 s31, $0x4  }
0xf6: {  	[hbm4b:s30+s3] =	stream.linear.scatter [tilespmem:s15], [sflag:$0x3], $0x1F40, $0x38;
	[tilespmem:$0xBB80] =	vst v63  }
0xf7: {  	s23 =	sand.u32 $0x1FFFFFF0, s23  }
0xf8: {  	s23 =	sadd.s32 s2, s23  }
0xf9: {  	[tilespmem:s3], [sflag:$0x1] =	stream.linear.gather [hbm4b:s23+s3], $0x3E80, $0x38;
	[tilespmem:$0xBB80] =	vst v63  }
0xfa: {  	_ =	swait.ge [sflag:s16], $0x3E80  }
0xfb: {  	[sflag:s16] =	ssyncset.done $0x0  }
0xfc: {  	s23 =	simm.s32 @!p0 $0x4;
	[sflag:s16] =	ssyncadd.s32 $0xFFFFC180  }
0xfd: {  	_ =	swait.ge @!p0 [sflag:s23], $0x1F40  }
0xfe: {  	[sflag:s23] =	ssyncset.done @!p0 $0x0  }
0xff: {  	[sflag:s23] =	ssyncadd.s32 @!p0 $0xFFFFE0C0;
	s23 =	simm.s32 $0x3FC0  }
0x100: {  	v0 =	vld [tilespmem:s23+$0xFFFFFEC0]  }
0x101: {  	v1 =	vld [tilespmem:s23+$0xFFFFFF00];
	_ =	sdelay $0x4  }
0x102: {  	v0 =	vshrl.u32 v0, $0x10;
	v1 =	vand.u32 $0xFFFF0000, v1  }
0x103: {  	s24 =	simm.s32 $0x0;
	v0 =	vor.u32 v0, v1  }
0x104: {  	[tilespmem:s24+$0x9C40] =	vst v0  }
0x105: {  	v0 =	vld [tilespmem:s23+$0xFFFFFED0]  }
0x106: {  	v1 =	vld [tilespmem:s23+$0xFFFFFF10];
	_ =	sdelay $0x4  }
0x107: {  	v0 =	vshrl.u32 v0, $0x10;
	v1 =	vand.u32 $0xFFFF0000, v1  }
0x108: {  	v0 =	vor.u32 v0, v1  }
0x109: {  	[tilespmem:s24+$0x9C50] =	vst v0  }
0x10a: {  	v0 =	vld [tilespmem:s23+$0xFFFFFEE0]  }
0x10b: {  	v1 =	vld [tilespmem:s23+$0xFFFFFF20];
	_ =	sdelay $0x4  }
0x10c: {  	v0 =	vshrl.u32 v0, $0x10;
	v1 =	vand.u32 $0xFFFF0000, v1  }
0x10d: {  	v0 =	vor.u32 v0, v1  }
0x10e: {  	[tilespmem:s24+$0x9C60] =	vst v0  }
0x10f: {  	v0 =	vld [tilespmem:s23+$0xFFFFFEF0]  }
0x110: {  	v1 =	vld [tilespmem:s23+$0xFFFFFF30];
	_ =	sdelay $0x4  }
0x111: {  	v0 =	vshrl.u32 v0, $0x10;
	v1 =	vand.u32 $0xFFFF0000, v1  }
0x112: {  	v0 =	vor.u32 v0, v1  }
0x113: {  	[tilespmem:s24+$0x9C70] =	vst v0  }
0x114: {  	v0 =	vld [tilespmem:s23+$0xFFFFFF40]  }
0x115: {  	v1 =	vld [tilespmem:s23+$0xFFFFFF80];
	_ =	sdelay $0x4  }
0x116: {  	v0 =	vshrl.u32 v0, $0x10;
	v1 =	vand.u32 $0xFFFF0000, v1  }
0x117: {  	v0 =	vor.u32 v0, v1  }
0x118: {  	[tilespmem:s24+$0x9C80] =	vst v0  }
0x119: {  	v0 =	vld [tilespmem:s23+$0xFFFFFF50]  }
0x11a: {  	v1 =	vld [tilespmem:s23+$0xFFFFFF90];
	_ =	sdelay $0x4  }
0x11b: {  	v0 =	vshrl.u32 v0, $0x10;
	v1 =	vand.u32 $0xFFFF0000, v1  }
0x11c: {  	v0 =	vor.u32 v0, v1  }
0x11d: {  	[tilespmem:s24+$0x9C90] =	vst v0  }
0x11e: {  	v0 =	vld [tilespmem:s23+$0xFFFFFF60]  }
0x11f: {  	v1 =	vld [tilespmem:s23+$0xFFFFFFA0];
	_ =	sdelay $0x4  }
0x120: {  	v0 =	vshrl.u32 v0, $0x10;
	v1 =	vand.u32 $0xFFFF0000, v1  }
0x121: {  	v0 =	vor.u32 v0, v1  }
0x122: {  	[tilespmem:s24+$0x9CA0] =	vst v0  }
0x123: {  	v0 =	vld [tilespmem:s23+$0xFFFFFF70]  }
0x124: {  	v1 =	vld [tilespmem:s23+$0xFFFFFFB0];
	_ =	sdelay $0x4  }
0x125: {  	v0 =	vshrl.u32 v0, $0x10;
	v1 =	vand.u32 $0xFFFF0000, v1  }
0x126: {  	v0 =	vor.u32 v0, v1  }
0x127: {  	[tilespmem:s24+$0x9CB0] =	vst v0  }
0x128: {  	v0 =	vld [tilespmem:s23+$0xFFFFFFC0]  }
0x129: {  	v1 =	vld [tilespmem:s23+$0x0];
	_ =	sdelay $0x4  }
0x12a: {  	v0 =	vshrl.u32 v0, $0x10;
	v1 =	vand.u32 $0xFFFF0000, v1  }
0x12b: {  	v0 =	vor.u32 v0, v1  }
0x12c: {  	[tilespmem:s24+$0x9CC0] =	vst v0  }
0x12d: {  	v0 =	vld [tilespmem:s23+$0xFFFFFFD0]  }
0x12e: {  	v1 =	vld [tilespmem:s23+$0x10];
	_ =	sdelay $0x4  }
0x12f: {  	v0 =	vshrl.u32 v0, $0x10;
	v1 =	vand.u32 $0xFFFF0000, v1  }
0x130: {  	v0 =	vor.u32 v0, v1  }
0x131: {  	[tilespmem:s24+$0x9CD0] =	vst v0  }
0x132: {  	v0 =	vld [tilespmem:s23+$0xFFFFFFE0]  }
0x133: {  	v1 =	vld [tilespmem:s23+$0x20];
	_ =	sdelay $0x4  }
0x134: {  	v0 =	vshrl.u32 v0, $0x10;
	v1 =	vand.u32 $0xFFFF0000, v1  }
0x135: {  	v0 =	vor.u32 v0, v1  }
0x136: {  	[tilespmem:s24+$0x9CE0] =	vst v0  }
0x137: {  	v0 =	vld [tilespmem:s23+$0xFFFFFFF0]  }
0x138: {  	v1 =	vld [tilespmem:s23+$0x30];
	_ =	sdelay $0x4  }
0x139: {  	v0 =	vshrl.u32 v0, $0x10;
	v1 =	vand.u32 $0xFFFF0000, v1  }
0x13a: {  	v0 =	vor.u32 v0, v1  }
0x13b: {  	[tilespmem:s24+$0x9CF0] =	vst v0  }
0x13c: {  	v0 =	vld [tilespmem:s23+$0x40]  }
0x13d: {  	v1 =	vld [tilespmem:s23+$0x80];
	_ =	sdelay $0x4  }
0x13e: {  	v0 =	vshrl.u32 v0, $0x10;
	v1 =	vand.u32 $0xFFFF0000, v1  }
0x13f: {  	v0 =	vor.u32 v0, v1  }
0x140: {  	[tilespmem:s24+$0x9D00] =	vst v0  }
0x141: {  	v0 =	vld [tilespmem:s23+$0x50]  }
0x142: {  	v1 =	vld [tilespmem:s23+$0x90];
	_ =	sdelay $0x4  }
0x143: {  	v0 =	vshrl.u32 v0, $0x10;
	v1 =	vand.u32 $0xFFFF0000, v1  }
0x144: {  	v0 =	vor.u32 v0, v1  }
0x145: {  	[tilespmem:s24+$0x9D10] =	vst v0  }
0x146: {  	v0 =	vld [tilespmem:s23+$0x60]  }
0x147: {  	v1 =	vld [tilespmem:s23+$0xA0];
	_ =	sdelay $0x4  }
0x148: {  	v0 =	vshrl.u32 v0, $0x10;
	v1 =	vand.u32 $0xFFFF0000, v1  }
0x149: {  	v0 =	vor.u32 v0, v1  }
0x14a: {  	[tilespmem:s24+$0x9D20] =	vst v0  }
0x14b: {  	v0 =	vld [tilespmem:s23+$0x70]  }
0x14c: {  	v1 =	vld [tilespmem:s23+$0xB0];
	_ =	sdelay $0x4  }
0x14d: {  	v0 =	vshrl.u32 v0, $0x10;
	v1 =	vand.u32 $0xFFFF0000, v1  }
0x14e: {  	v0 =	vor.u32 v0, v1  }
0x14f: {  	[tilespmem:s24+$0x9D30] =	vst v0  }
0x150: {  	v0 =	vld [tilespmem:s23+$0xC0]  }
0x151: {  	v1 =	vld [tilespmem:s23+$0x100];
	_ =	sdelay $0x4  }
0x152: {  	v0 =	vshrl.u32 v0, $0x10;
	v1 =	vand.u32 $0xFFFF0000, v1  }
0x153: {  	v0 =	vor.u32 v0, v1  }
0x154: {  	[tilespmem:s24+$0x9D40] =	vst v0  }
0x155: {  	v0 =	vld [tilespmem:s23+$0xD0]  }
0x156: {  	v1 =	vld [tilespmem:s23+$0x110];
	_ =	sdelay $0x4  }
0x157: {  	s26 =	simm.s32 $0x500;
	s25 =	simm.s32 $0x3FC0;
	v0 =	vshrl.u32 v0, $0x10;
	v1 =	vand.u32 $0xFFFF0000, v1  }
.LBB2_5:
0x158: {  	p0 =	sne.s32 s26, $0x7800  }
0x159: {  	v0 =	vor.u32 v0, v1;
	s23 =	sadd.s32 $0x280, s23;
	s28 =	smov.u32 s26;
	s26 =	sadd.s32 $0x500, s26  }
0x15a: {  	[tilespmem:s24+$0x9D50] =	vst v0  }
0x15b: {  	v0 =	vld [tilespmem:s25+$0xE0]  }
0x15c: {  	v1 =	vld [tilespmem:s25+$0x120];
	_ =	sdelay $0x3  }
0x15d: {  	v0 =	vshrl.u32 v0, $0x10  }
0x15e: {  	v1 =	vand.u32 $0xFFFF0000, v1  }
0x15f: {  	v0 =	vor.u32 v0, v1  }
0x160: {  	[tilespmem:s24+$0x9D60] =	vst v0  }
0x161: {  	v0 =	vld [tilespmem:s25+$0xF0]  }
0x162: {  	v1 =	vld [tilespmem:s25+$0x130];
	s25 =	smov.u32 s23;
	_ =	sdelay $0x3  }
0x163: {  	v0 =	vshrl.u32 v0, $0x10  }
0x164: {  	v1 =	vand.u32 $0xFFFF0000, v1  }
0x165: {  	v0 =	vor.u32 v0, v1  }
0x166: {  	[tilespmem:s24+$0x9D70] =	vst v0  }
0x167: {  	v0 =	vld [tilespmem:s23+$0xFFFFFEC0]  }
0x168: {  	v1 =	vld [tilespmem:s23+$0xFFFFFF00];
	_ =	sdelay $0x4  }
0x169: {  	v0 =	vshrl.u32 v0, $0x10;
	v1 =	vand.u32 $0xFFFF0000, v1  }
0x16a: {  	s24 =	sshra.s32 s28, $0x2;
	v0 =	vor.u32 v0, v1  }
0x16b: {  	[tilespmem:s24+$0x9C40] =	vst v0  }
0x16c: {  	v0 =	vld [tilespmem:s23+$0xFFFFFED0]  }
0x16d: {  	v1 =	vld [tilespmem:s23+$0xFFFFFF10];
	_ =	sdelay $0x3  }
0x16e: {  	v0 =	vshrl.u32 v0, $0x10  }
0x16f: {  	v1 =	vand.u32 $0xFFFF0000, v1  }
0x170: {  	v0 =	vor.u32 v0, v1  }
0x171: {  	[tilespmem:s24+$0x9C50] =	vst v0  }
0x172: {  	v0 =	vld [tilespmem:s23+$0xFFFFFEE0]  }
0x173: {  	v1 =	vld [tilespmem:s23+$0xFFFFFF20];
	_ =	sdelay $0x3  }
0x174: {  	v0 =	vshrl.u32 v0, $0x10  }
0x175: {  	v1 =	vand.u32 $0xFFFF0000, v1  }
0x176: {  	v0 =	vor.u32 v0, v1  }
0x177: {  	[tilespmem:s24+$0x9C60] =	vst v0  }
0x178: {  	v0 =	vld [tilespmem:s23+$0xFFFFFEF0]  }
0x179: {  	v1 =	vld [tilespmem:s23+$0xFFFFFF30];
	_ =	sdelay $0x3  }
0x17a: {  	v0 =	vshrl.u32 v0, $0x10  }
0x17b: {  	v1 =	vand.u32 $0xFFFF0000, v1  }
0x17c: {  	v0 =	vor.u32 v0, v1  }
0x17d: {  	[tilespmem:s24+$0x9C70] =	vst v0  }
0x17e: {  	v0 =	vld [tilespmem:s23+$0xFFFFFF40]  }
0x17f: {  	v1 =	vld [tilespmem:s23+$0xFFFFFF80];
	_ =	sdelay $0x3  }
0x180: {  	v0 =	vshrl.u32 v0, $0x10  }
0x181: {  	v1 =	vand.u32 $0xFFFF0000, v1  }
0x182: {  	v0 =	vor.u32 v0, v1  }
0x183: {  	[tilespmem:s24+$0x9C80] =	vst v0  }
0x184: {  	v0 =	vld [tilespmem:s23+$0xFFFFFF50]  }
0x185: {  	v1 =	vld [tilespmem:s23+$0xFFFFFF90];
	_ =	sdelay $0x3  }
0x186: {  	v0 =	vshrl.u32 v0, $0x10  }
0x187: {  	v1 =	vand.u32 $0xFFFF0000, v1  }
0x188: {  	v0 =	vor.u32 v0, v1  }
0x189: {  	[tilespmem:s24+$0x9C90] =	vst v0  }
0x18a: {  	v0 =	vld [tilespmem:s23+$0xFFFFFF60]  }
0x18b: {  	v1 =	vld [tilespmem:s23+$0xFFFFFFA0];
	_ =	sdelay $0x3  }
0x18c: {  	v0 =	vshrl.u32 v0, $0x10  }
0x18d: {  	v1 =	vand.u32 $0xFFFF0000, v1  }
0x18e: {  	v0 =	vor.u32 v0, v1  }
0x18f: {  	[tilespmem:s24+$0x9CA0] =	vst v0  }
0x190: {  	v0 =	vld [tilespmem:s23+$0xFFFFFF70]  }
0x191: {  	v1 =	vld [tilespmem:s23+$0xFFFFFFB0];
	_ =	sdelay $0x3  }
0x192: {  	v0 =	vshrl.u32 v0, $0x10  }
0x193: {  	v1 =	vand.u32 $0xFFFF0000, v1  }
0x194: {  	v0 =	vor.u32 v0, v1  }
0x195: {  	[tilespmem:s24+$0x9CB0] =	vst v0  }
0x196: {  	v0 =	vld [tilespmem:s23+$0xFFFFFFC0]  }
0x197: {  	v1 =	vld [tilespmem:s23+$0x0];
	_ =	sdelay $0x3  }
0x198: {  	v0 =	vshrl.u32 v0, $0x10  }
0x199: {  	v1 =	vand.u32 $0xFFFF0000, v1  }
0x19a: {  	v0 =	vor.u32 v0, v1  }
0x19b: {  	[tilespmem:s24+$0x9CC0] =	vst v0  }
0x19c: {  	v0 =	vld [tilespmem:s23+$0xFFFFFFD0]  }
0x19d: {  	v1 =	vld [tilespmem:s23+$0x10];
	_ =	sdelay $0x3  }
0x19e: {  	v0 =	vshrl.u32 v0, $0x10  }
0x19f: {  	v1 =	vand.u32 $0xFFFF0000, v1  }
0x1a0: {  	v0 =	vor.u32 v0, v1  }
0x1a1: {  	[tilespmem:s24+$0x9CD0] =	vst v0  }
0x1a2: {  	v0 =	vld [tilespmem:s23+$0xFFFFFFE0]  }
0x1a3: {  	v1 =	vld [tilespmem:s23+$0x20];
	_ =	sdelay $0x3  }
0x1a4: {  	v0 =	vshrl.u32 v0, $0x10  }
0x1a5: {  	v1 =	vand.u32 $0xFFFF0000, v1  }
0x1a6: {  	v0 =	vor.u32 v0, v1  }
0x1a7: {  	[tilespmem:s24+$0x9CE0] =	vst v0  }
0x1a8: {  	v0 =	vld [tilespmem:s23+$0xFFFFFFF0]  }
0x1a9: {  	v1 =	vld [tilespmem:s23+$0x30];
	_ =	sdelay $0x3  }
0x1aa: {  	v0 =	vshrl.u32 v0, $0x10  }
0x1ab: {  	v1 =	vand.u32 $0xFFFF0000, v1  }
0x1ac: {  	v0 =	vor.u32 v0, v1  }
0x1ad: {  	[tilespmem:s24+$0x9CF0] =	vst v0  }
0x1ae: {  	v0 =	vld [tilespmem:s23+$0x40]  }
0x1af: {  	v1 =	vld [tilespmem:s23+$0x80];
	_ =	sdelay $0x3  }
0x1b0: {  	v0 =	vshrl.u32 v0, $0x10  }
0x1b1: {  	v1 =	vand.u32 $0xFFFF0000, v1  }
0x1b2: {  	v0 =	vor.u32 v0, v1  }
0x1b3: {  	[tilespmem:s24+$0x9D00] =	vst v0  }
0x1b4: {  	v0 =	vld [tilespmem:s23+$0x50]  }
0x1b5: {  	v1 =	vld [tilespmem:s23+$0x90];
	_ =	sdelay $0x3  }
0x1b6: {  	v0 =	vshrl.u32 v0, $0x10  }
0x1b7: {  	v1 =	vand.u32 $0xFFFF0000, v1  }
0x1b8: {  	v0 =	vor.u32 v0, v1  }
0x1b9: {  	[tilespmem:s24+$0x9D10] =	vst v0  }
0x1ba: {  	v0 =	vld [tilespmem:s23+$0x60]  }
0x1bb: {  	v1 =	vld [tilespmem:s23+$0xA0];
	_ =	sdelay $0x3  }
0x1bc: {  	v0 =	vshrl.u32 v0, $0x10  }
0x1bd: {  	v1 =	vand.u32 $0xFFFF0000, v1  }
0x1be: {  	v0 =	vor.u32 v0, v1  }
0x1bf: {  	[tilespmem:s24+$0x9D20] =	vst v0  }
0x1c0: {  	v0 =	vld [tilespmem:s23+$0x70]  }
0x1c1: {  	v1 =	vld [tilespmem:s23+$0xB0];
	_ =	sdelay $0x3  }
0x1c2: {  	v0 =	vshrl.u32 v0, $0x10  }
0x1c3: {  	v1 =	vand.u32 $0xFFFF0000, v1  }
0x1c4: {  	v0 =	vor.u32 v0, v1  }
0x1c5: {  	[tilespmem:s24+$0x9D30] =	vst v0  }
0x1c6: {  	v0 =	vld [tilespmem:s23+$0xC0]  }
0x1c7: {  	v1 =	vld [tilespmem:s23+$0x100];
	_ =	sdelay $0x3  }
0x1c8: {  	v0 =	vshrl.u32 v0, $0x10  }
0x1c9: {  	v1 =	vand.u32 $0xFFFF0000, v1  }
0x1ca: {  	v0 =	vor.u32 v0, v1  }
0x1cb: {  	[tilespmem:s24+$0x9D40] =	vst v0  }
0x1cc: {  	v0 =	vld [tilespmem:s23+$0xD0]  }
0x1cd: {  	v1 =	vld [tilespmem:s23+$0x110]  }
.Ltmp1:
0x1ce: {  	(pc) =	sbr.rel @p0 .LBB2_5-.Ltmp1, $3  }
0x1cf: {  	_ =	sdelay $0x1  }
0x1d0: {  	v0 =	vshrl.u32 v0, $0x10  }
0x1d1: {  	v1 =	vand.u32 $0xFFFF0000, v1  }
0x1d2: {  	v0 =	vor.u32 v0, v1  }
0x1d3: {  	[tilespmem:s24+$0x9D50] =	vst v0  }
0x1d4: {  	v0 =	vld [tilespmem:s25+$0xE0]  }
0x1d5: {  	v62 =	vld [tilespmem:s25+$0x120];
	_ =	sdelay $0x4  }
0x1d6: {  	v0 =	vshrl.u32 v0, $0x10;
	v1 =	vand.u32 $0xFFFF0000, v62  }
0x1d7: {  	v0 =	vor.u32 v0, v1  }
0x1d8: {  	[tilespmem:s24+$0x9D60] =	vst v0  }
0x1d9: {  	v0 =	vld [tilespmem:s25+$0xF0]  }
0x1da: {  	v63 =	vld [tilespmem:s25+$0x130];
	_ =	sdelay $0x2  }
0x1db: {  	p0 =	seq.s32 s21, $0xB  }
.Ltmp2:
0x1dc: {  	s23 =	sadd.s32 s22, s9;
	(pc) =	sbr.rel @p0 .LBB2_8-.Ltmp2, $4  }
0x1dd: {  	s23 =	sshll.u32 s23, $0x3;
	v0 =	vshrl.u32 v0, $0x10;
	v1 =	vand.u32 $0xFFFF0000, v63  }
0x1de: {  	s23 =	sand.u32 $0x1FFFFFF8, s23;
	v0 =	vor.u32 v0, v1  }
0x1df: {  	s23 =	sadd.s32 s4, s23;
	[tilespmem:s24+$0x9D70] =	vst v0  }
0x1e0: {  	[hbm4b:s23+s3] =	stream.linear.scatter [tilespmem:s17], [sflag:$0x4], $0x1F40, $0x38;
	[tilespmem:$0xBB80] =	vst v63  }
.Ltmp3:
0x1e1: {  	s22 =	sadd.s32 s22, s10;
	(pc) =	sbr.rel .LBB2_2-.Ltmp3, $4  }
0x1e2: {  	s22 =	sshll.u32 s22, $0x4  }
0x1e3: {  	s22 =	sand.u32 $0x1FFFFFF0, s22  }
0x1e4: {  	s21 =	sadd.s32 $0x1, s21;
	s22 =	sadd.s32 s2, s22  }
0x1e5: {  	[tilespmem:s13], [sflag:$0x2] =	stream.linear.gather [hbm4b:s22+s3], $0x3E80, $0x38;
	[tilespmem:$0xBB80] =	vst v63  }
.LBB2_8:
0x1e6: {  	_ =	swait.ge [sflag:s14], $0x3E80  }
0x1e7: {  	[sflag:s14] =	ssyncset.done $0x0  }
0x1e8: {  	[sflag:s14] =	ssyncadd.s32 $0xFFFFC180  }
0x1e9: {  	_ =	swait.ge [sflag:s18], $0x1F40  }
0x1ea: {  	[sflag:s18] =	ssyncset.done $0x0  }
0x1eb: {  	s21 =	simm.s32 $0x140;
	[sflag:s18] =	ssyncadd.s32 $0xFFFFE0C0  }
0x1ec: {  	v0 =	vld [tilespmem:s21+$0xFFFFFEC0]  }
0x1ed: {  	v1 =	vld [tilespmem:s21+$0xFFFFFF00];
	_ =	sdelay $0x4  }
0x1ee: {  	v0 =	vshrl.u32 v0, $0x10;
	v1 =	vand.u32 $0xFFFF0000, v1  }
0x1ef: {  	s22 =	simm.s32 $0x0;
	v0 =	vor.u32 v0, v1  }
0x1f0: {  	[tilespmem:s22+$0x7D00] =	vst v0  }
0x1f1: {  	v0 =	vld [tilespmem:s21+$0xFFFFFED0]  }
0x1f2: {  	v1 =	vld [tilespmem:s21+$0xFFFFFF10];
	_ =	sdelay $0x4  }
0x1f3: {  	v0 =	vshrl.u32 v0, $0x10;
	v1 =	vand.u32 $0xFFFF0000, v1  }
0x1f4: {  	v0 =	vor.u32 v0, v1  }
0x1f5: {  	[tilespmem:s22+$0x7D10] =	vst v0  }
0x1f6: {  	v0 =	vld [tilespmem:s21+$0xFFFFFEE0]  }
0x1f7: {  	v1 =	vld [tilespmem:s21+$0xFFFFFF20];
	_ =	sdelay $0x4  }
0x1f8: {  	v0 =	vshrl.u32 v0, $0x10;
	v1 =	vand.u32 $0xFFFF0000, v1  }
0x1f9: {  	v0 =	vor.u32 v0, v1  }
0x1fa: {  	[tilespmem:s22+$0x7D20] =	vst v0  }
0x1fb: {  	v0 =	vld [tilespmem:s21+$0xFFFFFEF0]  }
0x1fc: {  	v1 =	vld [tilespmem:s21+$0xFFFFFF30];
	_ =	sdelay $0x4  }
0x1fd: {  	v0 =	vshrl.u32 v0, $0x10;
	v1 =	vand.u32 $0xFFFF0000, v1  }
0x1fe: {  	v0 =	vor.u32 v0, v1  }
0x1ff: {  	[tilespmem:s22+$0x7D30] =	vst v0  }
0x200: {  	v0 =	vld [tilespmem:s21+$0xFFFFFF40]  }
0x201: {  	v1 =	vld [tilespmem:s21+$0xFFFFFF80];
	_ =	sdelay $0x4  }
0x202: {  	v0 =	vshrl.u32 v0, $0x10;
	v1 =	vand.u32 $0xFFFF0000, v1  }
0x203: {  	v0 =	vor.u32 v0, v1  }
0x204: {  	[tilespmem:s22+$0x7D40] =	vst v0  }
0x205: {  	v0 =	vld [tilespmem:s21+$0xFFFFFF50]  }
0x206: {  	v1 =	vld [tilespmem:s21+$0xFFFFFF90];
	_ =	sdelay $0x4  }
0x207: {  	v0 =	vshrl.u32 v0, $0x10;
	v1 =	vand.u32 $0xFFFF0000, v1  }
0x208: {  	v0 =	vor.u32 v0, v1  }
0x209: {  	[tilespmem:s22+$0x7D50] =	vst v0  }
0x20a: {  	v0 =	vld [tilespmem:s21+$0xFFFFFF60]  }
0x20b: {  	v1 =	vld [tilespmem:s21+$0xFFFFFFA0];
	_ =	sdelay $0x4  }
0x20c: {  	v0 =	vshrl.u32 v0, $0x10;
	v1 =	vand.u32 $0xFFFF0000, v1  }
0x20d: {  	v0 =	vor.u32 v0, v1  }
0x20e: {  	[tilespmem:s22+$0x7D60] =	vst v0  }
0x20f: {  	v0 =	vld [tilespmem:s21+$0xFFFFFF70]  }
0x210: {  	v1 =	vld [tilespmem:s21+$0xFFFFFFB0];
	_ =	sdelay $0x4  }
0x211: {  	v0 =	vshrl.u32 v0, $0x10;
	v1 =	vand.u32 $0xFFFF0000, v1  }
0x212: {  	v0 =	vor.u32 v0, v1  }
0x213: {  	[tilespmem:s22+$0x7D70] =	vst v0  }
0x214: {  	v0 =	vld [tilespmem:s21+$0xFFFFFFC0]  }
0x215: {  	v1 =	vld [tilespmem:s21+$0x0];
	_ =	sdelay $0x4  }
0x216: {  	v0 =	vshrl.u32 v0, $0x10;
	v1 =	vand.u32 $0xFFFF0000, v1  }
0x217: {  	v0 =	vor.u32 v0, v1  }
0x218: {  	[tilespmem:s22+$0x7D80] =	vst v0  }
0x219: {  	v0 =	vld [tilespmem:s21+$0xFFFFFFD0]  }
0x21a: {  	v1 =	vld [tilespmem:s21+$0x10];
	_ =	sdelay $0x4  }
0x21b: {  	v0 =	vshrl.u32 v0, $0x10;
	v1 =	vand.u32 $0xFFFF0000, v1  }
0x21c: {  	v0 =	vor.u32 v0, v1  }
0x21d: {  	[tilespmem:s22+$0x7D90] =	vst v0  }
0x21e: {  	v0 =	vld [tilespmem:s21+$0xFFFFFFE0]  }
0x21f: {  	v1 =	vld [tilespmem:s21+$0x20];
	_ =	sdelay $0x4  }
0x220: {  	v0 =	vshrl.u32 v0, $0x10;
	v1 =	vand.u32 $0xFFFF0000, v1  }
0x221: {  	v0 =	vor.u32 v0, v1  }
0x222: {  	[tilespmem:s22+$0x7DA0] =	vst v0  }
0x223: {  	v0 =	vld [tilespmem:s21+$0xFFFFFFF0]  }
0x224: {  	v1 =	vld [tilespmem:s21+$0x30];
	_ =	sdelay $0x4  }
0x225: {  	v0 =	vshrl.u32 v0, $0x10;
	v1 =	vand.u32 $0xFFFF0000, v1  }
0x226: {  	v0 =	vor.u32 v0, v1  }
0x227: {  	[tilespmem:s22+$0x7DB0] =	vst v0  }
0x228: {  	v0 =	vld [tilespmem:s21+$0x40]  }
0x229: {  	v1 =	vld [tilespmem:s21+$0x80];
	_ =	sdelay $0x4  }
0x22a: {  	v0 =	vshrl.u32 v0, $0x10;
	v1 =	vand.u32 $0xFFFF0000, v1  }
0x22b: {  	v0 =	vor.u32 v0, v1  }
0x22c: {  	[tilespmem:s22+$0x7DC0] =	vst v0  }
0x22d: {  	v0 =	vld [tilespmem:s21+$0x50]  }
0x22e: {  	v1 =	vld [tilespmem:s21+$0x90];
	_ =	sdelay $0x4  }
0x22f: {  	v0 =	vshrl.u32 v0, $0x10;
	v1 =	vand.u32 $0xFFFF0000, v1  }
0x230: {  	v0 =	vor.u32 v0, v1  }
0x231: {  	[tilespmem:s22+$0x7DD0] =	vst v0  }
0x232: {  	v0 =	vld [tilespmem:s21+$0x60]  }
0x233: {  	v1 =	vld [tilespmem:s21+$0xA0];
	_ =	sdelay $0x4  }
0x234: {  	v0 =	vshrl.u32 v0, $0x10;
	v1 =	vand.u32 $0xFFFF0000, v1  }
0x235: {  	v0 =	vor.u32 v0, v1  }
0x236: {  	[tilespmem:s22+$0x7DE0] =	vst v0  }
0x237: {  	v0 =	vld [tilespmem:s21+$0x70]  }
0x238: {  	v1 =	vld [tilespmem:s21+$0xB0];
	_ =	sdelay $0x4  }
0x239: {  	v0 =	vshrl.u32 v0, $0x10;
	v1 =	vand.u32 $0xFFFF0000, v1  }
0x23a: {  	v0 =	vor.u32 v0, v1  }
0x23b: {  	[tilespmem:s22+$0x7DF0] =	vst v0  }
0x23c: {  	v0 =	vld [tilespmem:s21+$0xC0]  }
0x23d: {  	v1 =	vld [tilespmem:s21+$0x100];
	_ =	sdelay $0x4  }
0x23e: {  	v0 =	vshrl.u32 v0, $0x10;
	v1 =	vand.u32 $0xFFFF0000, v1  }
0x23f: {  	v0 =	vor.u32 v0, v1  }
0x240: {  	[tilespmem:s22+$0x7E00] =	vst v0  }
0x241: {  	v0 =	vld [tilespmem:s21+$0xD0]  }
0x242: {  	v1 =	vld [tilespmem:s21+$0x110];
	_ =	sdelay $0x4  }
0x243: {  	s24 =	simm.s32 $0x500;
	s23 =	simm.s32 $0x140;
	v0 =	vshrl.u32 v0, $0x10;
	v1 =	vand.u32 $0xFFFF0000, v1  }
.LBB2_9:
0x244: {  	p0 =	sne.s32 s24, $0x7800  }
0x245: {  	v0 =	vor.u32 v0, v1;
	s21 =	sadd.s32 $0x280, s21;
	s25 =	smov.u32 s24;
	s24 =	sadd.s32 $0x500, s24  }
0x246: {  	[tilespmem:s22+$0x7E10] =	vst v0  }
0x247: {  	v0 =	vld [tilespmem:s23+$0xE0]  }
0x248: {  	v1 =	vld [tilespmem:s23+$0x120];
	_ =	sdelay $0x3  }
0x249: {  	v0 =	vshrl.u32 v0, $0x10  }
0x24a: {  	v1 =	vand.u32 $0xFFFF0000, v1  }
0x24b: {  	v0 =	vor.u32 v0, v1  }
0x24c: {  	[tilespmem:s22+$0x7E20] =	vst v0  }
0x24d: {  	v0 =	vld [tilespmem:s23+$0xF0]  }
0x24e: {  	v1 =	vld [tilespmem:s23+$0x130];
	s23 =	smov.u32 s21;
	_ =	sdelay $0x3  }
0x24f: {  	v0 =	vshrl.u32 v0, $0x10  }
0x250: {  	v1 =	vand.u32 $0xFFFF0000, v1  }
0x251: {  	v0 =	vor.u32 v0, v1  }
0x252: {  	[tilespmem:s22+$0x7E30] =	vst v0  }
0x253: {  	v0 =	vld [tilespmem:s21+$0xFFFFFEC0]  }
0x254: {  	v1 =	vld [tilespmem:s21+$0xFFFFFF00];
	_ =	sdelay $0x4  }
0x255: {  	v0 =	vshrl.u32 v0, $0x10;
	v1 =	vand.u32 $0xFFFF0000, v1  }
0x256: {  	s22 =	sshra.s32 s25, $0x2;
	v0 =	vor.u32 v0, v1  }
0x257: {  	[tilespmem:s22+$0x7D00] =	vst v0  }
0x258: {  	v0 =	vld [tilespmem:s21+$0xFFFFFED0]  }
0x259: {  	v1 =	vld [tilespmem:s21+$0xFFFFFF10];
	_ =	sdelay $0x3  }
0x25a: {  	v0 =	vshrl.u32 v0, $0x10  }
0x25b: {  	v1 =	vand.u32 $0xFFFF0000, v1  }
0x25c: {  	v0 =	vor.u32 v0, v1  }
0x25d: {  	[tilespmem:s22+$0x7D10] =	vst v0  }
0x25e: {  	v0 =	vld [tilespmem:s21+$0xFFFFFEE0]  }
0x25f: {  	v1 =	vld [tilespmem:s21+$0xFFFFFF20];
	_ =	sdelay $0x3  }
0x260: {  	v0 =	vshrl.u32 v0, $0x10  }
0x261: {  	v1 =	vand.u32 $0xFFFF0000, v1  }
0x262: {  	v0 =	vor.u32 v0, v1  }
0x263: {  	[tilespmem:s22+$0x7D20] =	vst v0  }
0x264: {  	v0 =	vld [tilespmem:s21+$0xFFFFFEF0]  }
0x265: {  	v1 =	vld [tilespmem:s21+$0xFFFFFF30];
	_ =	sdelay $0x3  }
0x266: {  	v0 =	vshrl.u32 v0, $0x10  }
0x267: {  	v1 =	vand.u32 $0xFFFF0000, v1  }
0x268: {  	v0 =	vor.u32 v0, v1  }
0x269: {  	[tilespmem:s22+$0x7D30] =	vst v0  }
0x26a: {  	v0 =	vld [tilespmem:s21+$0xFFFFFF40]  }
0x26b: {  	v1 =	vld [tilespmem:s21+$0xFFFFFF80];
	_ =	sdelay $0x3  }
0x26c: {  	v0 =	vshrl.u32 v0, $0x10  }
0x26d: {  	v1 =	vand.u32 $0xFFFF0000, v1  }
0x26e: {  	v0 =	vor.u32 v0, v1  }
0x26f: {  	[tilespmem:s22+$0x7D40] =	vst v0  }
0x270: {  	v0 =	vld [tilespmem:s21+$0xFFFFFF50]  }
0x271: {  	v1 =	vld [tilespmem:s21+$0xFFFFFF90];
	_ =	sdelay $0x3  }
0x272: {  	v0 =	vshrl.u32 v0, $0x10  }
0x273: {  	v1 =	vand.u32 $0xFFFF0000, v1  }
0x274: {  	v0 =	vor.u32 v0, v1  }
0x275: {  	[tilespmem:s22+$0x7D50] =	vst v0  }
0x276: {  	v0 =	vld [tilespmem:s21+$0xFFFFFF60]  }
0x277: {  	v1 =	vld [tilespmem:s21+$0xFFFFFFA0];
	_ =	sdelay $0x3  }
0x278: {  	v0 =	vshrl.u32 v0, $0x10  }
0x279: {  	v1 =	vand.u32 $0xFFFF0000, v1  }
0x27a: {  	v0 =	vor.u32 v0, v1  }
0x27b: {  	[tilespmem:s22+$0x7D60] =	vst v0  }
0x27c: {  	v0 =	vld [tilespmem:s21+$0xFFFFFF70]  }
0x27d: {  	v1 =	vld [tilespmem:s21+$0xFFFFFFB0];
	_ =	sdelay $0x3  }
0x27e: {  	v0 =	vshrl.u32 v0, $0x10  }
0x27f: {  	v1 =	vand.u32 $0xFFFF0000, v1  }
0x280: {  	v0 =	vor.u32 v0, v1  }
0x281: {  	[tilespmem:s22+$0x7D70] =	vst v0  }
0x282: {  	v0 =	vld [tilespmem:s21+$0xFFFFFFC0]  }
0x283: {  	v1 =	vld [tilespmem:s21+$0x0];
	_ =	sdelay $0x3  }
0x284: {  	v0 =	vshrl.u32 v0, $0x10  }
0x285: {  	v1 =	vand.u32 $0xFFFF0000, v1  }
0x286: {  	v0 =	vor.u32 v0, v1  }
0x287: {  	[tilespmem:s22+$0x7D80] =	vst v0  }
0x288: {  	v0 =	vld [tilespmem:s21+$0xFFFFFFD0]  }
0x289: {  	v1 =	vld [tilespmem:s21+$0x10];
	_ =	sdelay $0x3  }
0x28a: {  	v0 =	vshrl.u32 v0, $0x10  }
0x28b: {  	v1 =	vand.u32 $0xFFFF0000, v1  }
0x28c: {  	v0 =	vor.u32 v0, v1  }
0x28d: {  	[tilespmem:s22+$0x7D90] =	vst v0  }
0x28e: {  	v0 =	vld [tilespmem:s21+$0xFFFFFFE0]  }
0x28f: {  	v1 =	vld [tilespmem:s21+$0x20];
	_ =	sdelay $0x3  }
0x290: {  	v0 =	vshrl.u32 v0, $0x10  }
0x291: {  	v1 =	vand.u32 $0xFFFF0000, v1  }
0x292: {  	v0 =	vor.u32 v0, v1  }
0x293: {  	[tilespmem:s22+$0x7DA0] =	vst v0  }
0x294: {  	v0 =	vld [tilespmem:s21+$0xFFFFFFF0]  }
0x295: {  	v1 =	vld [tilespmem:s21+$0x30];
	_ =	sdelay $0x3  }
0x296: {  	v0 =	vshrl.u32 v0, $0x10  }
0x297: {  	v1 =	vand.u32 $0xFFFF0000, v1  }
0x298: {  	v0 =	vor.u32 v0, v1  }
0x299: {  	[tilespmem:s22+$0x7DB0] =	vst v0  }
0x29a: {  	v0 =	vld [tilespmem:s21+$0x40]  }
0x29b: {  	v1 =	vld [tilespmem:s21+$0x80];
	_ =	sdelay $0x3  }
0x29c: {  	v0 =	vshrl.u32 v0, $0x10  }
0x29d: {  	v1 =	vand.u32 $0xFFFF0000, v1  }
0x29e: {  	v0 =	vor.u32 v0, v1  }
0x29f: {  	[tilespmem:s22+$0x7DC0] =	vst v0  }
0x2a0: {  	v0 =	vld [tilespmem:s21+$0x50]  }
0x2a1: {  	v1 =	vld [tilespmem:s21+$0x90];
	_ =	sdelay $0x3  }
0x2a2: {  	v0 =	vshrl.u32 v0, $0x10  }
0x2a3: {  	v1 =	vand.u32 $0xFFFF0000, v1  }
0x2a4: {  	v0 =	vor.u32 v0, v1  }
0x2a5: {  	[tilespmem:s22+$0x7DD0] =	vst v0  }
0x2a6: {  	v0 =	vld [tilespmem:s21+$0x60]  }
0x2a7: {  	v1 =	vld [tilespmem:s21+$0xA0];
	_ =	sdelay $0x3  }
0x2a8: {  	v0 =	vshrl.u32 v0, $0x10  }
0x2a9: {  	v1 =	vand.u32 $0xFFFF0000, v1  }
0x2aa: {  	v0 =	vor.u32 v0, v1  }
0x2ab: {  	[tilespmem:s22+$0x7DE0] =	vst v0  }
0x2ac: {  	v0 =	vld [tilespmem:s21+$0x70]  }
0x2ad: {  	v1 =	vld [tilespmem:s21+$0xB0];
	_ =	sdelay $0x3  }
0x2ae: {  	v0 =	vshrl.u32 v0, $0x10  }
0x2af: {  	v1 =	vand.u32 $0xFFFF0000, v1  }
0x2b0: {  	v0 =	vor.u32 v0, v1  }
0x2b1: {  	[tilespmem:s22+$0x7DF0] =	vst v0  }
0x2b2: {  	v0 =	vld [tilespmem:s21+$0xC0]  }
0x2b3: {  	v1 =	vld [tilespmem:s21+$0x100];
	_ =	sdelay $0x3  }
0x2b4: {  	v0 =	vshrl.u32 v0, $0x10  }
0x2b5: {  	v1 =	vand.u32 $0xFFFF0000, v1  }
0x2b6: {  	v0 =	vor.u32 v0, v1  }
0x2b7: {  	[tilespmem:s22+$0x7E00] =	vst v0  }
0x2b8: {  	v0 =	vld [tilespmem:s21+$0xD0]  }
0x2b9: {  	v1 =	vld [tilespmem:s21+$0x110]  }
.Ltmp4:
0x2ba: {  	(pc) =	sbr.rel @p0 .LBB2_9-.Ltmp4, $3  }
0x2bb: {  	_ =	sdelay $0x1  }
0x2bc: {  	v0 =	vshrl.u32 v0, $0x10  }
0x2bd: {  	v1 =	vand.u32 $0xFFFF0000, v1  }
0x2be: {  	v0 =	vor.u32 v0, v1  }
0x2bf: {  	[tilespmem:s22+$0x7E10] =	vst v0  }
0x2c0: {  	v0 =	vld [tilespmem:s23+$0xE0]  }
0x2c1: {  	v62 =	vld [tilespmem:s23+$0x120];
	_ =	sdelay $0x4  }
0x2c2: {  	v0 =	vshrl.u32 v0, $0x10;
	v1 =	vand.u32 $0xFFFF0000, v62  }
0x2c3: {  	v0 =	vor.u32 v0, v1  }
0x2c4: {  	[tilespmem:s22+$0x7E20] =	vst v0  }
0x2c5: {  	v0 =	vld [tilespmem:s23+$0xF0]  }
0x2c6: {  	v63 =	vld [tilespmem:s23+$0x130];
	_ =	sdelay $0x4  }
0x2c7: {  	v0 =	vshrl.u32 v0, $0x10;
	v1 =	vand.u32 $0xFFFF0000, v63  }
0x2c8: {  	v0 =	vor.u32 v0, v1  }
0x2c9: {  	s20 =	sadd.s32 $0x1, s20;
	[tilespmem:s22+$0x7E30] =	vst v0  }
0x2ca: {  	[hbm4b:s11+s3] =	stream.linear.scatter [tilespmem:s15], [sflag:$0x3], $0x1F40, $0x38;
	[tilespmem:$0xBB80] =	vst v63  }
0x2cb: {  	p0 =	sne.s32 s20, s12;
	_ =	swait.ge [sflag:s18], $0x1F40  }
.Ltmp5:
0x2cc: {  	[sflag:s18] =	ssyncset.done $0x0;
	(pc) =	sbr.rel @p0 .LBB2_1-.Ltmp5, $4  }
0x2cd: {  	[sflag:s18] =	ssyncadd.s32 $0xFFFFE0C0  }
0x2ce: {  	_ =	swait.ge [sflag:s19], $0x1F40  }
0x2cf: {  	[sflag:s19] =	ssyncset.done $0x0  }
0x2d0: {  	[sflag:s19] =	ssyncadd.s32 $0xFFFFE0C0  }
0x2d1: {  	_ =	sfence.sel $0x180000  }
0x2d2: {  	[bflag:$0x0] =	sbarrier.arrive $0xFFFF  }
0x2d3: {  	p0 =	sne.s32 s0, $0x0;
	_ =	strace $0x90000047  }
0x2d4: {  	s0 =	sadd.s32 @!p0 $0x100000, s1;
	[bflag:$0x2] =	sbarrier.arrive $0xFFFF  }
0x2d5: {  	[sflag:s0] =	ssyncadd.tile.s32 @!p0 $0x1;
	_ =	shalt  }
.Lfunc_end2:
_tile_overlayer_lowered:
.L_overlay_start_2:
0x2d6: {  	(tag) =	ssettag $0x2  }
0x2d7: {  	s0 =	rddreg [dreg:$0x0];
	s2 =	stileid.u32  }
0x2d8: {  	s1 =	rddreg [dreg:$0x1];
	p0 =	sne.s32 s2, $0x0  }
0x2d9: {  	s3 =	rddreg [dreg:$0x2];
	[bflag:$0x3] =	sbarrier.arrive $0xFFFF;
	s2 =	simm.s32 @!p0 $0x1C05  }
0x2da: {  	[timem:s3], [sflag:s2] =	dma.local @!p0 [hbm:s0], s1  }
0x2db: {  	s0 =	simm.s32 @!p0 $0x5  }
0x2dc: {  	_ =	swait.ge @!p0 [sflag:s0], s1  }
0x2dd: {  	s1 =	ssub.s32 @!p0 $0x0, s1;
	[sflag:s0] =	ssyncset.done @!p0 $0x0  }
0x2de: {  	[sflag:s0] =	ssyncadd.s32 @!p0 s1  }
0x2df: {  	[bflag:$0x3] =	sbarrier.arrive $0xFFFF  }
0x2e0: {  	_ =	shalt  }

// kernel: kernel.7.cloned.1.call-start
scs
__scs_entry_jumppad:
0x0: {  	(pc) =	sbr.rel $0x88, $3  }
0x1: {  	(tag) =	ssettag $0x0;
	lr =	simm.s32 $0x1  }
0x2: {  	[smem:$0x3F9F] =	sst lr;
	_ =	strace $0xD0000000  }
0x3: {  	_ = 	snop  }
0x4: {  	_ = 	snop  }
0x5: {  	_ = 	snop  }
0x6: {  	_ = 	snop  }
0x7: {  	_ = 	snop  }
__scs_overlays_trampoline_lowered:
0x8: {  	[smem:$0x3FAE] =	sst s0  }
0x9: {  	[smem:$0x3FAF] =	sst s1  }
0xa: {  	[smem:$0x3FB0] =	sst s2  }
0xb: {  	[smem:$0x3FB1] =	sst s3  }
0xc: {  	[smem:$0x3FB2] =	sst s4  }
0xd: {  	[smem:$0x3FB3] =	sst s5  }
0xe: {  	[smem:$0x3FB4] =	sst s6  }
0xf: {  	[smem:$0x3FB5] =	sst s7  }
0x10: {  	[smem:$0x3FB6] =	sst s8  }
0x11: {  	[smem:$0x3FB7] =	sst s9;
	s0 =	simm.s32 @!p0 $0x0  }
0x12: {  	s1 =	sld [smem:$0x3F9D];
	s0 =	simm.s32 @p0 $0x1  }
0x13: {  	[smem:$0x3FB8] =	sst s0;
	s0 =	simm.s32 @!p1 $0x0  }
0x14: {  	s2 =	sld [smem:$0x3F9C];
	s0 =	simm.s32 @p1 $0x1  }
0x15: {  	[smem:$0x3FB9] =	sst s0;
	s0 =	simm.s32 @!p2 $0x0  }
0x16: {  	s3 =	sld [smem:$0x3FDB];
	s0 =	simm.s32 @p2 $0x1  }
0x17: {  	s4 =	simm.s32 $0x1BF5;
	[smem:$0x3FBB] =	sst s0  }
0x18: {  	s0 =	sld [smem:$0x3F9E];
	_ =	swait.ge [sflag:s4], $0x0  }
0x19: {  	s7 =	sld [smem:$0x3F9F]  }
0x1a: {  	s8 =	sadd.s32 $0xFFFFE003, lr  }
0x1b: {  	s9 =	sadd.s32 $0xFFFFFEF7, lr;
	s5 =	simm.s32 $0xFFFFFFFF;
	p2 =	slt.u32 s8, $0xFFFFF086  }
0x1c: {  	p1 =	slt.u32 s9, $0xF7A;
	s5 =	simm.s32 @!p2 $0x0  }
0x1d: {  	s5 =	simm.s32 @p1 $0x1;
	p0 =	seq.s32 s7, s2  }
0x1e: {  	s7 =	smul.u32 @!p0 $0xF7A, s2;
	p2 =	seq.s32 @!p0 s5, $0x0  }
0x1f: {  	s9 =	smul.u32 $0xF7A, s1;
	s8 =	simm.s32 @!p0 $0x1BF5;
	p2 =	por !p2, p0  }
0x20: {  	[sflag:s8] =	ssyncset.s32 @!p0 $0xFFFFF086;
	s6 =	sadd.s32 @!p0 s3, s7;
	s7 =	simm.s32 @!p0 $0x108  }
0x21: {  	s3 =	sadd.s32 s3, s9;
	s6 =	sadd.s32 @!p0 $0x88, s6;
	s7 =	simm.s32 @p2 $0x1082  }
0x22: {  	[simem:s7], [sflag:s8] =	dma.local @!p0 [hbm:s6], $0xF7A  }
0x23: {  	s9 =	sor.u32 $0xD0000000, s2;
	s6 =	simm.s32 $0x108;
	_ =	swait.ge @!p0 [sflag:s8], $0x0  }
0x24: {  	s3 =	sadd.s32 $0x88, s3;
	s6 =	simm.s32 @!p1 $0x1082;
	[sflag:s4] =	ssyncset.s32 $0xFFFFF086  }
0x25: {  	[simem:s6], [sflag:s4] =	dma.local [hbm:s3], $0xF7A  }
0x26: {  	[smem:$0x3F9F] =	sst s1;
	(tag) =	ssettag s2;
	_ =	strace s9  }
0x27: {  	s1 =	sld [smem:$0x3FAF]  }
0x28: {  	s2 =	sld [smem:$0x3FB0]  }
0x29: {  	s4 =	sld [smem:$0x3FB2]  }
0x2a: {  	p0 =	seq.s32 s5, $0x0;
	s5 =	sld [smem:$0x3FB3]  }
0x2b: {  	s6 =	sld [smem:$0x3FB4]  }
0x2c: {  	s7 =	sld [smem:$0x3FB5]  }
0x2d: {  	s3 =	simm.s32 $0x108;
	s8 =	sld [smem:$0x3FB6]  }
0x2e: {  	s3 =	simm.s32 @!p0 $0x1082;
	s9 =	sld [smem:$0x3FB7]  }
0x2f: {  	lr =	sadd.s32 s0, s3;
	s0 =	sld [smem:$0x3FAE]  }
0x30: {  	s3 =	sld [smem:$0x3FB1]  }
0x31: {  	[smem:$0x3FBA] =	sst s10  }
0x32: {  	s10 =	sld [smem:$0x3FB8];
	_ =	sdelay $0x3  }
0x33: {  	p0 =	seq.s32 s10, $0x1;
	s10 =	sld [smem:$0x3FBA];
	_ =	sdelay $0x3  }
0x34: {  	[smem:$0x3FBA] =	sst s10  }
0x35: {  	s10 =	sld [smem:$0x3FB9];
	_ =	sdelay $0x3  }
0x36: {  	p1 =	seq.s32 s10, $0x1;
	s10 =	sld [smem:$0x3FBA];
	_ =	sdelay $0x3  }
0x37: {  	[smem:$0x3FBA] =	sst s10  }
0x38: {  	s10 =	sld [smem:$0x3FBB]  }
0x39: {  	_ = 	snop;
	(pc) =	sbr.ind lr, $3  }
0x3a: {  	_ = 	snop  }
0x3b: {  	_ = 	snop  }
0x3c: {  	p2 =	seq.s32 s10, $0x1;
	s10 =	sld [smem:$0x3FBA]  }
0x3d: {  	_ =	shalt  }
0x3e: {  	_ =	shalt  }
0x3f: {  	_ =	shalt  }
0x40: {  	_ =	shalt  }
0x41: {  	_ =	shalt  }
0x42: {  	_ =	shalt  }
0x43: {  	_ =	shalt  }
0x44: {  	_ =	shalt  }
0x45: {  	_ =	shalt  }
0x46: {  	_ =	shalt  }
0x47: {  	_ =	shalt  }
0x48: {  	_ =	shalt  }
0x49: {  	_ =	shalt  }
0x4a: {  	_ =	shalt  }
0x4b: {  	_ =	shalt  }
0x4c: {  	_ =	shalt  }
0x4d: {  	_ =	shalt  }
0x4e: {  	_ =	shalt  }
0x4f: {  	_ =	shalt  }
0x50: {  	_ =	shalt  }
0x51: {  	_ =	shalt  }
0x52: {  	_ =	shalt  }
0x53: {  	_ =	shalt  }
0x54: {  	_ =	shalt  }
0x55: {  	_ =	shalt  }
0x56: {  	_ =	shalt  }
0x57: {  	_ =	shalt  }
0x58: {  	_ =	shalt  }
0x59: {  	_ =	shalt  }
0x5a: {  	_ =	shalt  }
0x5b: {  	_ =	shalt  }
0x5c: {  	_ =	shalt  }
0x5d: {  	_ =	shalt  }
0x5e: {  	_ =	shalt  }
0x5f: {  	_ =	shalt  }
0x60: {  	_ =	shalt  }
0x61: {  	_ =	shalt  }
0x62: {  	_ =	shalt  }
0x63: {  	_ =	shalt  }
0x64: {  	_ =	shalt  }
0x65: {  	_ =	shalt  }
0x66: {  	_ =	shalt  }
0x67: {  	_ =	shalt  }
0x68: {  	_ =	shalt  }
0x69: {  	_ =	shalt  }
0x6a: {  	_ =	shalt  }
0x6b: {  	_ =	shalt  }
0x6c: {  	_ =	shalt  }
0x6d: {  	_ =	shalt  }
0x6e: {  	_ =	shalt  }
0x6f: {  	_ =	shalt  }
0x70: {  	_ =	shalt  }
0x71: {  	_ =	shalt  }
0x72: {  	_ =	shalt  }
0x73: {  	_ =	shalt  }
0x74: {  	_ =	shalt  }
0x75: {  	_ =	shalt  }
0x76: {  	_ =	shalt  }
0x77: {  	_ =	shalt  }
0x78: {  	_ =	shalt  }
0x79: {  	_ =	shalt  }
0x7a: {  	_ =	shalt  }
0x7b: {  	_ =	shalt  }
0x7c: {  	_ =	shalt  }
0x7d: {  	_ =	shalt  }
0x7e: {  	_ =	shalt  }
0x7f: {  	_ =	shalt  }
0x80: {  	_ =	shalt  }
0x81: {  	_ =	shalt  }
0x82: {  	_ =	shalt  }
0x83: {  	_ =	shalt  }
0x84: {  	_ =	shalt  }
0x85: {  	_ =	shalt  }
0x86: {  	_ =	shalt  }
0x87: {  	_ =	shalt  }
.Lfunc_end0:
.L_simem_size_0:
called_computation.1_lowered:
.L_overlay_start_0:
0x88: {  	s2 =	sld [smem:$0x3FD9]  }
0x89: {  	s3 =	sld [smem:$0x3FFE];
	_ =	sdelay $0x1  }
0x8a: {  	s1 =	srdreg.scid  }
0x8b: {  	s0 =	sand.u32 $0x1, s1  }
0x8c: {  	s17 =	sshll.u32 s0, $0xA;
	s2 =	sadd.s32 s3, s2  }
0x8d: {  	s2 =	sadd.s32 s2, s17  }
0x8e: {  	[smem:$0x3FC6] =	sst s2  }
0x8f: {  	_ = 	snop  }
0x90: {  	s2 =	sld [smem:$0x3FD0];
	(tm) =	ssettm $0x1  }
0x91: {  	s18 =	sld [smem:$0x3FFB];
	_ =	sdelay $0x3  }
0x92: {  	_ =	strace s18  }
0x93: {  	s3 =	sld [smem:$0x3FFC];
	_ =	sdelay $0x3  }
0x94: {  	_ =	strace s3  }
0x95: {  	s3 =	sld [smem:$0x3FFD];
	_ =	sdelay $0x3  }
0x96: {  	_ =	strace s3  }
0x97: {  	_ =	strace $0x8FFFFFFF  }
0x98: {  	s19 =	sld [smem:$0x3FDB];
	_ =	sdelay $0x1  }
0x99: {  	s4 =	simm.s32 $_scs_section_size  }
0x9a: {  	s5 =	simm.s32 $_size__tile_overlayer_lowered;
	s6 =	simm.s32 $_tile_overlayer_lowered  }
0x9b: {  	s22 =	simm.s32 $0x1BFF;
	s21 =	sshll.u32 s6, $0x1;
	s3 =	sadd.s32 s4, s19  }
0x9c: {  	s7 =	simm.s32 $0x0;
	s20 =	sshll.u32 s5, $0x1;
	s5 =	sadd.s32 s21, s3  }
0x9d: {  	[timem:s7], [sflag:s22] =	dma.local [hbm:s5], s20  }
0x9e: {  	_ =	swait.ge [sflag:s22], s20  }
0x9f: {  	s4 =	ssub.s32 $0x0, s20;
	[sflag:s22] =	ssyncset.done $0x0  }
0xa0: {  	[sflag:s22] =	ssyncadd.s32 s4;
	_ =	sdelay $0x1  }
0xa1: {  	s23 =	simm.s32 $0x1B8B  }
0xa2: {  	_ =	swait.ge [sflag:s23], $0x1  }
0xa3: {  	[sflag:s23] =	ssyncset.done $0x0  }
0xa4: {  	s25 =	simm.s32 $0x1B8E;
	s24 =	sld [smem:$0x3FFE];
	[sflag:s23] =	ssyncadd.s32 $0xFFFFFFFF  }
0xa5: {  	s26 =	simm.s32 $execute0_lowered;
	[smem:$0x3FD2] =	sst s25  }
0xa6: {  	s5 =	sshll.u32 s26, $0x1;
	_ =	strace $0x80000049;
	[dreg:$0x1] =	wrdreg $0xFFFFFFFF  }
0xa7: {  	s28 =	simm.s32 $_size_execute0_lowered;
	s3 =	sadd.s32 s3, s5;
	[dreg:$0x0] =	wrdreg $0x0  }
0xa8: {  	s5 =	sshll.u32 s28, $0x1;
	[dreg:$0x2] =	wrdreg s3  }
0xa9: {  	[dreg:$0x3] =	wrdreg s5  }
0xaa: {  	[dreg:$0x4] =	wrdreg $0xC0  }
0xab: {  	_ =	task [dreg:s7], $0x5FFFF  }
0xac: {  	[dreg:$0x1] =	wrdreg $0xFFFFFFFF  }
0xad: {  	[dreg:$0x0] =	wrdreg $0x60  }
0xae: {  	[dreg:$0x2] =	wrdreg s24  }
0xaf: {  	[dreg:$0x3] =	wrdreg s2  }
0xb0: {  	[dreg:$0x4] =	wrdreg $0x9  }
0xb1: {  	_ =	task.clear_ibuf [dreg:s7], $0x5FFFF;
	_ =	strace $0x90000049  }
0xb2: {  	s29 =	simm.s32 $0x9;
	_ =	strace $0x8000004B  }
0xb3: {  	_ =	swait.ge [sflag:s29], $0x1  }
0xb4: {  	[sflag:s29] =	ssyncadd.s32 $0xFFFFFFFF  }
0xb5: {  	_ =	strace $0x9000004B  }
0xb6: {  	_ =	sfence  }
0xb7: {  	s30 =	sld [smem:$0x0];
	_ =	sdelay $0x2  }
0xb8: {  	s31 =	sshll.u32 s1, $0xD;
	s1 =	sshrl.u32 s1, $0x2  }
0xb9: {  	s3 =	sand.u32 $0x4000, s31;
	s1 =	sadd.s32 s1, s30  }
0xba: {  	s0 =	sor.u32 s3, s0;
	s1 =	sshll.u32 s1, $0x11  }
0xbb: {  	s0 =	sor.u32 s1, s0  }
0xbc: {  	s0 =	sadd.s32 $0x8F2B, s0  }
0xbd: {  	[sflag:s0] =	ssyncadd.remote.s32 $0x1  }
0xbe: {  	_ =	sfence.sel $0xFFFF  }
0xbf: {  	[dreg:$0x0] =	wrdreg $0xFFFFFFFF;
	(pc) =	sbr.abs _section_cstart, $3  }
0xc0: {  	[dreg:$0x1] =	wrdreg $0xFFFFFFFF  }
0xc1: {  	_ =	task.clear_ibuf [dreg:s7], $0x2FFFF;
	_ =	strace $0x9FFFFFFF  }
0xc2: {  	(tm) =	ssettm $0x7FFFFFFF  }
0xc3: {  	_ =	shalt  }
tec
execute0_lowered:
.L_overlay_start_1:
0x0: {  	(tag) =	ssettag $0x1  }
0x1: {  	s3 =	rddreg [dreg:$0x0];
	s1 =	srdreg.scid  }
0x2: {  	s0 =	stileid.u32;
	s5 =	rddreg [dreg:$0x1];
	s2 =	simm.s32 $0x0  }
0x3: {  	s9 =	simm.s32 $0x6400;
	s10 =	simm.s32 $0x60;
	s11 =	simm.s32 $0x7E00  }
0x4: {  	s12 =	simm.s32 $0xC8;
	s13 =	simm.s32 $0x9600;
	s14 =	simm.s32 $0x130  }
0x5: {  	s15 =	simm.s32 $0xB000;
	s16 =	simm.s32 $0x1;
	s17 =	simm.s32 $0x2  }
0x6: {  	s18 =	simm.s32 $0xC800;
	s4 =	sand.u32 $0x1, s1;
	s1 =	rddreg [dreg:$0x2]  }
0x7: {  	s19 =	simm.s32 $0x0;
	s6 =	sshll.u32 s0, $0x1;
	[smem:$0x7FF] =	sst s2  }
.Ltmp0:
0x8: {  	s6 =	sor.u32 s4, s6;
	s4 =	ssub.s32 $0x2, s4;
	(pc) =	sbr.rel .LBB2_1-.Ltmp0, $4  }
0x9: {  	s7 =	smul.u32 $0xC80, s6;
	s8 =	sshrl.u32 s4, $0x1;
	s6 =	sshll.u32 s6, $0xB  }
0xa: {  	_ =	strace $0x8000004A;
	s8 =	ssub.s32 s4, s8;
	s5 =	sadd.s32 s5, s6  }
0xb: {  	s7 =	sadd.s32 s7, s3;
	s3 =	sadd.s32 $0xA00, s3;
	s6 =	smax.u32 s8, $0x1  }
0xc: {  	s8 =	simm.s32 $0x68;
	s4 =	sadd.s32 $0xC4000, s7;
	s7 =	simm.s32 $0x3  }
.LBB2_8:
0xd: {  	s19 =	sadd.s32 $0x1, s19  }
0xe: {  	p0 =	sne.s32 s19, s6  }
.Ltmp1:
0xf: {  	_ = 	snop;
	(pc) =	sbr.rel @!p0 .LBB2_9-.Ltmp1, $4  }
0x10: {  	[hbm4b:s5+s2] =	stream.linear.scatter [tilespmem:s18], [sflag:$0x3], $0x4000, $0x38;
	[tilespmem:$0x10800] =	vst v63  }
0x11: {  	_ =	swait.ge [sflag:s7], $0x4000  }
0x12: {  	[sflag:s7] =	ssyncset.done $0x0  }
0x13: {  	[sflag:s7] =	ssyncadd.s32 $0xFFFFC000  }
.LBB2_1:
0x14: {  	[tilespmem:s2], [sflag:$0x3] =	stream.linear.gather [hbm4b:s4+s2], $0x6400, $0x38;
	[tilespmem:$0x10800] =	vst v63  }
0x15: {  	_ =	swait.ge [sflag:s7], $0x6400  }
0x16: {  	[sflag:s7] =	ssyncset.done $0x0  }
0x17: {  	[sflag:s7] =	ssyncadd.s32 $0xFFFF9C00  }
0x18: {  	[tilespmem:s9], [sflag:$0x1] =	stream.indirect.gather [hbm4b:s3+s8], $0x40, s2, s8, $0xb8;
	[tilespmem:$0x10800] =	vst v63  }
0x19: {  	_ = 	snop  }
0x1a: {  	[tilespmem:s11], [sflag:$0x1] =	stream.indirect.gather [hbm4b:s3+s10], $0x40, s8, s10, $0xb8;
	[tilespmem:$0x10800] =	vst v63  }
0x1b: {  	_ = 	snop  }
0x1c: {  	[tilespmem:s13], [sflag:$0x2] =	stream.indirect.gather [hbm4b:s3+s8], $0x40, s12, s8, $0xb8;
	[tilespmem:$0x10800] =	vst v63  }
0x1d: {  	s20 =	simm.s32 $0x0  }
0x1e: {  	[tilespmem:s15], [sflag:$0x2] =	stream.indirect.gather [hbm4b:s3+s10], $0x40, s14, s10, $0xb8;
	[tilespmem:$0x10800] =	vst v63  }
.LBB2_2:
0x1f: {  	_ =	swait.ge [sflag:s16], $0x1A00  }
0x20: {  	[sflag:s16] =	ssyncset.done $0x0  }
0x21: {  	[sflag:s16] =	ssyncadd.s32 $0xFFFFE600  }
0x22: {  	_ =	swait.ge [sflag:s16], $0x1800  }
0x23: {  	[sflag:s16] =	ssyncset.done $0x0  }
0x24: {  	s21 =	simm.s32 $0x0;
	[sflag:s16] =	ssyncadd.s32 $0xFFFFE800  }
0x25: {  	v1 =	vld [tilespmem:s21+$0x6400]  }
0x26: {  	v2 =	vld [tilespmem:s21+$0x6410]  }
0x27: {  	v9 =	vld [tilespmem:s21+$0x6450]  }
0x28: {  	v3 =	vld [tilespmem:s21+$0x6440];
	_ =	sdelay $0x2  }
0x29: {  	v0 =	vimm.f32 $0.0e+00;
	v5 =	vld [tilespmem:s21+$0x6480];
	v6 =	vshll.u32 v1, $0x10  }
0x2a: {  	v4 =	vld [tilespmem:s21+$0x6490];
	v1 =	vadd.f32 v1, v0;
	v10 =	vadd.f32 v2, v0;
	v14 =	vshll.u32 v9, $0x10  }
0x2b: {  	v8 =	vld [tilespmem:s21+$0x64C0];
	v7 =	vadd.f32 v6, v0;
	v6 =	vshll.u32 v2, $0x10;
	v2 =	vshll.u32 v3, $0x10  }
0x2c: {  	v11 =	vadd.f32 v6, v0;
	v6 =	vld [tilespmem:s21+$0x64D0];
	v12 =	vadd.f32 v3, v1;
	v3 =	vimm.f32 $0.0e+00  }
0x2d: {  	s22 =	simm.s32 $0x400;
	v1 =	vimm.f32 $0.0e+00;
	v13 =	vadd.f32 v2, v7;
	v7 =	vld [tilespmem:s21+$0x6420];
	v2 =	vimm.f32 $0.0e+00  }
.LBB2_3:
0x2e: {  	p0 =	sne.s32 s22, $0xC400;
	v15 =	vld [tilespmem:s21+$0x6430];
	v11 =	vadd.f32 v14, v11;
	v9 =	vadd.f32 v9, v10;
	v10 =	vshll.u32 v5, $0x10  }
0x2f: {  	v14 =	vld [tilespmem:s21+$0x6460];
	v10 =	vadd.f32 v10, v13;
	v5 =	vadd.f32 v5, v12;
	v12 =	vshll.u32 v4, $0x10  }
0x30: {  	v13 =	vld [tilespmem:s21+$0x6470];
	v11 =	vadd.f32 v12, v11;
	v4 =	vadd.f32 v4, v9;
	v9 =	vshll.u32 v8, $0x10  }
0x31: {  	v12 =	vld [tilespmem:s21+$0x64A0];
	v10 =	vadd.f32 v9, v10;
	v8 =	vadd.f32 v8, v5;
	v5 =	vshll.u32 v6, $0x10  }
0x32: {  	v9 =	vshll.u32 v7, $0x10;
	v16 =	vld [tilespmem:s21+$0x64B0];
	v11 =	vadd.f32 v5, v11;
	v6 =	vadd.f32 v6, v4  }
0x33: {  	v2 =	vadd.f32 v7, v2;
	v0 =	vadd.f32 v9, v0;
	v4 =	vshll.u32 v15, $0x10;
	v7 =	vld [tilespmem:s21+$0x64E0]  }
0x34: {  	v1 =	vadd.f32 v15, v1;
	v3 =	vadd.f32 v4, v3;
	v4 =	vshll.u32 v14, $0x10;
	v15 =	vld [tilespmem:s21+$0x64F0];
	s21 =	sshra.s32 s22, $0x2  }
0x35: {  	v2 =	vadd.f32 v14, v2;
	v17 =	vld [tilespmem:s21+$0x6400];
	v0 =	vadd.f32 v4, v0;
	v4 =	vshll.u32 v13, $0x10  }
0x36: {  	v1 =	vadd.f32 v13, v1;
	v14 =	vld [tilespmem:s21+$0x6410];
	v3 =	vadd.f32 v4, v3;
	v4 =	vshll.u32 v12, $0x10  }
0x37: {  	v2 =	vadd.f32 v12, v2;
	v18 =	vld [tilespmem:s21+$0x6440];
	v0 =	vadd.f32 v4, v0;
	v4 =	vshll.u32 v16, $0x10  }
0x38: {  	v1 =	vadd.f32 v16, v1;
	v9 =	vld [tilespmem:s21+$0x6450];
	v3 =	vadd.f32 v4, v3;
	v4 =	vshll.u32 v7, $0x10  }
.Ltmp2:
0x39: {  	v2 =	vadd.f32 v7, v2;
	v5 =	vld [tilespmem:s21+$0x6480];
	v0 =	vadd.f32 v4, v0;
	v7 =	vshll.u32 v15, $0x10;
	(pc) =	sbr.rel @p0 .LBB2_3-.Ltmp2, $4  }
0x3a: {  	v1 =	vadd.f32 v15, v1;
	v12 =	vshll.u32 v17, $0x10;
	v4 =	vld [tilespmem:s21+$0x6490];
	v3 =	vadd.f32 v7, v3  }
0x3b: {  	v15 =	vadd.f32 v17, v8;
	v12 =	vadd.f32 v12, v10;
	v7 =	vshll.u32 v14, $0x10;
	v8 =	vld [tilespmem:s21+$0x64C0]  }
0x3c: {  	v10 =	vadd.f32 v14, v6;
	v11 =	vadd.f32 v7, v11;
	v13 =	vshll.u32 v18, $0x10;
	v6 =	vld [tilespmem:s21+$0x64D0]  }
0x3d: {  	s22 =	sadd.s32 $0x400, s22;
	v7 =	vld [tilespmem:s21+$0x6420];
	v13 =	vadd.f32 v13, v12;
	v12 =	vadd.f32 v18, v15;
	v14 =	vshll.u32 v9, $0x10  }
0x3e: {  	v11 =	vadd.f32 v14, v11;
	v14 =	vshll.u32 v5, $0x10  }
0x3f: {  	v15 =	vld [tilespmem:s21+$0x6430];
	v9 =	vadd.f32 v9, v10;
	v13 =	vadd.f32 v14, v13;
	v14 =	vshll.u32 v4, $0x10  }
0x40: {  	v10 =	vld [tilespmem:s21+$0x6460];
	v5 =	vadd.f32 v5, v12;
	v11 =	vadd.f32 v14, v11;
	v14 =	vshll.u32 v8, $0x10  }
0x41: {  	v12 =	vld [tilespmem:s21+$0x6470];
	v4 =	vadd.f32 v4, v9;
	v13 =	vadd.f32 v14, v13;
	v14 =	vshll.u32 v6, $0x10  }
0x42: {  	v5 =	vadd.f32 v8, v5;
	v11 =	vadd.f32 v14, v11  }
0x43: {  	v9 =	vld [tilespmem:s21+$0x64A0];
	v8 =	vshll.u32 v7, $0x10;
	v4 =	vadd.f32 v6, v4;
	v2 =	vadd.f32 v7, v2  }
0x44: {  	v14 =	vld [tilespmem:s21+$0x64B0];
	v0 =	vadd.f32 v8, v0;
	v6 =	vshll.u32 v15, $0x10;
	v1 =	vadd.f32 v15, v1  }
0x45: {  	v7 =	vld [tilespmem:s21+$0x64E0];
	v5 =	vmul.f32 $4.999999890e-03, v5;
	v3 =	vadd.f32 v6, v3;
	v6 =	vshll.u32 v10, $0x10  }
0x46: {  	v2 =	vadd.f32 v10, v2;
	v0 =	vadd.f32 v6, v0;
	v6 =	vshll.u32 v12, $0x10  }
0x47: {  	v8 =	vld [tilespmem:s21+$0x64F0];
	v4 =	vmul.f32 $4.999999890e-03, v4;
	v1 =	vadd.f32 v12, v1;
	v3 =	vadd.f32 v6, v3  }
0x48: {  	s31 =	sshll.u32 s20, $0x8;
	v6 =	vshll.u32 v9, $0x10;
	v2 =	vadd.f32 v9, v2;
	v9 =	vmul.f32 $4.999999890e-03, v13  }
0x49: {  	s21 =	sand.u32 $0x3FFFFF00, s31;
	v0 =	vadd.f32 v6, v0;
	v6 =	vshll.u32 v14, $0x10;
	v1 =	vadd.f32 v14, v1  }
0x4a: {  	[tilespmem:s21+$0xC840] =	vst v5;
	v3 =	vadd.f32 v6, v3;
	v6 =	vshll.u32 v7, $0x10;
	v2 =	vadd.f32 v7, v2  }
0x4b: {  	[tilespmem:s21+$0xC850] =	vst v4;
	v0 =	vadd.f32 v6, v0;
	v6 =	vmul.f32 $4.999999890e-03, v11  }
0x4c: {  	[tilespmem:s21+$0xC800] =	vst v9;
	v7 =	vshll.u32 v8, $0x10;
	v1 =	vadd.f32 v8, v1;
	v2 =	vmul.f32 $4.999999890e-03, v2  }
0x4d: {  	p0 =	seq.s32 s20, $0x3F;
	v3 =	vadd.f32 v7, v3;
	[tilespmem:s21+$0xC810] =	vst v6;
	v0 =	vmul.f32 $4.999999890e-03, v0  }
0x4e: {  	s22 =	smul.u32 @!p0 $0x640, s20;
	v1 =	vmul.f32 $4.999999890e-03, v1;
	[tilespmem:s21+$0xC860] =	vst v2  }
0x4f: {  	[tilespmem:s21+$0xC820] =	vst v0;
	v0 =	vmul.f32 $4.999999890e-03, v3  }
0x50: {  	s22 =	sshra.s32 @!p0 s22, $0x2;
	[tilespmem:s21+$0xC870] =	vst v1  }
0x51: {  	s24 =	simm.s32 @!p0 $0x68;
	s25 =	simm.s32 @!p0 $0x6400;
	s23 =	sadd.s32 @!p0 $0x190, s22;
	[tilespmem:s21+$0xC830] =	vst v0  }
0x52: {  	[tilespmem:s25], [sflag:$0x1] =	stream.indirect.gather @!p0 [hbm4b:s3+s24], $0x40, s23, s24, $0xb8;
	[tilespmem:$0x10800] =	vst v63  }
0x53: {  	s22 =	sadd.s32 @!p0 $0x1F8, s22;
	s23 =	simm.s32 @!p0 $0x60;
	s24 =	simm.s32 @!p0 $0x7E00  }
0x54: {  	[tilespmem:s24], [sflag:$0x1] =	stream.indirect.gather @!p0 [hbm4b:s3+s23], $0x40, s22, s23, $0xb8;
	[tilespmem:$0x10800] =	vst v63  }
0x55: {  	_ =	swait.ge [sflag:s17], $0x1A00  }
0x56: {  	[sflag:s17] =	ssyncset.done $0x0  }
0x57: {  	[sflag:s17] =	ssyncadd.s32 $0xFFFFE600  }
0x58: {  	_ =	swait.ge [sflag:s17], $0x1800  }
0x59: {  	[sflag:s17] =	ssyncset.done $0x0  }
0x5a: {  	s22 =	simm.s32 $0x0;
	[sflag:s17] =	ssyncadd.s32 $0xFFFFE800  }
0x5b: {  	v1 =	vld [tilespmem:s22+$0x9600]  }
0x5c: {  	v2 =	vld [tilespmem:s22+$0x9610]  }
0x5d: {  	v9 =	vld [tilespmem:s22+$0x9650]  }
0x5e: {  	v3 =	vld [tilespmem:s22+$0x9640];
	_ =	sdelay $0x2  }
0x5f: {  	v0 =	vimm.f32 $0.0e+00;
	v5 =	vld [tilespmem:s22+$0x9680];
	v6 =	vshll.u32 v1, $0x10  }
0x60: {  	v4 =	vld [tilespmem:s22+$0x9690];
	v1 =	vadd.f32 v1, v0;
	v10 =	vadd.f32 v2, v0;
	v14 =	vshll.u32 v9, $0x10  }
0x61: {  	v8 =	vld [tilespmem:s22+$0x96C0];
	v7 =	vadd.f32 v6, v0;
	v6 =	vshll.u32 v2, $0x10;
	v2 =	vshll.u32 v3, $0x10  }
0x62: {  	v11 =	vadd.f32 v6, v0;
	v6 =	vld [tilespmem:s22+$0x96D0];
	v12 =	vadd.f32 v3, v1;
	v3 =	vimm.f32 $0.0e+00  }
0x63: {  	s23 =	simm.s32 $0x400;
	v1 =	vimm.f32 $0.0e+00;
	v13 =	vadd.f32 v2, v7;
	v7 =	vld [tilespmem:s22+$0x9620];
	v2 =	vimm.f32 $0.0e+00  }
.LBB2_5:
0x64: {  	p1 =	sne.s32 s23, $0xC400;
	v15 =	vld [tilespmem:s22+$0x9630];
	v11 =	vadd.f32 v14, v11;
	v9 =	vadd.f32 v9, v10;
	v10 =	vshll.u32 v5, $0x10  }
0x65: {  	v14 =	vld [tilespmem:s22+$0x9660];
	v10 =	vadd.f32 v10, v13;
	v5 =	vadd.f32 v5, v12;
	v12 =	vshll.u32 v4, $0x10  }
0x66: {  	v13 =	vld [tilespmem:s22+$0x9670];
	v11 =	vadd.f32 v12, v11;
	v4 =	vadd.f32 v4, v9;
	v9 =	vshll.u32 v8, $0x10  }
0x67: {  	v12 =	vld [tilespmem:s22+$0x96A0];
	v10 =	vadd.f32 v9, v10;
	v8 =	vadd.f32 v8, v5;
	v5 =	vshll.u32 v6, $0x10  }
0x68: {  	v9 =	vshll.u32 v7, $0x10;
	v16 =	vld [tilespmem:s22+$0x96B0];
	v11 =	vadd.f32 v5, v11;
	v6 =	vadd.f32 v6, v4  }
0x69: {  	v2 =	vadd.f32 v7, v2;
	v0 =	vadd.f32 v9, v0;
	v4 =	vshll.u32 v15, $0x10;
	v7 =	vld [tilespmem:s22+$0x96E0]  }
0x6a: {  	v1 =	vadd.f32 v15, v1;
	v3 =	vadd.f32 v4, v3;
	v4 =	vshll.u32 v14, $0x10;
	v15 =	vld [tilespmem:s22+$0x96F0];
	s22 =	sshra.s32 s23, $0x2  }
0x6b: {  	v2 =	vadd.f32 v14, v2;
	v17 =	vld [tilespmem:s22+$0x9600];
	v0 =	vadd.f32 v4, v0;
	v4 =	vshll.u32 v13, $0x10  }
0x6c: {  	v1 =	vadd.f32 v13, v1;
	v14 =	vld [tilespmem:s22+$0x9610];
	v3 =	vadd.f32 v4, v3;
	v4 =	vshll.u32 v12, $0x10  }
0x6d: {  	v2 =	vadd.f32 v12, v2;
	v18 =	vld [tilespmem:s22+$0x9640];
	v0 =	vadd.f32 v4, v0;
	v4 =	vshll.u32 v16, $0x10  }
0x6e: {  	v1 =	vadd.f32 v16, v1;
	v9 =	vld [tilespmem:s22+$0x9650];
	v3 =	vadd.f32 v4, v3;
	v4 =	vshll.u32 v7, $0x10  }
.Ltmp3:
0x6f: {  	v2 =	vadd.f32 v7, v2;
	v5 =	vld [tilespmem:s22+$0x9680];
	v0 =	vadd.f32 v4, v0;
	v7 =	vshll.u32 v15, $0x10;
	(pc) =	sbr.rel @p1 .LBB2_5-.Ltmp3, $4  }
0x70: {  	v1 =	vadd.f32 v15, v1;
	v12 =	vshll.u32 v17, $0x10;
	v4 =	vld [tilespmem:s22+$0x9690];
	v3 =	vadd.f32 v7, v3  }
0x71: {  	v15 =	vadd.f32 v17, v8;
	v12 =	vadd.f32 v12, v10;
	v7 =	vshll.u32 v14, $0x10;
	v8 =	vld [tilespmem:s22+$0x96C0]  }
0x72: {  	v10 =	vadd.f32 v14, v6;
	v11 =	vadd.f32 v7, v11;
	v13 =	vshll.u32 v18, $0x10;
	v6 =	vld [tilespmem:s22+$0x96D0]  }
0x73: {  	s23 =	sadd.s32 $0x400, s23;
	v7 =	vld [tilespmem:s22+$0x9620];
	v13 =	vadd.f32 v13, v12;
	v12 =	vadd.f32 v18, v15;
	v14 =	vshll.u32 v9, $0x10  }
0x74: {  	v15 =	vld [tilespmem:s22+$0x9630]  }
0x75: {  	v42 =	vld [tilespmem:s22+$0x9660]  }
0x76: {  	v11 =	vadd.f32 v14, v11;
	v41 =	vshll.u32 v5, $0x10;
	v9 =	vadd.f32 v9, v10;
	v45 =	vld [tilespmem:s22+$0x9670]  }
0x77: {  	v48 =	vld [tilespmem:s22+$0x96A0];
	v13 =	vadd.f32 v41, v13;
	v43 =	vshll.u32 v4, $0x10;
	v44 =	vadd.f32 v5, v12  }
0x78: {  	v51 =	vld [tilespmem:s22+$0x96B0];
	v11 =	vadd.f32 v43, v11;
	v46 =	vshll.u32 v8, $0x10;
	v47 =	vadd.f32 v4, v9  }
0x79: {  	v13 =	vadd.f32 v46, v13;
	v49 =	vshll.u32 v6, $0x10;
	v5 =	vadd.f32 v8, v44  }
0x7a: {  	v53 =	vld [tilespmem:s22+$0x96E0];
	v50 =	vshll.u32 v7, $0x10;
	v11 =	vadd.f32 v49, v11;
	v4 =	vadd.f32 v6, v47  }
0x7b: {  	v2 =	vadd.f32 v7, v2;
	v0 =	vadd.f32 v50, v0;
	v52 =	vshll.u32 v15, $0x10  }
0x7c: {  	v54 =	vshll.u32 v42, $0x10;
	v1 =	vadd.f32 v15, v1;
	v55 =	vshll.u32 v45, $0x10  }
0x7d: {  	v57 =	vshll.u32 v48, $0x10;
	v58 =	vshll.u32 v51, $0x10;
	v2 =	vadd.f32 v42, v2  }
0x7e: {  	v56 =	vld [tilespmem:s22+$0x96F0];
	v59 =	vmul.f32 $4.999999890e-03, v13;
	v3 =	vadd.f32 v52, v3;
	v0 =	vadd.f32 v54, v0  }
0x7f: {  	v60 =	vshll.u32 v53, $0x10;
	v1 =	vadd.f32 v45, v1;
	v2 =	vadd.f32 v48, v2  }
0x80: {  	v5 =	vmul.f32 $4.999999890e-03, v5;
	v3 =	vadd.f32 v55, v3;
	v0 =	vadd.f32 v57, v0  }
0x81: {  	v61 =	vmul.f32 $4.999999890e-03, v11;
	[tilespmem:s21+$0xC880] =	vst v59;
	v1 =	vadd.f32 v51, v1;
	v2 =	vadd.f32 v53, v2  }
0x82: {  	v4 =	vmul.f32 $4.999999890e-03, v4;
	[tilespmem:s21+$0xC8C0] =	vst v5;
	v3 =	vadd.f32 v58, v3;
	v0 =	vadd.f32 v60, v0  }
0x83: {  	v62 =	vshll.u32 v56, $0x10;
	[tilespmem:s21+$0xC890] =	vst v61;
	v1 =	vadd.f32 v56, v1;
	v2 =	vmul.f32 $4.999999890e-03, v2  }
.Ltmp4:
0x84: {  	[tilespmem:s21+$0xC8D0] =	vst v4;
	v3 =	vadd.f32 v62, v3;
	v0 =	vmul.f32 $4.999999890e-03, v0;
	(pc) =	sbr.rel @p0 .LBB2_8-.Ltmp4, $4  }
0x85: {  	v1 =	vmul.f32 $4.999999890e-03, v1;
	[tilespmem:s21+$0xC8E0] =	vst v2  }
0x86: {  	v63 =	vmul.f32 $4.999999890e-03, v3;
	[tilespmem:s21+$0xC8A0] =	vst v0  }
0x87: {  	[tilespmem:s21+$0xC8F0] =	vst v1  }
0x88: {  	[tilespmem:s21+$0xC8B0] =	vst v63  }
0x89: {  	s21 =	smul.u32 $0x640, s20;
	_ =	sdelay $0x1  }
.Ltmp5:
0x8a: {  	s21 =	sshra.s32 s21, $0x2;
	(pc) =	sbr.rel .LBB2_2-.Ltmp5, $4  }
0x8b: {  	s22 =	sadd.s32 $0x258, s21  }
0x8c: {  	[tilespmem:s13], [sflag:$0x2] =	stream.indirect.gather [hbm4b:s3+s8], $0x40, s22, s8, $0xb8;
	[tilespmem:$0x10800] =	vst v63  }
0x8d: {  	s20 =	sadd.s32 $0x1, s20;
	s21 =	sadd.s32 $0x2C0, s21  }
0x8e: {  	[tilespmem:s15], [sflag:$0x2] =	stream.indirect.gather [hbm4b:s3+s10], $0x40, s21, s10, $0xb8;
	[tilespmem:$0x10800] =	vst v63  }
.LBB2_9:
0x8f: {  	_ =	sfence.sel $0x180000  }
0x90: {  	[bflag:$0x0] =	sbarrier.arrive $0xFFFF  }
0x91: {  	p0 =	sne.s32 s0, $0x0;
	_ =	strace $0x9000004A  }
0x92: {  	s0 =	sadd.s32 @!p0 $0x100000, s1;
	[bflag:$0x2] =	sbarrier.arrive $0xFFFF  }
0x93: {  	[sflag:s0] =	ssyncadd.tile.s32 @!p0 $0x1;
	_ =	shalt  }
.Lfunc_end2:
_tile_overlayer_lowered:
.L_overlay_start_2:
0x94: {  	(tag) =	ssettag $0x2  }
0x95: {  	s0 =	rddreg [dreg:$0x0];
	s2 =	stileid.u32  }
0x96: {  	s1 =	rddreg [dreg:$0x1];
	p0 =	sne.s32 s2, $0x0  }
0x97: {  	s3 =	rddreg [dreg:$0x2];
	[bflag:$0x3] =	sbarrier.arrive $0xFFFF;
	s2 =	simm.s32 @!p0 $0x1C03  }
0x98: {  	[timem:s3], [sflag:s2] =	dma.local @!p0 [hbm:s0], s1  }
0x99: {  	s0 =	simm.s32 @!p0 $0x3  }
0x9a: {  	_ =	swait.ge @!p0 [sflag:s0], s1  }
0x9b: {  	s1 =	ssub.s32 @!p0 $0x0, s1;
	[sflag:s0] =	ssyncset.done @!p0 $0x0  }
0x9c: {  	[sflag:s0] =	ssyncadd.s32 @!p0 s1  }
0x9d: {  	[bflag:$0x3] =	sbarrier.arrive $0xFFFF  }
0x9e: {  	_ =	shalt  }

</sc_bundles>
